<compile_context>
chip_gen: v7x
topology: tpu7x:2x2x1
jax: 0.10.2.dev20260603
libtpu: 0.0.44.dev20260713+nightly
codegen_flags: <defaults>
</compile_context>

<pallas_src>
import functools

import jax
import jax.numpy as jnp
from jax import lax
from jax.experimental import pallas as pl
from jax.experimental.pallas import tpu as pltpu
from jax.experimental.pallas import tpu_sc as plsc

N = 16384
D = 64
V = 1000000
DS_W = 128
NBLK_LAST = V // 128

_info = plsc.get_sparse_core_info()
NC, NS = _info.num_cores, _info.num_subcores
NW = NC * NS
B_PER_W = N // NW
CHUNK = 128
NCHUNK = B_PER_W // CHUNK
L = 16
NGROUP = B_PER_W // L
PIPE = 6

_mesh = plsc.VectorSubcoreMesh(core_axis_name="c", subcore_axis_name="s")


@functools.partial(
    pl.kernel,
    mesh=_mesh,
    out_type=jax.ShapeDtypeStruct((N, DS_W), jnp.float32),
    scratch_types=[
        pltpu.VMEM((B_PER_W,), jnp.int32),
        pltpu.SMEM((B_PER_W,), jnp.int32),
        pltpu.SMEM((B_PER_W,), jnp.int32),
        pltpu.SMEM((B_PER_W + 1,), jnp.int32),
        pltpu.VMEM((D, PIPE * 128), jnp.float32),
        pltpu.VMEM((B_PER_W, DS_W), jnp.float32),
        pltpu.SemaphoreType.DMA,
    ],
    compiler_params=pltpu.CompilerParams(
        use_tc_tiling_on_sc=True, needs_layout_passes=False
    ),
)
def _sweep_gather(
    table_hbm, srt_hbm, tail_hbm, ds_hbm, rv, cols, blks, bs, bbuf, rows, sem
):
    wid = lax.axis_index("s") * NC + lax.axis_index("c")
    base = wid * B_PER_W
    pltpu.sync_copy(srt_hbm.at[pl.ds(base, B_PER_W)], rv)
    lane = lax.iota(jnp.int32, L)

    def scan_group(t, carry):
        nb, prev = carry
        rvec = rv[pl.ds(t * L, L)]
        for k in range(L):
            r = lax.squeeze(lax.slice_in_dim(rvec, k, k + 1), (0,))
            c = lax.shift_right_logical(r, 7)
            cols[t * L + k] = r - lax.shift_left(c, 7)
            is_new = c != prev

            @pl.when(is_new)
            def _record():
                blks[nb] = c
                bs[nb] = t * L + k

            nb = nb + is_new.astype(jnp.int32)
            prev = c
        return nb, prev

    nb, _ = lax.fori_loop(0, NGROUP, scan_group, (jnp.int32(0), jnp.int32(-1)))
    bs[nb] = B_PER_W

    def step(i, carry):
        @pl.when(i < nb)
        def _issue():
            c = blks[i]
            slot = pl.multiple_of((lax.rem(i, PIPE)) * 128, 128)

            @pl.when(c == NBLK_LAST)
            def _tail():
                pltpu.async_copy(tail_hbm, bbuf.at[:, pl.ds(slot, 128)], sem)

            @pl.when(c != NBLK_LAST)
            def _full():
                off = pl.multiple_of(lax.shift_left(c, 7), 128)
                pltpu.async_copy(
                    table_hbm.at[:, pl.ds(off, 128)],
                    bbuf.at[:, pl.ds(slot, 128)],
                    sem,
                )

        e = i - (PIPE - 1)

        @pl.when((e >= 0) & (e < nb))
        def _extract():
            pltpu.make_async_copy(
                table_hbm.at[:, pl.ds(0, 128)],
                bbuf.at[:, pl.ds(0, 128)],
                sem,
            ).wait()
            slot_off = lax.rem(e, PIPE) * 128

            def match_body(j, carry2):
                col = cols[j] + slot_off
                colv = jnp.full((L,), col, jnp.int32)
                row_j = jnp.full((L,), j, jnp.int32)
                for g in range(D // L):
                    vals = plsc.load_gather(bbuf, [lane + g * L, colv])
                    plsc.store_scatter(rows, [row_j, lane + g * L], vals)
                return carry2

            lax.fori_loop(bs[e], bs[e + 1], match_body, jnp.int32(0))

        return carry

    lax.fori_loop(0, nb + (PIPE - 1), step, jnp.int32(0))
    pltpu.sync_copy(rows, ds_hbm.at[pl.ds(base, B_PER_W)])


@functools.partial(
    pl.kernel,
    mesh=_mesh,
    out_type=jax.ShapeDtypeStruct((D, N), jnp.float32),
    scratch_types=[
        pltpu.VMEM((B_PER_W,), jnp.int32),
        pltpu.VMEM((B_PER_W, DS_W), jnp.float32),
        pltpu.VMEM((D, B_PER_W), jnp.float32),
        pltpu.SemaphoreType.DMA,
    ],
    compiler_params=pltpu.CompilerParams(needs_layout_passes=False),
)
def _unpermute(ds_hbm, rank_hbm, out_hbm, rank_v, gv, rt, sem):
    wid = lax.axis_index("s") * NC + lax.axis_index("c")
    base = wid * B_PER_W
    pltpu.sync_copy(rank_hbm.at[pl.ds(base, B_PER_W)], rank_v)
    copies = [
        pltpu.async_copy(
            ds_hbm.at[rank_v.at[pl.ds(j * CHUNK, CHUNK)]],
            gv.at[pl.ds(j * CHUNK, CHUNK)],
            sem,
        )
        for j in range(NCHUNK)
    ]
    for c in copies:
        c.wait()
    lane = lax.iota(jnp.int32, L)

    def extract_body(t, carry):
        row_ids = lane + t * L
        for d in range(D):
            vals = plsc.load_gather(gv, [row_ids, jnp.full((L,), d, jnp.int32)])
            rt[d, pl.ds(t * L, L)] = vals
        return carry

    lax.fori_loop(0, NGROUP, extract_body, None)
    pltpu.sync_copy(rt, out_hbm.at[:, pl.ds(base, B_PER_W)])


def kernel(trg, emb_table):
    trg_i = trg.astype(jnp.int32)
    order = jnp.argsort(trg_i).astype(jnp.int32)
    sorted_r = jnp.take(trg_i, order, axis=0)
    rank = (
        jnp.zeros((N,), jnp.int32)
        .at[order]
        .set(jnp.arange(N, dtype=jnp.int32), mode="drop", unique_indices=True)
    )
    tail = jnp.pad(emb_table[NBLK_LAST * 128 :].T, ((0, 0), (0, 128 - (V - NBLK_LAST * 128))))
    ds = _sweep_gather(emb_table.T, sorted_r, tail)
    out_t = _unpermute(ds, rank)
    return out_t.T[:, None, :]

# --- scband reference (transcript-rebuilt; emitter-appended) ---
"""Pipeline reference for scband-speller-27367531610626 (READ-ONLY COPY).

The authoritative reference and input builder live on the scoring server;
editing this copy changes nothing except your own understanding.
"""

import jax, jax.numpy as jnp
import numpy as np

VOCAB = 1000000
NEMD = 64
N = 16384

def setup_inputs(seed: int = 0) -> dict:
    key = jax.random.key(seed)
    k1, k2 = jax.random.split(key)
    trg = jax.random.randint(k1, (N,), 0, VOCAB, dtype=jnp.int64) if jax.config.jax_enable_x64 else jax.random.randint(k1, (N,), 0, VOCAB, dtype=jnp.int32)
    emb_table = jax.random.normal(k2, (VOCAB, NEMD), dtype=jnp.float32)
    return {"trg": trg, "emb_table": emb_table}

def reference(trg, emb_table):
    # trg: [N] -> unsqueeze(1) -> [N, 1]
    trg2 = trg[:, None]
    # nn.Embedding lookup -> [N, 1, nemd]
    embedded = jnp.take(emb_table, trg2, axis=0)
    # dropout in eval mode is identity
    return embedded

if __name__ == "__main__":
    import jax
    _d = setup_inputs()
    print(jax.jit(kernel)(*tuple(_d.values())))

</pallas_src>

<mosaic_0001>
#map = affine_map<(d0, d1) -> (0, 0)>
#map1 = affine_map<(d0, d1) -> (0)>
module attributes {stable_mosaic.version = 14 : i64} {
  func.func @_unpermute(%arg0: i32, %arg1: i32, %arg2: memref<16384x128xf32, #tpu.memory_space<hbm>>, %arg3: memref<16384xi32, #tpu.memory_space<hbm>>, %arg4: memref<64x16384xf32, #tpu.memory_space<hbm>>, %arg5: memref<512xi32, #tpu.memory_space<vmem>>, %arg6: memref<512x128xf32, #tpu.memory_space<vmem>>, %arg7: memref<64x512xf32, #tpu.memory_space<vmem>>, %arg8: memref<!tpu.dma_semaphore, #tpu.memory_space<semaphore_mem>>) attributes {dimension_semantics = [#tpu.dimension_semantics<core_parallel>, #tpu.dimension_semantics<subcore_parallel>], iteration_bounds = array<i64: 2, 16>, scalar_prefetch = 0 : i64, scratch_operands = 4 : i64, tpu.core_type = #tpu.core_type<sc_vector_subcore>, window_params = [{transform_indices = #map}, {transform_indices = #map1}, {transform_indices = #map}]} {
    %mul3A = arith.constant 2 : i32
    %mul3A_0 = arith.muli %arg1, %mul3A : i32
    %add3A = arith.addi %mul3A_0, %arg0 : i32
    %mul3A_1 = arith.constant 512 : i32
    %mul3A_2 = arith.muli %add3A, %mul3A_1 : i32
    "tpu.region"() ({
      %run_scoped3A = tpu.sem_alloc : memref<!tpu.dma_semaphore, #tpu.memory_space<semaphore_mem>>
      %dma_start3A_69 = tpu.memref_slice %arg3[%mul3A_2] : memref<16384xi32, #tpu.memory_space<hbm>> -> memref<512xi32, #tpu.memory_space<hbm>>
      %dma_start3A_70 = tpu.memref_slice %arg3[%mul3A_2] : memref<16384xi32, #tpu.memory_space<hbm>> -> memref<512xi32, #tpu.memory_space<hbm>>
      tpu.enqueue_dma source(%dma_start3A_70 : memref<512xi32, #tpu.memory_space<hbm>>) target(%arg5 : memref<512xi32, #tpu.memory_space<vmem>>) target_semaphore(%run_scoped3A : memref<!tpu.dma_semaphore, #tpu.memory_space<semaphore_mem>>)
      %dma_wait3A_71 = tpu.memref_slice %arg3[%mul3A_2] : memref<16384xi32, #tpu.memory_space<hbm>> -> memref<512xi32, #tpu.memory_space<hbm>>
      %dma_wait3A_72 = tpu.memref_slice %arg3[%mul3A_2] : memref<16384xi32, #tpu.memory_space<hbm>> -> memref<512xi32, #tpu.memory_space<hbm>>
      tpu.wait_dma2 semaphore(%run_scoped3A : memref<!tpu.dma_semaphore, #tpu.memory_space<semaphore_mem>>) src(%dma_wait3A_72 : memref<512xi32, #tpu.memory_space<hbm>>) dst(%arg5 : memref<512xi32, #tpu.memory_space<vmem>>)
      tpu.yield
    }) : () -> ()
    %dma_start3A = arith.constant 0 : i32
    %dma_start3A_3 = arith.constant 0 : i32
    %dma_start3A_4 = tpu.memref_slice %arg6[%dma_start3A, %dma_start3A_3] : memref<512x128xf32, #tpu.memory_space<vmem>> -> memref<128x128xf32, #tpu.memory_space<vmem>>
    %dma_start3A_5 = arith.constant 0 : i32
    %dma_start3A_6 = tpu.memref_slice %arg5[%dma_start3A_5] : memref<512xi32, #tpu.memory_space<vmem>> -> memref<128xi32, #tpu.memory_space<vmem>>
    %dma_start3A_7 = arith.constant 0 : i32
    %dma_start3A_8 = arith.constant 0 : i32
    %dma_start3A_9 = tpu.memref_slice %arg2[%dma_start3A_7, %dma_start3A_8] : memref<16384x128xf32, #tpu.memory_space<hbm>> -> memref<16384x128xf32, #tpu.memory_space<hbm>>
    tpu.enqueue_indirect_dma source(%dma_start3A_9 : memref<16384x128xf32, #tpu.memory_space<hbm>>) target(%dma_start3A_4 : memref<128x128xf32, #tpu.memory_space<vmem>>) offsets(%dma_start3A_6 : memref<128xi32, #tpu.memory_space<vmem>>) semaphore(%arg8 : memref<!tpu.dma_semaphore, #tpu.memory_space<semaphore_mem>>)
    %dma_start3A_10 = arith.constant 128 : i32
    %dma_start3A_11 = arith.constant 0 : i32
    %dma_start3A_12 = tpu.memref_slice %arg6[%dma_start3A_10, %dma_start3A_11] : memref<512x128xf32, #tpu.memory_space<vmem>> -> memref<128x128xf32, #tpu.memory_space<vmem>>
    %dma_start3A_13 = arith.constant 128 : i32
    %dma_start3A_14 = tpu.memref_slice %arg5[%dma_start3A_13] : memref<512xi32, #tpu.memory_space<vmem>> -> memref<128xi32, #tpu.memory_space<vmem>>
    %dma_start3A_15 = arith.constant 0 : i32
    %dma_start3A_16 = arith.constant 0 : i32
    %dma_start3A_17 = tpu.memref_slice %arg2[%dma_start3A_15, %dma_start3A_16] : memref<16384x128xf32, #tpu.memory_space<hbm>> -> memref<16384x128xf32, #tpu.memory_space<hbm>>
    tpu.enqueue_indirect_dma source(%dma_start3A_17 : memref<16384x128xf32, #tpu.memory_space<hbm>>) target(%dma_start3A_12 : memref<128x128xf32, #tpu.memory_space<vmem>>) offsets(%dma_start3A_14 : memref<128xi32, #tpu.memory_space<vmem>>) semaphore(%arg8 : memref<!tpu.dma_semaphore, #tpu.memory_space<semaphore_mem>>)
    %dma_start3A_18 = arith.constant 256 : i32
    %dma_start3A_19 = arith.constant 0 : i32
    %dma_start3A_20 = tpu.memref_slice %arg6[%dma_start3A_18, %dma_start3A_19] : memref<512x128xf32, #tpu.memory_space<vmem>> -> memref<128x128xf32, #tpu.memory_space<vmem>>
    %dma_start3A_21 = arith.constant 256 : i32
    %dma_start3A_22 = tpu.memref_slice %arg5[%dma_start3A_21] : memref<512xi32, #tpu.memory_space<vmem>> -> memref<128xi32, #tpu.memory_space<vmem>>
    %dma_start3A_23 = arith.constant 0 : i32
    %dma_start3A_24 = arith.constant 0 : i32
    %dma_start3A_25 = tpu.memref_slice %arg2[%dma_start3A_23, %dma_start3A_24] : memref<16384x128xf32, #tpu.memory_space<hbm>> -> memref<16384x128xf32, #tpu.memory_space<hbm>>
    tpu.enqueue_indirect_dma source(%dma_start3A_25 : memref<16384x128xf32, #tpu.memory_space<hbm>>) target(%dma_start3A_20 : memref<128x128xf32, #tpu.memory_space<vmem>>) offsets(%dma_start3A_22 : memref<128xi32, #tpu.memory_space<vmem>>) semaphore(%arg8 : memref<!tpu.dma_semaphore, #tpu.memory_space<semaphore_mem>>)
    %dma_start3A_26 = arith.constant 384 : i32
    %dma_start3A_27 = arith.constant 0 : i32
    %dma_start3A_28 = tpu.memref_slice %arg6[%dma_start3A_26, %dma_start3A_27] : memref<512x128xf32, #tpu.memory_space<vmem>> -> memref<128x128xf32, #tpu.memory_space<vmem>>
    %dma_start3A_29 = arith.constant 384 : i32
    %dma_start3A_30 = tpu.memref_slice %arg5[%dma_start3A_29] : memref<512xi32, #tpu.memory_space<vmem>> -> memref<128xi32, #tpu.memory_space<vmem>>
    %dma_start3A_31 = arith.constant 0 : i32
    %dma_start3A_32 = arith.constant 0 : i32
    %dma_start3A_33 = tpu.memref_slice %arg2[%dma_start3A_31, %dma_start3A_32] : memref<16384x128xf32, #tpu.memory_space<hbm>> -> memref<16384x128xf32, #tpu.memory_space<hbm>>
    tpu.enqueue_indirect_dma source(%dma_start3A_33 : memref<16384x128xf32, #tpu.memory_space<hbm>>) target(%dma_start3A_28 : memref<128x128xf32, #tpu.memory_space<vmem>>) offsets(%dma_start3A_30 : memref<128xi32, #tpu.memory_space<vmem>>) semaphore(%arg8 : memref<!tpu.dma_semaphore, #tpu.memory_space<semaphore_mem>>)
    %dma_wait3A = arith.constant 0 : i32
    %dma_wait3A_34 = arith.constant 0 : i32
    %dma_wait3A_35 = tpu.memref_slice %arg6[%dma_wait3A, %dma_wait3A_34] : memref<512x128xf32, #tpu.memory_space<vmem>> -> memref<128x128xf32, #tpu.memory_space<vmem>>
    %dma_wait3A_36 = arith.constant 0 : i32
    %dma_wait3A_37 = tpu.memref_slice %arg5[%dma_wait3A_36] : memref<512xi32, #tpu.memory_space<vmem>> -> memref<128xi32, #tpu.memory_space<vmem>>
    %dma_wait3A_38 = arith.constant 0 : i32
    %dma_wait3A_39 = arith.constant 0 : i32
    %dma_wait3A_40 = tpu.memref_slice %arg2[%dma_wait3A_38, %dma_wait3A_39] : memref<16384x128xf32, #tpu.memory_space<hbm>> -> memref<16384x128xf32, #tpu.memory_space<hbm>>
    tpu.wait_indirect_dma semaphore(%arg8 : memref<!tpu.dma_semaphore, #tpu.memory_space<semaphore_mem>>) src(%dma_wait3A_40 : memref<16384x128xf32, #tpu.memory_space<hbm>>) dst(%dma_wait3A_35 : memref<128x128xf32, #tpu.memory_space<vmem>>)
    %dma_wait3A_41 = arith.constant 128 : i32
    %dma_wait3A_42 = arith.constant 0 : i32
    %dma_wait3A_43 = tpu.memref_slice %arg6[%dma_wait3A_41, %dma_wait3A_42] : memref<512x128xf32, #tpu.memory_space<vmem>> -> memref<128x128xf32, #tpu.memory_space<vmem>>
    %dma_wait3A_44 = arith.constant 128 : i32
    %dma_wait3A_45 = tpu.memref_slice %arg5[%dma_wait3A_44] : memref<512xi32, #tpu.memory_space<vmem>> -> memref<128xi32, #tpu.memory_space<vmem>>
    %dma_wait3A_46 = arith.constant 0 : i32
    %dma_wait3A_47 = arith.constant 0 : i32
    %dma_wait3A_48 = tpu.memref_slice %arg2[%dma_wait3A_46, %dma_wait3A_47] : memref<16384x128xf32, #tpu.memory_space<hbm>> -> memref<16384x128xf32, #tpu.memory_space<hbm>>
    tpu.wait_indirect_dma semaphore(%arg8 : memref<!tpu.dma_semaphore, #tpu.memory_space<semaphore_mem>>) src(%dma_wait3A_48 : memref<16384x128xf32, #tpu.memory_space<hbm>>) dst(%dma_wait3A_43 : memref<128x128xf32, #tpu.memory_space<vmem>>)
    %dma_wait3A_49 = arith.constant 256 : i32
    %dma_wait3A_50 = arith.constant 0 : i32
    %dma_wait3A_51 = tpu.memref_slice %arg6[%dma_wait3A_49, %dma_wait3A_50] : memref<512x128xf32, #tpu.memory_space<vmem>> -> memref<128x128xf32, #tpu.memory_space<vmem>>
    %dma_wait3A_52 = arith.constant 256 : i32
    %dma_wait3A_53 = tpu.memref_slice %arg5[%dma_wait3A_52] : memref<512xi32, #tpu.memory_space<vmem>> -> memref<128xi32, #tpu.memory_space<vmem>>
    %dma_wait3A_54 = arith.constant 0 : i32
    %dma_wait3A_55 = arith.constant 0 : i32
    %dma_wait3A_56 = tpu.memref_slice %arg2[%dma_wait3A_54, %dma_wait3A_55] : memref<16384x128xf32, #tpu.memory_space<hbm>> -> memref<16384x128xf32, #tpu.memory_space<hbm>>
    tpu.wait_indirect_dma semaphore(%arg8 : memref<!tpu.dma_semaphore, #tpu.memory_space<semaphore_mem>>) src(%dma_wait3A_56 : memref<16384x128xf32, #tpu.memory_space<hbm>>) dst(%dma_wait3A_51 : memref<128x128xf32, #tpu.memory_space<vmem>>)
    %dma_wait3A_57 = arith.constant 384 : i32
    %dma_wait3A_58 = arith.constant 0 : i32
    %dma_wait3A_59 = tpu.memref_slice %arg6[%dma_wait3A_57, %dma_wait3A_58] : memref<512x128xf32, #tpu.memory_space<vmem>> -> memref<128x128xf32, #tpu.memory_space<vmem>>
    %dma_wait3A_60 = arith.constant 384 : i32
    %dma_wait3A_61 = tpu.memref_slice %arg5[%dma_wait3A_60] : memref<512xi32, #tpu.memory_space<vmem>> -> memref<128xi32, #tpu.memory_space<vmem>>
    %dma_wait3A_62 = arith.constant 0 : i32
    %dma_wait3A_63 = arith.constant 0 : i32
    %dma_wait3A_64 = tpu.memref_slice %arg2[%dma_wait3A_62, %dma_wait3A_63] : memref<16384x128xf32, #tpu.memory_space<hbm>> -> memref<16384x128xf32, #tpu.memory_space<hbm>>
    tpu.wait_indirect_dma semaphore(%arg8 : memref<!tpu.dma_semaphore, #tpu.memory_space<semaphore_mem>>) src(%dma_wait3A_64 : memref<16384x128xf32, #tpu.memory_space<hbm>>) dst(%dma_wait3A_59 : memref<128x128xf32, #tpu.memory_space<vmem>>)
    %iota3A = tpu.iota {dimensions = array<i32: 0>} : vector<16xi32>
    %scan3A = arith.constant 0 : i32
    %scan3A_65 = arith.constant 32 : i32
    %scan3A_66 = arith.addi %scan3A, %scan3A_65 : i32
    %scan3A_67 = arith.constant 1 : i32
    scf.for %scan3A_69 = %scan3A to %scan3A_66 step %scan3A_67  : i32 {
      %mul3A_70 = arith.constant 16 : i32
      %mul3A_71 = arith.muli %scan3A_69, %mul3A_70 : i32
      %add3A_72 = vector.broadcast %mul3A_71 : i32 to vector<16xi32>
      %add3A_73 = arith.addi %iota3A, %add3A_72 : vector<16xi32>
      %broadcast_in_dim3A = arith.constant 0 : i32
      %broadcast_in_dim3A_74 = vector.broadcast %broadcast_in_dim3A : i32 to vector<16xi32>
      %gather3A = tpu.vector_load_idx %arg6[%add3A_73, %broadcast_in_dim3A_74] : memref<512x128xf32, #tpu.memory_space<vmem>>[vector<16xi32>, vector<16xi32>], vector<16xf32>,
      %mul3A_75 = arith.constant 16 : i32
      %mul3A_76 = arith.muli %scan3A_69, %mul3A_75 : i32
      %swap3A = arith.constant 0 : i32
      %swap3A_77 = arith.index_cast %swap3A : i32 to index
      %swap3A_78 = arith.index_cast %mul3A_76 : i32 to index
      %swap3A_79 = tpu.vector_load %arg7[%swap3A_77, %swap3A_78] {strides = array<i32>} : memref<64x512xf32, #tpu.memory_space<vmem>>, vector<16xf32>,
      tpu.vector_store %arg7[%swap3A_77, %swap3A_78], %gather3A {strides = array<i32>} : memref<64x512xf32, #tpu.memory_space<vmem>>, vector<16xf32>,
      %broadcast_in_dim3A_80 = arith.constant 1 : i32
      %broadcast_in_dim3A_81 = vector.broadcast %broadcast_in_dim3A_80 : i32 to vector<16xi32>
      %gather3A_82 = tpu.vector_load_idx %arg6[%add3A_73, %broadcast_in_dim3A_81] : memref<512x128xf32, #tpu.memory_space<vmem>>[vector<16xi32>, vector<16xi32>], vector<16xf32>,
      %mul3A_83 = arith.constant 16 : i32
      %mul3A_84 = arith.muli %scan3A_69, %mul3A_83 : i32
      %swap3A_85 = arith.constant 1 : i32
      %swap3A_86 = arith.index_cast %swap3A_85 : i32 to index
      %swap3A_87 = arith.index_cast %mul3A_84 : i32 to index
      %swap3A_88 = tpu.vector_load %arg7[%swap3A_86, %swap3A_87] {strides = array<i32>} : memref<64x512xf32, #tpu.memory_space<vmem>>, vector<16xf32>,
      tpu.vector_store %arg7[%swap3A_86, %swap3A_87], %gather3A_82 {strides = array<i32>} : memref<64x512xf32, #tpu.memory_space<vmem>>, vector<16xf32>,
      %broadcast_in_dim3A_89 = arith.constant 2 : i32
      %broadcast_in_dim3A_90 = vector.broadcast %broadcast_in_dim3A_89 : i32 to vector<16xi32>
      %gather3A_91 = tpu.vector_load_idx %arg6[%add3A_73, %broadcast_in_dim3A_90] : memref<512x128xf32, #tpu.memory_space<vmem>>[vector<16xi32>, vector<16xi32>], vector<16xf32>,
      %mul3A_92 = arith.constant 16 : i32
      %mul3A_93 = arith.muli %scan3A_69, %mul3A_92 : i32
      %swap3A_94 = arith.constant 2 : i32
      %swap3A_95 = arith.index_cast %swap3A_94 : i32 to index
      %swap3A_96 = arith.index_cast %mul3A_93 : i32 to index
      %swap3A_97 = tpu.vector_load %arg7[%swap3A_95, %swap3A_96] {strides = array<i32>} : memref<64x512xf32, #tpu.memory_space<vmem>>, vector<16xf32>,
      tpu.vector_store %arg7[%swap3A_95, %swap3A_96], %gather3A_91 {strides = array<i32>} : memref<64x512xf32, #tpu.memory_space<vmem>>, vector<16xf32>,
      %broadcast_in_dim3A_98 = arith.constant 3 : i32
      %broadcast_in_dim3A_99 = vector.broadcast %broadcast_in_dim3A_98 : i32 to vector<16xi32>
      %gather3A_100 = tpu.vector_load_idx %arg6[%add3A_73, %broadcast_in_dim3A_99] : memref<512x128xf32, #tpu.memory_space<vmem>>[vector<16xi32>, vector<16xi32>], vector<16xf32>,
      %mul3A_101 = arith.constant 16 : i32
      %mul3A_102 = arith.muli %scan3A_69, %mul3A_101 : i32
      %swap3A_103 = arith.constant 3 : i32
      %swap3A_104 = arith.index_cast %swap3A_103 : i32 to index
      %swap3A_105 = arith.index_cast %mul3A_102 : i32 to index
      %swap3A_106 = tpu.vector_load %arg7[%swap3A_104, %swap3A_105] {strides = array<i32>} : memref<64x512xf32, #tpu.memory_space<vmem>>, vector<16xf32>,
      tpu.vector_store %arg7[%swap3A_104, %swap3A_105], %gather3A_100 {strides = array<i32>} : memref<64x512xf32, #tpu.memory_space<vmem>>, vector<16xf32>,
      %broadcast_in_dim3A_107 = arith.constant 4 : i32
      %broadcast_in_dim3A_108 = vector.broadcast %broadcast_in_dim3A_107 : i32 to vector<16xi32>
      %gather3A_109 = tpu.vector_load_idx %arg6[%add3A_73, %broadcast_in_dim3A_108] : memref<512x128xf32, #tpu.memory_space<vmem>>[vector<16xi32>, vector<16xi32>], vector<16xf32>,
      %mul3A_110 = arith.constant 16 : i32
      %mul3A_111 = arith.muli %scan3A_69, %mul3A_110 : i32
      %swap3A_112 = arith.constant 4 : i32
      %swap3A_113 = arith.index_cast %swap3A_112 : i32 to index
      %swap3A_114 = arith.index_cast %mul3A_111 : i32 to index
      %swap3A_115 = tpu.vector_load %arg7[%swap3A_113, %swap3A_114] {strides = array<i32>} : memref<64x512xf32, #tpu.memory_space<vmem>>, vector<16xf32>,
      tpu.vector_store %arg7[%swap3A_113, %swap3A_114], %gather3A_109 {strides = array<i32>} : memref<64x512xf32, #tpu.memory_space<vmem>>, vector<16xf32>,
      %broadcast_in_dim3A_116 = arith.constant 5 : i32
      %broadcast_in_dim3A_117 = vector.broadcast %broadcast_in_dim3A_116 : i32 to vector<16xi32>
      %gather3A_118 = tpu.vector_load_idx %arg6[%add3A_73, %broadcast_in_dim3A_117] : memref<512x128xf32, #tpu.memory_space<vmem>>[vector<16xi32>, vector<16xi32>], vector<16xf32>,
      %mul3A_119 = arith.constant 16 : i32
      %mul3A_120 = arith.muli %scan3A_69, %mul3A_119 : i32
      %swap3A_121 = arith.constant 5 : i32
      %swap3A_122 = arith.index_cast %swap3A_121 : i32 to index
      %swap3A_123 = arith.index_cast %mul3A_120 : i32 to index
      %swap3A_124 = tpu.vector_load %arg7[%swap3A_122, %swap3A_123] {strides = array<i32>} : memref<64x512xf32, #tpu.memory_space<vmem>>, vector<16xf32>,
      tpu.vector_store %arg7[%swap3A_122, %swap3A_123], %gather3A_118 {strides = array<i32>} : memref<64x512xf32, #tpu.memory_space<vmem>>, vector<16xf32>,
      %broadcast_in_dim3A_125 = arith.constant 6 : i32
      %broadcast_in_dim3A_126 = vector.broadcast %broadcast_in_dim3A_125 : i32 to vector<16xi32>
      %gather3A_127 = tpu.vector_load_idx %arg6[%add3A_73, %broadcast_in_dim3A_126] : memref<512x128xf32, #tpu.memory_space<vmem>>[vector<16xi32>, vector<16xi32>], vector<16xf32>,
      %mul3A_128 = arith.constant 16 : i32
      %mul3A_129 = arith.muli %scan3A_69, %mul3A_128 : i32
      %swap3A_130 = arith.constant 6 : i32
      %swap3A_131 = arith.index_cast %swap3A_130 : i32 to index
      %swap3A_132 = arith.index_cast %mul3A_129 : i32 to index
      %swap3A_133 = tpu.vector_load %arg7[%swap3A_131, %swap3A_132] {strides = array<i32>} : memref<64x512xf32, #tpu.memory_space<vmem>>, vector<16xf32>,
      tpu.vector_store %arg7[%swap3A_131, %swap3A_132], %gather3A_127 {strides = array<i32>} : memref<64x512xf32, #tpu.memory_space<vmem>>, vector<16xf32>,
      %broadcast_in_dim3A_134 = arith.constant 7 : i32
      %broadcast_in_dim3A_135 = vector.broadcast %broadcast_in_dim3A_134 : i32 to vector<16xi32>
      %gather3A_136 = tpu.vector_load_idx %arg6[%add3A_73, %broadcast_in_dim3A_135] : memref<512x128xf32, #tpu.memory_space<vmem>>[vector<16xi32>, vector<16xi32>], vector<16xf32>,
      %mul3A_137 = arith.constant 16 : i32
      %mul3A_138 = arith.muli %scan3A_69, %mul3A_137 : i32
      %swap3A_139 = arith.constant 7 : i32
      %swap3A_140 = arith.index_cast %swap3A_139 : i32 to index
      %swap3A_141 = arith.index_cast %mul3A_138 : i32 to index
      %swap3A_142 = tpu.vector_load %arg7[%swap3A_140, %swap3A_141] {strides = array<i32>} : memref<64x512xf32, #tpu.memory_space<vmem>>, vector<16xf32>,
      tpu.vector_store %arg7[%swap3A_140, %swap3A_141], %gather3A_136 {strides = array<i32>} : memref<64x512xf32, #tpu.memory_space<vmem>>, vector<16xf32>,
      %broadcast_in_dim3A_143 = arith.constant 8 : i32
      %broadcast_in_dim3A_144 = vector.broadcast %broadcast_in_dim3A_143 : i32 to vector<16xi32>
      %gather3A_145 = tpu.vector_load_idx %arg6[%add3A_73, %broadcast_in_dim3A_144] : memref<512x128xf32, #tpu.memory_space<vmem>>[vector<16xi32>, vector<16xi32>], vector<16xf32>,
      %mul3A_146 = arith.constant 16 : i32
      %mul3A_147 = arith.muli %scan3A_69, %mul3A_146 : i32
      %swap3A_148 = arith.constant 8 : i32
      %swap3A_149 = arith.index_cast %swap3A_148 : i32 to index
      %swap3A_150 = arith.index_cast %mul3A_147 : i32 to index
      %swap3A_151 = tpu.vector_load %arg7[%swap3A_149, %swap3A_150] {strides = array<i32>} : memref<64x512xf32, #tpu.memory_space<vmem>>, vector<16xf32>,
      tpu.vector_store %arg7[%swap3A_149, %swap3A_150], %gather3A_145 {strides = array<i32>} : memref<64x512xf32, #tpu.memory_space<vmem>>, vector<16xf32>,
      %broadcast_in_dim3A_152 = arith.constant 9 : i32
      %broadcast_in_dim3A_153 = vector.broadcast %broadcast_in_dim3A_152 : i32 to vector<16xi32>
      %gather3A_154 = tpu.vector_load_idx %arg6[%add3A_73, %broadcast_in_dim3A_153] : memref<512x128xf32, #tpu.memory_space<vmem>>[vector<16xi32>, vector<16xi32>], vector<16xf32>,
      %mul3A_155 = arith.constant 16 : i32
      %mul3A_156 = arith.muli %scan3A_69, %mul3A_155 : i32
      %swap3A_157 = arith.constant 9 : i32
      %swap3A_158 = arith.index_cast %swap3A_157 : i32 to index
      %swap3A_159 = arith.index_cast %mul3A_156 : i32 to index
      %swap3A_160 = tpu.vector_load %arg7[%swap3A_158, %swap3A_159] {strides = array<i32>} : memref<64x512xf32, #tpu.memory_space<vmem>>, vector<16xf32>,
      tpu.vector_store %arg7[%swap3A_158, %swap3A_159], %gather3A_154 {strides = array<i32>} : memref<64x512xf32, #tpu.memory_space<vmem>>, vector<16xf32>,
      %broadcast_in_dim3A_161 = arith.constant 10 : i32
      %broadcast_in_dim3A_162 = vector.broadcast %broadcast_in_dim3A_161 : i32 to vector<16xi32>
      %gather3A_163 = tpu.vector_load_idx %arg6[%add3A_73, %broadcast_in_dim3A_162] : memref<512x128xf32, #tpu.memory_space<vmem>>[vector<16xi32>, vector<16xi32>], vector<16xf32>,
      %mul3A_164 = arith.constant 16 : i32
      %mul3A_165 = arith.muli %scan3A_69, %mul3A_164 : i32
      %swap3A_166 = arith.constant 10 : i32
      %swap3A_167 = arith.index_cast %swap3A_166 : i32 to index
      %swap3A_168 = arith.index_cast %mul3A_165 : i32 to index
      %swap3A_169 = tpu.vector_load %arg7[%swap3A_167, %swap3A_168] {strides = array<i32>} : memref<64x512xf32, #tpu.memory_space<vmem>>, vector<16xf32>,
      tpu.vector_store %arg7[%swap3A_167, %swap3A_168], %gather3A_163 {strides = array<i32>} : memref<64x512xf32, #tpu.memory_space<vmem>>, vector<16xf32>,
      %broadcast_in_dim3A_170 = arith.constant 11 : i32
      %broadcast_in_dim3A_171 = vector.broadcast %broadcast_in_dim3A_170 : i32 to vector<16xi32>
      %gather3A_172 = tpu.vector_load_idx %arg6[%add3A_73, %broadcast_in_dim3A_171] : memref<512x128xf32, #tpu.memory_space<vmem>>[vector<16xi32>, vector<16xi32>], vector<16xf32>,
      %mul3A_173 = arith.constant 16 : i32
      %mul3A_174 = arith.muli %scan3A_69, %mul3A_173 : i32
      %swap3A_175 = arith.constant 11 : i32
      %swap3A_176 = arith.index_cast %swap3A_175 : i32 to index
      %swap3A_177 = arith.index_cast %mul3A_174 : i32 to index
      %swap3A_178 = tpu.vector_load %arg7[%swap3A_176, %swap3A_177] {strides = array<i32>} : memref<64x512xf32, #tpu.memory_space<vmem>>, vector<16xf32>,
      tpu.vector_store %arg7[%swap3A_176, %swap3A_177], %gather3A_172 {strides = array<i32>} : memref<64x512xf32, #tpu.memory_space<vmem>>, vector<16xf32>,
      %broadcast_in_dim3A_179 = arith.constant 12 : i32
      %broadcast_in_dim3A_180 = vector.broadcast %broadcast_in_dim3A_179 : i32 to vector<16xi32>
      %gather3A_181 = tpu.vector_load_idx %arg6[%add3A_73, %broadcast_in_dim3A_180] : memref<512x128xf32, #tpu.memory_space<vmem>>[vector<16xi32>, vector<16xi32>], vector<16xf32>,
      %mul3A_182 = arith.constant 16 : i32
      %mul3A_183 = arith.muli %scan3A_69, %mul3A_182 : i32
      %swap3A_184 = arith.constant 12 : i32
      %swap3A_185 = arith.index_cast %swap3A_184 : i32 to index
      %swap3A_186 = arith.index_cast %mul3A_183 : i32 to index
      %swap3A_187 = tpu.vector_load %arg7[%swap3A_185, %swap3A_186] {strides = array<i32>} : memref<64x512xf32, #tpu.memory_space<vmem>>, vector<16xf32>,
      tpu.vector_store %arg7[%swap3A_185, %swap3A_186], %gather3A_181 {strides = array<i32>} : memref<64x512xf32, #tpu.memory_space<vmem>>, vector<16xf32>,
      %broadcast_in_dim3A_188 = arith.constant 13 : i32
      %broadcast_in_dim3A_189 = vector.broadcast %broadcast_in_dim3A_188 : i32 to vector<16xi32>
      %gather3A_190 = tpu.vector_load_idx %arg6[%add3A_73, %broadcast_in_dim3A_189] : memref<512x128xf32, #tpu.memory_space<vmem>>[vector<16xi32>, vector<16xi32>], vector<16xf32>,
      %mul3A_191 = arith.constant 16 : i32
      %mul3A_192 = arith.muli %scan3A_69, %mul3A_191 : i32
      %swap3A_193 = arith.constant 13 : i32
      %swap3A_194 = arith.index_cast %swap3A_193 : i32 to index
      %swap3A_195 = arith.index_cast %mul3A_192 : i32 to index
      %swap3A_196 = tpu.vector_load %arg7[%swap3A_194, %swap3A_195] {strides = array<i32>} : memref<64x512xf32, #tpu.memory_space<vmem>>, vector<16xf32>,
      tpu.vector_store %arg7[%swap3A_194, %swap3A_195], %gather3A_190 {strides = array<i32>} : memref<64x512xf32, #tpu.memory_space<vmem>>, vector<16xf32>,
      %broadcast_in_dim3A_197 = arith.constant 14 : i32
      %broadcast_in_dim3A_198 = vector.broadcast %broadcast_in_dim3A_197 : i32 to vector<16xi32>
      %gather3A_199 = tpu.vector_load_idx %arg6[%add3A_73, %broadcast_in_dim3A_198] : memref<512x128xf32, #tpu.memory_space<vmem>>[vector<16xi32>, vector<16xi32>], vector<16xf32>,
      %mul3A_200 = arith.constant 16 : i32
      %mul3A_201 = arith.muli %scan3A_69, %mul3A_200 : i32
      %swap3A_202 = arith.constant 14 : i32
      %swap3A_203 = arith.index_cast %swap3A_202 : i32 to index
      %swap3A_204 = arith.index_cast %mul3A_201 : i32 to index
      %swap3A_205 = tpu.vector_load %arg7[%swap3A_203, %swap3A_204] {strides = array<i32>} : memref<64x512xf32, #tpu.memory_space<vmem>>, vector<16xf32>,
      tpu.vector_store %arg7[%swap3A_203, %swap3A_204], %gather3A_199 {strides = array<i32>} : memref<64x512xf32, #tpu.memory_space<vmem>>, vector<16xf32>,
      %broadcast_in_dim3A_206 = arith.constant 15 : i32
      %broadcast_in_dim3A_207 = vector.broadcast %broadcast_in_dim3A_206 : i32 to vector<16xi32>
      %gather3A_208 = tpu.vector_load_idx %arg6[%add3A_73, %broadcast_in_dim3A_207] : memref<512x128xf32, #tpu.memory_space<vmem>>[vector<16xi32>, vector<16xi32>], vector<16xf32>,
      %mul3A_209 = arith.constant 16 : i32
      %mul3A_210 = arith.muli %scan3A_69, %mul3A_209 : i32
      %swap3A_211 = arith.constant 15 : i32
      %swap3A_212 = arith.index_cast %swap3A_211 : i32 to index
      %swap3A_213 = arith.index_cast %mul3A_210 : i32 to index
      %swap3A_214 = tpu.vector_load %arg7[%swap3A_212, %swap3A_213] {strides = array<i32>} : memref<64x512xf32, #tpu.memory_space<vmem>>, vector<16xf32>,
      tpu.vector_store %arg7[%swap3A_212, %swap3A_213], %gather3A_208 {strides = array<i32>} : memref<64x512xf32, #tpu.memory_space<vmem>>, vector<16xf32>,
      %broadcast_in_dim3A_215 = arith.constant 16 : i32
      %broadcast_in_dim3A_216 = vector.broadcast %broadcast_in_dim3A_215 : i32 to vector<16xi32>
      %gather3A_217 = tpu.vector_load_idx %arg6[%add3A_73, %broadcast_in_dim3A_216] : memref<512x128xf32, #tpu.memory_space<vmem>>[vector<16xi32>, vector<16xi32>], vector<16xf32>,
      %mul3A_218 = arith.constant 16 : i32
      %mul3A_219 = arith.muli %scan3A_69, %mul3A_218 : i32
      %swap3A_220 = arith.constant 16 : i32
      %swap3A_221 = arith.index_cast %swap3A_220 : i32 to index
      %swap3A_222 = arith.index_cast %mul3A_219 : i32 to index
      %swap3A_223 = tpu.vector_load %arg7[%swap3A_221, %swap3A_222] {strides = array<i32>} : memref<64x512xf32, #tpu.memory_space<vmem>>, vector<16xf32>,
      tpu.vector_store %arg7[%swap3A_221, %swap3A_222], %gather3A_217 {strides = array<i32>} : memref<64x512xf32, #tpu.memory_space<vmem>>, vector<16xf32>,
      %broadcast_in_dim3A_224 = arith.constant 17 : i32
      %broadcast_in_dim3A_225 = vector.broadcast %broadcast_in_dim3A_224 : i32 to vector<16xi32>
      %gather3A_226 = tpu.vector_load_idx %arg6[%add3A_73, %broadcast_in_dim3A_225] : memref<512x128xf32, #tpu.memory_space<vmem>>[vector<16xi32>, vector<16xi32>], vector<16xf32>,
      %mul3A_227 = arith.constant 16 : i32
      %mul3A_228 = arith.muli %scan3A_69, %mul3A_227 : i32
      %swap3A_229 = arith.constant 17 : i32
      %swap3A_230 = arith.index_cast %swap3A_229 : i32 to index
      %swap3A_231 = arith.index_cast %mul3A_228 : i32 to index
      %swap3A_232 = tpu.vector_load %arg7[%swap3A_230, %swap3A_231] {strides = array<i32>} : memref<64x512xf32, #tpu.memory_space<vmem>>, vector<16xf32>,
      tpu.vector_store %arg7[%swap3A_230, %swap3A_231], %gather3A_226 {strides = array<i32>} : memref<64x512xf32, #tpu.memory_space<vmem>>, vector<16xf32>,
      %broadcast_in_dim3A_233 = arith.constant 18 : i32
      %broadcast_in_dim3A_234 = vector.broadcast %broadcast_in_dim3A_233 : i32 to vector<16xi32>
      %gather3A_235 = tpu.vector_load_idx %arg6[%add3A_73, %broadcast_in_dim3A_234] : memref<512x128xf32, #tpu.memory_space<vmem>>[vector<16xi32>, vector<16xi32>], vector<16xf32>,
      %mul3A_236 = arith.constant 16 : i32
      %mul3A_237 = arith.muli %scan3A_69, %mul3A_236 : i32
      %swap3A_238 = arith.constant 18 : i32
      %swap3A_239 = arith.index_cast %swap3A_238 : i32 to index
      %swap3A_240 = arith.index_cast %mul3A_237 : i32 to index
      %swap3A_241 = tpu.vector_load %arg7[%swap3A_239, %swap3A_240] {strides = array<i32>} : memref<64x512xf32, #tpu.memory_space<vmem>>, vector<16xf32>,
      tpu.vector_store %arg7[%swap3A_239, %swap3A_240], %gather3A_235 {strides = array<i32>} : memref<64x512xf32, #tpu.memory_space<vmem>>, vector<16xf32>,
      %broadcast_in_dim3A_242 = arith.constant 19 : i32
      %broadcast_in_dim3A_243 = vector.broadcast %broadcast_in_dim3A_242 : i32 to vector<16xi32>
      %gather3A_244 = tpu.vector_load_idx %arg6[%add3A_73, %broadcast_in_dim3A_243] : memref<512x128xf32, #tpu.memory_space<vmem>>[vector<16xi32>, vector<16xi32>], vector<16xf32>,
      %mul3A_245 = arith.constant 16 : i32
      %mul3A_246 = arith.muli %scan3A_69, %mul3A_245 : i32
      %swap3A_247 = arith.constant 19 : i32
      %swap3A_248 = arith.index_cast %swap3A_247 : i32 to index
      %swap3A_249 = arith.index_cast %mul3A_246 : i32 to index
      %swap3A_250 = tpu.vector_load %arg7[%swap3A_248, %swap3A_249] {strides = array<i32>} : memref<64x512xf32, #tpu.memory_space<vmem>>, vector<16xf32>,
      tpu.vector_store %arg7[%swap3A_248, %swap3A_249], %gather3A_244 {strides = array<i32>} : memref<64x512xf32, #tpu.memory_space<vmem>>, vector<16xf32>,
      %broadcast_in_dim3A_251 = arith.constant 20 : i32
      %broadcast_in_dim3A_252 = vector.broadcast %broadcast_in_dim3A_251 : i32 to vector<16xi32>
      %gather3A_253 = tpu.vector_load_idx %arg6[%add3A_73, %broadcast_in_dim3A_252] : memref<512x128xf32, #tpu.memory_space<vmem>>[vector<16xi32>, vector<16xi32>], vector<16xf32>,
      %mul3A_254 = arith.constant 16 : i32
      %mul3A_255 = arith.muli %scan3A_69, %mul3A_254 : i32
      %swap3A_256 = arith.constant 20 : i32
      %swap3A_257 = arith.index_cast %swap3A_256 : i32 to index
      %swap3A_258 = arith.index_cast %mul3A_255 : i32 to index
      %swap3A_259 = tpu.vector_load %arg7[%swap3A_257, %swap3A_258] {strides = array<i32>} : memref<64x512xf32, #tpu.memory_space<vmem>>, vector<16xf32>,
      tpu.vector_store %arg7[%swap3A_257, %swap3A_258], %gather3A_253 {strides = array<i32>} : memref<64x512xf32, #tpu.memory_space<vmem>>, vector<16xf32>,
      %broadcast_in_dim3A_260 = arith.constant 21 : i32
      %broadcast_in_dim3A_261 = vector.broadcast %broadcast_in_dim3A_260 : i32 to vector<16xi32>
      %gather3A_262 = tpu.vector_load_idx %arg6[%add3A_73, %broadcast_in_dim3A_261] : memref<512x128xf32, #tpu.memory_space<vmem>>[vector<16xi32>, vector<16xi32>], vector<16xf32>,
      %mul3A_263 = arith.constant 16 : i32
      %mul3A_264 = arith.muli %scan3A_69, %mul3A_263 : i32
      %swap3A_265 = arith.constant 21 : i32
      %swap3A_266 = arith.index_cast %swap3A_265 : i32 to index
      %swap3A_267 = arith.index_cast %mul3A_264 : i32 to index
      %swap3A_268 = tpu.vector_load %arg7[%swap3A_266, %swap3A_267] {strides = array<i32>} : memref<64x512xf32, #tpu.memory_space<vmem>>, vector<16xf32>,
      tpu.vector_store %arg7[%swap3A_266, %swap3A_267], %gather3A_262 {strides = array<i32>} : memref<64x512xf32, #tpu.memory_space<vmem>>, vector<16xf32>,
      %broadcast_in_dim3A_269 = arith.constant 22 : i32
      %broadcast_in_dim3A_270 = vector.broadcast %broadcast_in_dim3A_269 : i32 to vector<16xi32>
      %gather3A_271 = tpu.vector_load_idx %arg6[%add3A_73, %broadcast_in_dim3A_270] : memref<512x128xf32, #tpu.memory_space<vmem>>[vector<16xi32>, vector<16xi32>], vector<16xf32>,
      %mul3A_272 = arith.constant 16 : i32
      %mul3A_273 = arith.muli %scan3A_69, %mul3A_272 : i32
      %swap3A_274 = arith.constant 22 : i32
      %swap3A_275 = arith.index_cast %swap3A_274 : i32 to index
      %swap3A_276 = arith.index_cast %mul3A_273 : i32 to index
      %swap3A_277 = tpu.vector_load %arg7[%swap3A_275, %swap3A_276] {strides = array<i32>} : memref<64x512xf32, #tpu.memory_space<vmem>>, vector<16xf32>,
      tpu.vector_store %arg7[%swap3A_275, %swap3A_276], %gather3A_271 {strides = array<i32>} : memref<64x512xf32, #tpu.memory_space<vmem>>, vector<16xf32>,
      %broadcast_in_dim3A_278 = arith.constant 23 : i32
      %broadcast_in_dim3A_279 = vector.broadcast %broadcast_in_dim3A_278 : i32 to vector<16xi32>
      %gather3A_280 = tpu.vector_load_idx %arg6[%add3A_73, %broadcast_in_dim3A_279] : memref<512x128xf32, #tpu.memory_space<vmem>>[vector<16xi32>, vector<16xi32>], vector<16xf32>,
      %mul3A_281 = arith.constant 16 : i32
      %mul3A_282 = arith.muli %scan3A_69, %mul3A_281 : i32
      %swap3A_283 = arith.constant 23 : i32
      %swap3A_284 = arith.index_cast %swap3A_283 : i32 to index
      %swap3A_285 = arith.index_cast %mul3A_282 : i32 to index
      %swap3A_286 = tpu.vector_load %arg7[%swap3A_284, %swap3A_285] {strides = array<i32>} : memref<64x512xf32, #tpu.memory_space<vmem>>, vector<16xf32>,
      tpu.vector_store %arg7[%swap3A_284, %swap3A_285], %gather3A_280 {strides = array<i32>} : memref<64x512xf32, #tpu.memory_space<vmem>>, vector<16xf32>,
      %broadcast_in_dim3A_287 = arith.constant 24 : i32
      %broadcast_in_dim3A_288 = vector.broadcast %broadcast_in_dim3A_287 : i32 to vector<16xi32>
      %gather3A_289 = tpu.vector_load_idx %arg6[%add3A_73, %broadcast_in_dim3A_288] : memref<512x128xf32, #tpu.memory_space<vmem>>[vector<16xi32>, vector<16xi32>], vector<16xf32>,
      %mul3A_290 = arith.constant 16 : i32
      %mul3A_291 = arith.muli %scan3A_69, %mul3A_290 : i32
      %swap3A_292 = arith.constant 24 : i32
      %swap3A_293 = arith.index_cast %swap3A_292 : i32 to index
      %swap3A_294 = arith.index_cast %mul3A_291 : i32 to index
      %swap3A_295 = tpu.vector_load %arg7[%swap3A_293, %swap3A_294] {strides = array<i32>} : memref<64x512xf32, #tpu.memory_space<vmem>>, vector<16xf32>,
      tpu.vector_store %arg7[%swap3A_293, %swap3A_294], %gather3A_289 {strides = array<i32>} : memref<64x512xf32, #tpu.memory_space<vmem>>, vector<16xf32>,
      %broadcast_in_dim3A_296 = arith.constant 25 : i32
      %broadcast_in_dim3A_297 = vector.broadcast %broadcast_in_dim3A_296 : i32 to vector<16xi32>
      %gather3A_298 = tpu.vector_load_idx %arg6[%add3A_73, %broadcast_in_dim3A_297] : memref<512x128xf32, #tpu.memory_space<vmem>>[vector<16xi32>, vector<16xi32>], vector<16xf32>,
      %mul3A_299 = arith.constant 16 : i32
      %mul3A_300 = arith.muli %scan3A_69, %mul3A_299 : i32
      %swap3A_301 = arith.constant 25 : i32
      %swap3A_302 = arith.index_cast %swap3A_301 : i32 to index
      %swap3A_303 = arith.index_cast %mul3A_300 : i32 to index
      %swap3A_304 = tpu.vector_load %arg7[%swap3A_302, %swap3A_303] {strides = array<i32>} : memref<64x512xf32, #tpu.memory_space<vmem>>, vector<16xf32>,
      tpu.vector_store %arg7[%swap3A_302, %swap3A_303], %gather3A_298 {strides = array<i32>} : memref<64x512xf32, #tpu.memory_space<vmem>>, vector<16xf32>,
      %broadcast_in_dim3A_305 = arith.constant 26 : i32
      %broadcast_in_dim3A_306 = vector.broadcast %broadcast_in_dim3A_305 : i32 to vector<16xi32>
      %gather3A_307 = tpu.vector_load_idx %arg6[%add3A_73, %broadcast_in_dim3A_306] : memref<512x128xf32, #tpu.memory_space<vmem>>[vector<16xi32>, vector<16xi32>], vector<16xf32>,
      %mul3A_308 = arith.constant 16 : i32
      %mul3A_309 = arith.muli %scan3A_69, %mul3A_308 : i32
      %swap3A_310 = arith.constant 26 : i32
      %swap3A_311 = arith.index_cast %swap3A_310 : i32 to index
      %swap3A_312 = arith.index_cast %mul3A_309 : i32 to index
      %swap3A_313 = tpu.vector_load %arg7[%swap3A_311, %swap3A_312] {strides = array<i32>} : memref<64x512xf32, #tpu.memory_space<vmem>>, vector<16xf32>,
      tpu.vector_store %arg7[%swap3A_311, %swap3A_312], %gather3A_307 {strides = array<i32>} : memref<64x512xf32, #tpu.memory_space<vmem>>, vector<16xf32>,
      %broadcast_in_dim3A_314 = arith.constant 27 : i32
      %broadcast_in_dim3A_315 = vector.broadcast %broadcast_in_dim3A_314 : i32 to vector<16xi32>
      %gather3A_316 = tpu.vector_load_idx %arg6[%add3A_73, %broadcast_in_dim3A_315] : memref<512x128xf32, #tpu.memory_space<vmem>>[vector<16xi32>, vector<16xi32>], vector<16xf32>,
      %mul3A_317 = arith.constant 16 : i32
      %mul3A_318 = arith.muli %scan3A_69, %mul3A_317 : i32
      %swap3A_319 = arith.constant 27 : i32
      %swap3A_320 = arith.index_cast %swap3A_319 : i32 to index
      %swap3A_321 = arith.index_cast %mul3A_318 : i32 to index
      %swap3A_322 = tpu.vector_load %arg7[%swap3A_320, %swap3A_321] {strides = array<i32>} : memref<64x512xf32, #tpu.memory_space<vmem>>, vector<16xf32>,
      tpu.vector_store %arg7[%swap3A_320, %swap3A_321], %gather3A_316 {strides = array<i32>} : memref<64x512xf32, #tpu.memory_space<vmem>>, vector<16xf32>,
      %broadcast_in_dim3A_323 = arith.constant 28 : i32
      %broadcast_in_dim3A_324 = vector.broadcast %broadcast_in_dim3A_323 : i32 to vector<16xi32>
      %gather3A_325 = tpu.vector_load_idx %arg6[%add3A_73, %broadcast_in_dim3A_324] : memref<512x128xf32, #tpu.memory_space<vmem>>[vector<16xi32>, vector<16xi32>], vector<16xf32>,
      %mul3A_326 = arith.constant 16 : i32
      %mul3A_327 = arith.muli %scan3A_69, %mul3A_326 : i32
      %swap3A_328 = arith.constant 28 : i32
      %swap3A_329 = arith.index_cast %swap3A_328 : i32 to index
      %swap3A_330 = arith.index_cast %mul3A_327 : i32 to index
      %swap3A_331 = tpu.vector_load %arg7[%swap3A_329, %swap3A_330] {strides = array<i32>} : memref<64x512xf32, #tpu.memory_space<vmem>>, vector<16xf32>,
      tpu.vector_store %arg7[%swap3A_329, %swap3A_330], %gather3A_325 {strides = array<i32>} : memref<64x512xf32, #tpu.memory_space<vmem>>, vector<16xf32>,
      %broadcast_in_dim3A_332 = arith.constant 29 : i32
      %broadcast_in_dim3A_333 = vector.broadcast %broadcast_in_dim3A_332 : i32 to vector<16xi32>
      %gather3A_334 = tpu.vector_load_idx %arg6[%add3A_73, %broadcast_in_dim3A_333] : memref<512x128xf32, #tpu.memory_space<vmem>>[vector<16xi32>, vector<16xi32>], vector<16xf32>,
      %mul3A_335 = arith.constant 16 : i32
      %mul3A_336 = arith.muli %scan3A_69, %mul3A_335 : i32
      %swap3A_337 = arith.constant 29 : i32
      %swap3A_338 = arith.index_cast %swap3A_337 : i32 to index
      %swap3A_339 = arith.index_cast %mul3A_336 : i32 to index
      %swap3A_340 = tpu.vector_load %arg7[%swap3A_338, %swap3A_339] {strides = array<i32>} : memref<64x512xf32, #tpu.memory_space<vmem>>, vector<16xf32>,
      tpu.vector_store %arg7[%swap3A_338, %swap3A_339], %gather3A_334 {strides = array<i32>} : memref<64x512xf32, #tpu.memory_space<vmem>>, vector<16xf32>,
      %broadcast_in_dim3A_341 = arith.constant 30 : i32
      %broadcast_in_dim3A_342 = vector.broadcast %broadcast_in_dim3A_341 : i32 to vector<16xi32>
      %gather3A_343 = tpu.vector_load_idx %arg6[%add3A_73, %broadcast_in_dim3A_342] : memref<512x128xf32, #tpu.memory_space<vmem>>[vector<16xi32>, vector<16xi32>], vector<16xf32>,
      %mul3A_344 = arith.constant 16 : i32
      %mul3A_345 = arith.muli %scan3A_69, %mul3A_344 : i32
      %swap3A_346 = arith.constant 30 : i32
      %swap3A_347 = arith.index_cast %swap3A_346 : i32 to index
      %swap3A_348 = arith.index_cast %mul3A_345 : i32 to index
      %swap3A_349 = tpu.vector_load %arg7[%swap3A_347, %swap3A_348] {strides = array<i32>} : memref<64x512xf32, #tpu.memory_space<vmem>>, vector<16xf32>,
      tpu.vector_store %arg7[%swap3A_347, %swap3A_348], %gather3A_343 {strides = array<i32>} : memref<64x512xf32, #tpu.memory_space<vmem>>, vector<16xf32>,
      %broadcast_in_dim3A_350 = arith.constant 31 : i32
      %broadcast_in_dim3A_351 = vector.broadcast %broadcast_in_dim3A_350 : i32 to vector<16xi32>
      %gather3A_352 = tpu.vector_load_idx %arg6[%add3A_73, %broadcast_in_dim3A_351] : memref<512x128xf32, #tpu.memory_space<vmem>>[vector<16xi32>, vector<16xi32>], vector<16xf32>,
      %mul3A_353 = arith.constant 16 : i32
      %mul3A_354 = arith.muli %scan3A_69, %mul3A_353 : i32
      %swap3A_355 = arith.constant 31 : i32
      %swap3A_356 = arith.index_cast %swap3A_355 : i32 to index
      %swap3A_357 = arith.index_cast %mul3A_354 : i32 to index
      %swap3A_358 = tpu.vector_load %arg7[%swap3A_356, %swap3A_357] {strides = array<i32>} : memref<64x512xf32, #tpu.memory_space<vmem>>, vector<16xf32>,
      tpu.vector_store %arg7[%swap3A_356, %swap3A_357], %gather3A_352 {strides = array<i32>} : memref<64x512xf32, #tpu.memory_space<vmem>>, vector<16xf32>,
      %broadcast_in_dim3A_359 = arith.constant 32 : i32
      %broadcast_in_dim3A_360 = vector.broadcast %broadcast_in_dim3A_359 : i32 to vector<16xi32>
      %gather3A_361 = tpu.vector_load_idx %arg6[%add3A_73, %broadcast_in_dim3A_360] : memref<512x128xf32, #tpu.memory_space<vmem>>[vector<16xi32>, vector<16xi32>], vector<16xf32>,
      %mul3A_362 = arith.constant 16 : i32
      %mul3A_363 = arith.muli %scan3A_69, %mul3A_362 : i32
      %swap3A_364 = arith.constant 32 : i32
      %swap3A_365 = arith.index_cast %swap3A_364 : i32 to index
      %swap3A_366 = arith.index_cast %mul3A_363 : i32 to index
      %swap3A_367 = tpu.vector_load %arg7[%swap3A_365, %swap3A_366] {strides = array<i32>} : memref<64x512xf32, #tpu.memory_space<vmem>>, vector<16xf32>,
      tpu.vector_store %arg7[%swap3A_365, %swap3A_366], %gather3A_361 {strides = array<i32>} : memref<64x512xf32, #tpu.memory_space<vmem>>, vector<16xf32>,
      %broadcast_in_dim3A_368 = arith.constant 33 : i32
      %broadcast_in_dim3A_369 = vector.broadcast %broadcast_in_dim3A_368 : i32 to vector<16xi32>
      %gather3A_370 = tpu.vector_load_idx %arg6[%add3A_73, %broadcast_in_dim3A_369] : memref<512x128xf32, #tpu.memory_space<vmem>>[vector<16xi32>, vector<16xi32>], vector<16xf32>,
      %mul3A_371 = arith.constant 16 : i32
      %mul3A_372 = arith.muli %scan3A_69, %mul3A_371 : i32
      %swap3A_373 = arith.constant 33 : i32
      %swap3A_374 = arith.index_cast %swap3A_373 : i32 to index
      %swap3A_375 = arith.index_cast %mul3A_372 : i32 to index
      %swap3A_376 = tpu.vector_load %arg7[%swap3A_374, %swap3A_375] {strides = array<i32>} : memref<64x512xf32, #tpu.memory_space<vmem>>, vector<16xf32>,
      tpu.vector_store %arg7[%swap3A_374, %swap3A_375], %gather3A_370 {strides = array<i32>} : memref<64x512xf32, #tpu.memory_space<vmem>>, vector<16xf32>,
      %broadcast_in_dim3A_377 = arith.constant 34 : i32
      %broadcast_in_dim3A_378 = vector.broadcast %broadcast_in_dim3A_377 : i32 to vector<16xi32>
      %gather3A_379 = tpu.vector_load_idx %arg6[%add3A_73, %broadcast_in_dim3A_378] : memref<512x128xf32, #tpu.memory_space<vmem>>[vector<16xi32>, vector<16xi32>], vector<16xf32>,
      %mul3A_380 = arith.constant 16 : i32
      %mul3A_381 = arith.muli %scan3A_69, %mul3A_380 : i32
      %swap3A_382 = arith.constant 34 : i32
      %swap3A_383 = arith.index_cast %swap3A_382 : i32 to index
      %swap3A_384 = arith.index_cast %mul3A_381 : i32 to index
      %swap3A_385 = tpu.vector_load %arg7[%swap3A_383, %swap3A_384] {strides = array<i32>} : memref<64x512xf32, #tpu.memory_space<vmem>>, vector<16xf32>,
      tpu.vector_store %arg7[%swap3A_383, %swap3A_384], %gather3A_379 {strides = array<i32>} : memref<64x512xf32, #tpu.memory_space<vmem>>, vector<16xf32>,
      %broadcast_in_dim3A_386 = arith.constant 35 : i32
      %broadcast_in_dim3A_387 = vector.broadcast %broadcast_in_dim3A_386 : i32 to vector<16xi32>
      %gather3A_388 = tpu.vector_load_idx %arg6[%add3A_73, %broadcast_in_dim3A_387] : memref<512x128xf32, #tpu.memory_space<vmem>>[vector<16xi32>, vector<16xi32>], vector<16xf32>,
      %mul3A_389 = arith.constant 16 : i32
      %mul3A_390 = arith.muli %scan3A_69, %mul3A_389 : i32
      %swap3A_391 = arith.constant 35 : i32
      %swap3A_392 = arith.index_cast %swap3A_391 : i32 to index
      %swap3A_393 = arith.index_cast %mul3A_390 : i32 to index
      %swap3A_394 = tpu.vector_load %arg7[%swap3A_392, %swap3A_393] {strides = array<i32>} : memref<64x512xf32, #tpu.memory_space<vmem>>, vector<16xf32>,
      tpu.vector_store %arg7[%swap3A_392, %swap3A_393], %gather3A_388 {strides = array<i32>} : memref<64x512xf32, #tpu.memory_space<vmem>>, vector<16xf32>,
      %broadcast_in_dim3A_395 = arith.constant 36 : i32
      %broadcast_in_dim3A_396 = vector.broadcast %broadcast_in_dim3A_395 : i32 to vector<16xi32>
      %gather3A_397 = tpu.vector_load_idx %arg6[%add3A_73, %broadcast_in_dim3A_396] : memref<512x128xf32, #tpu.memory_space<vmem>>[vector<16xi32>, vector<16xi32>], vector<16xf32>,
      %mul3A_398 = arith.constant 16 : i32
      %mul3A_399 = arith.muli %scan3A_69, %mul3A_398 : i32
      %swap3A_400 = arith.constant 36 : i32
      %swap3A_401 = arith.index_cast %swap3A_400 : i32 to index
      %swap3A_402 = arith.index_cast %mul3A_399 : i32 to index
      %swap3A_403 = tpu.vector_load %arg7[%swap3A_401, %swap3A_402] {strides = array<i32>} : memref<64x512xf32, #tpu.memory_space<vmem>>, vector<16xf32>,
      tpu.vector_store %arg7[%swap3A_401, %swap3A_402], %gather3A_397 {strides = array<i32>} : memref<64x512xf32, #tpu.memory_space<vmem>>, vector<16xf32>,
      %broadcast_in_dim3A_404 = arith.constant 37 : i32
      %broadcast_in_dim3A_405 = vector.broadcast %broadcast_in_dim3A_404 : i32 to vector<16xi32>
      %gather3A_406 = tpu.vector_load_idx %arg6[%add3A_73, %broadcast_in_dim3A_405] : memref<512x128xf32, #tpu.memory_space<vmem>>[vector<16xi32>, vector<16xi32>], vector<16xf32>,
      %mul3A_407 = arith.constant 16 : i32
      %mul3A_408 = arith.muli %scan3A_69, %mul3A_407 : i32
      %swap3A_409 = arith.constant 37 : i32
      %swap3A_410 = arith.index_cast %swap3A_409 : i32 to index
      %swap3A_411 = arith.index_cast %mul3A_408 : i32 to index
      %swap3A_412 = tpu.vector_load %arg7[%swap3A_410, %swap3A_411] {strides = array<i32>} : memref<64x512xf32, #tpu.memory_space<vmem>>, vector<16xf32>,
      tpu.vector_store %arg7[%swap3A_410, %swap3A_411], %gather3A_406 {strides = array<i32>} : memref<64x512xf32, #tpu.memory_space<vmem>>, vector<16xf32>,
      %broadcast_in_dim3A_413 = arith.constant 38 : i32
      %broadcast_in_dim3A_414 = vector.broadcast %broadcast_in_dim3A_413 : i32 to vector<16xi32>
      %gather3A_415 = tpu.vector_load_idx %arg6[%add3A_73, %broadcast_in_dim3A_414] : memref<512x128xf32, #tpu.memory_space<vmem>>[vector<16xi32>, vector<16xi32>], vector<16xf32>,
      %mul3A_416 = arith.constant 16 : i32
      %mul3A_417 = arith.muli %scan3A_69, %mul3A_416 : i32
      %swap3A_418 = arith.constant 38 : i32
      %swap3A_419 = arith.index_cast %swap3A_418 : i32 to index
      %swap3A_420 = arith.index_cast %mul3A_417 : i32 to index
      %swap3A_421 = tpu.vector_load %arg7[%swap3A_419, %swap3A_420] {strides = array<i32>} : memref<64x512xf32, #tpu.memory_space<vmem>>, vector<16xf32>,
      tpu.vector_store %arg7[%swap3A_419, %swap3A_420], %gather3A_415 {strides = array<i32>} : memref<64x512xf32, #tpu.memory_space<vmem>>, vector<16xf32>,
      %broadcast_in_dim3A_422 = arith.constant 39 : i32
      %broadcast_in_dim3A_423 = vector.broadcast %broadcast_in_dim3A_422 : i32 to vector<16xi32>
      %gather3A_424 = tpu.vector_load_idx %arg6[%add3A_73, %broadcast_in_dim3A_423] : memref<512x128xf32, #tpu.memory_space<vmem>>[vector<16xi32>, vector<16xi32>], vector<16xf32>,
      %mul3A_425 = arith.constant 16 : i32
      %mul3A_426 = arith.muli %scan3A_69, %mul3A_425 : i32
      %swap3A_427 = arith.constant 39 : i32
      %swap3A_428 = arith.index_cast %swap3A_427 : i32 to index
      %swap3A_429 = arith.index_cast %mul3A_426 : i32 to index
      %swap3A_430 = tpu.vector_load %arg7[%swap3A_428, %swap3A_429] {strides = array<i32>} : memref<64x512xf32, #tpu.memory_space<vmem>>, vector<16xf32>,
      tpu.vector_store %arg7[%swap3A_428, %swap3A_429], %gather3A_424 {strides = array<i32>} : memref<64x512xf32, #tpu.memory_space<vmem>>, vector<16xf32>,
      %broadcast_in_dim3A_431 = arith.constant 40 : i32
      %broadcast_in_dim3A_432 = vector.broadcast %broadcast_in_dim3A_431 : i32 to vector<16xi32>
      %gather3A_433 = tpu.vector_load_idx %arg6[%add3A_73, %broadcast_in_dim3A_432] : memref<512x128xf32, #tpu.memory_space<vmem>>[vector<16xi32>, vector<16xi32>], vector<16xf32>,
      %mul3A_434 = arith.constant 16 : i32
      %mul3A_435 = arith.muli %scan3A_69, %mul3A_434 : i32
      %swap3A_436 = arith.constant 40 : i32
      %swap3A_437 = arith.index_cast %swap3A_436 : i32 to index
      %swap3A_438 = arith.index_cast %mul3A_435 : i32 to index
      %swap3A_439 = tpu.vector_load %arg7[%swap3A_437, %swap3A_438] {strides = array<i32>} : memref<64x512xf32, #tpu.memory_space<vmem>>, vector<16xf32>,
      tpu.vector_store %arg7[%swap3A_437, %swap3A_438], %gather3A_433 {strides = array<i32>} : memref<64x512xf32, #tpu.memory_space<vmem>>, vector<16xf32>,
      %broadcast_in_dim3A_440 = arith.constant 41 : i32
      %broadcast_in_dim3A_441 = vector.broadcast %broadcast_in_dim3A_440 : i32 to vector<16xi32>
      %gather3A_442 = tpu.vector_load_idx %arg6[%add3A_73, %broadcast_in_dim3A_441] : memref<512x128xf32, #tpu.memory_space<vmem>>[vector<16xi32>, vector<16xi32>], vector<16xf32>,
      %mul3A_443 = arith.constant 16 : i32
      %mul3A_444 = arith.muli %scan3A_69, %mul3A_443 : i32
      %swap3A_445 = arith.constant 41 : i32
      %swap3A_446 = arith.index_cast %swap3A_445 : i32 to index
      %swap3A_447 = arith.index_cast %mul3A_444 : i32 to index
      %swap3A_448 = tpu.vector_load %arg7[%swap3A_446, %swap3A_447] {strides = array<i32>} : memref<64x512xf32, #tpu.memory_space<vmem>>, vector<16xf32>,
      tpu.vector_store %arg7[%swap3A_446, %swap3A_447], %gather3A_442 {strides = array<i32>} : memref<64x512xf32, #tpu.memory_space<vmem>>, vector<16xf32>,
      %broadcast_in_dim3A_449 = arith.constant 42 : i32
      %broadcast_in_dim3A_450 = vector.broadcast %broadcast_in_dim3A_449 : i32 to vector<16xi32>
      %gather3A_451 = tpu.vector_load_idx %arg6[%add3A_73, %broadcast_in_dim3A_450] : memref<512x128xf32, #tpu.memory_space<vmem>>[vector<16xi32>, vector<16xi32>], vector<16xf32>,
      %mul3A_452 = arith.constant 16 : i32
      %mul3A_453 = arith.muli %scan3A_69, %mul3A_452 : i32
      %swap3A_454 = arith.constant 42 : i32
      %swap3A_455 = arith.index_cast %swap3A_454 : i32 to index
      %swap3A_456 = arith.index_cast %mul3A_453 : i32 to index
      %swap3A_457 = tpu.vector_load %arg7[%swap3A_455, %swap3A_456] {strides = array<i32>} : memref<64x512xf32, #tpu.memory_space<vmem>>, vector<16xf32>,
      tpu.vector_store %arg7[%swap3A_455, %swap3A_456], %gather3A_451 {strides = array<i32>} : memref<64x512xf32, #tpu.memory_space<vmem>>, vector<16xf32>,
      %broadcast_in_dim3A_458 = arith.constant 43 : i32
      %broadcast_in_dim3A_459 = vector.broadcast %broadcast_in_dim3A_458 : i32 to vector<16xi32>
      %gather3A_460 = tpu.vector_load_idx %arg6[%add3A_73, %broadcast_in_dim3A_459] : memref<512x128xf32, #tpu.memory_space<vmem>>[vector<16xi32>, vector<16xi32>], vector<16xf32>,
      %mul3A_461 = arith.constant 16 : i32
      %mul3A_462 = arith.muli %scan3A_69, %mul3A_461 : i32
      %swap3A_463 = arith.constant 43 : i32
      %swap3A_464 = arith.index_cast %swap3A_463 : i32 to index
      %swap3A_465 = arith.index_cast %mul3A_462 : i32 to index
      %swap3A_466 = tpu.vector_load %arg7[%swap3A_464, %swap3A_465] {strides = array<i32>} : memref<64x512xf32, #tpu.memory_space<vmem>>, vector<16xf32>,
      tpu.vector_store %arg7[%swap3A_464, %swap3A_465], %gather3A_460 {strides = array<i32>} : memref<64x512xf32, #tpu.memory_space<vmem>>, vector<16xf32>,
      %broadcast_in_dim3A_467 = arith.constant 44 : i32
      %broadcast_in_dim3A_468 = vector.broadcast %broadcast_in_dim3A_467 : i32 to vector<16xi32>
      %gather3A_469 = tpu.vector_load_idx %arg6[%add3A_73, %broadcast_in_dim3A_468] : memref<512x128xf32, #tpu.memory_space<vmem>>[vector<16xi32>, vector<16xi32>], vector<16xf32>,
      %mul3A_470 = arith.constant 16 : i32
      %mul3A_471 = arith.muli %scan3A_69, %mul3A_470 : i32
      %swap3A_472 = arith.constant 44 : i32
      %swap3A_473 = arith.index_cast %swap3A_472 : i32 to index
      %swap3A_474 = arith.index_cast %mul3A_471 : i32 to index
      %swap3A_475 = tpu.vector_load %arg7[%swap3A_473, %swap3A_474] {strides = array<i32>} : memref<64x512xf32, #tpu.memory_space<vmem>>, vector<16xf32>,
      tpu.vector_store %arg7[%swap3A_473, %swap3A_474], %gather3A_469 {strides = array<i32>} : memref<64x512xf32, #tpu.memory_space<vmem>>, vector<16xf32>,
      %broadcast_in_dim3A_476 = arith.constant 45 : i32
      %broadcast_in_dim3A_477 = vector.broadcast %broadcast_in_dim3A_476 : i32 to vector<16xi32>
      %gather3A_478 = tpu.vector_load_idx %arg6[%add3A_73, %broadcast_in_dim3A_477] : memref<512x128xf32, #tpu.memory_space<vmem>>[vector<16xi32>, vector<16xi32>], vector<16xf32>,
      %mul3A_479 = arith.constant 16 : i32
      %mul3A_480 = arith.muli %scan3A_69, %mul3A_479 : i32
      %swap3A_481 = arith.constant 45 : i32
      %swap3A_482 = arith.index_cast %swap3A_481 : i32 to index
      %swap3A_483 = arith.index_cast %mul3A_480 : i32 to index
      %swap3A_484 = tpu.vector_load %arg7[%swap3A_482, %swap3A_483] {strides = array<i32>} : memref<64x512xf32, #tpu.memory_space<vmem>>, vector<16xf32>,
      tpu.vector_store %arg7[%swap3A_482, %swap3A_483], %gather3A_478 {strides = array<i32>} : memref<64x512xf32, #tpu.memory_space<vmem>>, vector<16xf32>,
      %broadcast_in_dim3A_485 = arith.constant 46 : i32
      %broadcast_in_dim3A_486 = vector.broadcast %broadcast_in_dim3A_485 : i32 to vector<16xi32>
      %gather3A_487 = tpu.vector_load_idx %arg6[%add3A_73, %broadcast_in_dim3A_486] : memref<512x128xf32, #tpu.memory_space<vmem>>[vector<16xi32>, vector<16xi32>], vector<16xf32>,
      %mul3A_488 = arith.constant 16 : i32
      %mul3A_489 = arith.muli %scan3A_69, %mul3A_488 : i32
      %swap3A_490 = arith.constant 46 : i32
      %swap3A_491 = arith.index_cast %swap3A_490 : i32 to index
      %swap3A_492 = arith.index_cast %mul3A_489 : i32 to index
      %swap3A_493 = tpu.vector_load %arg7[%swap3A_491, %swap3A_492] {strides = array<i32>} : memref<64x512xf32, #tpu.memory_space<vmem>>, vector<16xf32>,
      tpu.vector_store %arg7[%swap3A_491, %swap3A_492], %gather3A_487 {strides = array<i32>} : memref<64x512xf32, #tpu.memory_space<vmem>>, vector<16xf32>,
      %broadcast_in_dim3A_494 = arith.constant 47 : i32
      %broadcast_in_dim3A_495 = vector.broadcast %broadcast_in_dim3A_494 : i32 to vector<16xi32>
      %gather3A_496 = tpu.vector_load_idx %arg6[%add3A_73, %broadcast_in_dim3A_495] : memref<512x128xf32, #tpu.memory_space<vmem>>[vector<16xi32>, vector<16xi32>], vector<16xf32>,
      %mul3A_497 = arith.constant 16 : i32
      %mul3A_498 = arith.muli %scan3A_69, %mul3A_497 : i32
      %swap3A_499 = arith.constant 47 : i32
      %swap3A_500 = arith.index_cast %swap3A_499 : i32 to index
      %swap3A_501 = arith.index_cast %mul3A_498 : i32 to index
      %swap3A_502 = tpu.vector_load %arg7[%swap3A_500, %swap3A_501] {strides = array<i32>} : memref<64x512xf32, #tpu.memory_space<vmem>>, vector<16xf32>,
      tpu.vector_store %arg7[%swap3A_500, %swap3A_501], %gather3A_496 {strides = array<i32>} : memref<64x512xf32, #tpu.memory_space<vmem>>, vector<16xf32>,
      %broadcast_in_dim3A_503 = arith.constant 48 : i32
      %broadcast_in_dim3A_504 = vector.broadcast %broadcast_in_dim3A_503 : i32 to vector<16xi32>
      %gather3A_505 = tpu.vector_load_idx %arg6[%add3A_73, %broadcast_in_dim3A_504] : memref<512x128xf32, #tpu.memory_space<vmem>>[vector<16xi32>, vector<16xi32>], vector<16xf32>,
      %mul3A_506 = arith.constant 16 : i32
      %mul3A_507 = arith.muli %scan3A_69, %mul3A_506 : i32
      %swap3A_508 = arith.constant 48 : i32
      %swap3A_509 = arith.index_cast %swap3A_508 : i32 to index
      %swap3A_510 = arith.index_cast %mul3A_507 : i32 to index
      %swap3A_511 = tpu.vector_load %arg7[%swap3A_509, %swap3A_510] {strides = array<i32>} : memref<64x512xf32, #tpu.memory_space<vmem>>, vector<16xf32>,
      tpu.vector_store %arg7[%swap3A_509, %swap3A_510], %gather3A_505 {strides = array<i32>} : memref<64x512xf32, #tpu.memory_space<vmem>>, vector<16xf32>,
      %broadcast_in_dim3A_512 = arith.constant 49 : i32
      %broadcast_in_dim3A_513 = vector.broadcast %broadcast_in_dim3A_512 : i32 to vector<16xi32>
      %gather3A_514 = tpu.vector_load_idx %arg6[%add3A_73, %broadcast_in_dim3A_513] : memref<512x128xf32, #tpu.memory_space<vmem>>[vector<16xi32>, vector<16xi32>], vector<16xf32>,
      %mul3A_515 = arith.constant 16 : i32
      %mul3A_516 = arith.muli %scan3A_69, %mul3A_515 : i32
      %swap3A_517 = arith.constant 49 : i32
      %swap3A_518 = arith.index_cast %swap3A_517 : i32 to index
      %swap3A_519 = arith.index_cast %mul3A_516 : i32 to index
      %swap3A_520 = tpu.vector_load %arg7[%swap3A_518, %swap3A_519] {strides = array<i32>} : memref<64x512xf32, #tpu.memory_space<vmem>>, vector<16xf32>,
      tpu.vector_store %arg7[%swap3A_518, %swap3A_519], %gather3A_514 {strides = array<i32>} : memref<64x512xf32, #tpu.memory_space<vmem>>, vector<16xf32>,
      %broadcast_in_dim3A_521 = arith.constant 50 : i32
      %broadcast_in_dim3A_522 = vector.broadcast %broadcast_in_dim3A_521 : i32 to vector<16xi32>
      %gather3A_523 = tpu.vector_load_idx %arg6[%add3A_73, %broadcast_in_dim3A_522] : memref<512x128xf32, #tpu.memory_space<vmem>>[vector<16xi32>, vector<16xi32>], vector<16xf32>,
      %mul3A_524 = arith.constant 16 : i32
      %mul3A_525 = arith.muli %scan3A_69, %mul3A_524 : i32
      %swap3A_526 = arith.constant 50 : i32
      %swap3A_527 = arith.index_cast %swap3A_526 : i32 to index
      %swap3A_528 = arith.index_cast %mul3A_525 : i32 to index
      %swap3A_529 = tpu.vector_load %arg7[%swap3A_527, %swap3A_528] {strides = array<i32>} : memref<64x512xf32, #tpu.memory_space<vmem>>, vector<16xf32>,
      tpu.vector_store %arg7[%swap3A_527, %swap3A_528], %gather3A_523 {strides = array<i32>} : memref<64x512xf32, #tpu.memory_space<vmem>>, vector<16xf32>,
      %broadcast_in_dim3A_530 = arith.constant 51 : i32
      %broadcast_in_dim3A_531 = vector.broadcast %broadcast_in_dim3A_530 : i32 to vector<16xi32>
      %gather3A_532 = tpu.vector_load_idx %arg6[%add3A_73, %broadcast_in_dim3A_531] : memref<512x128xf32, #tpu.memory_space<vmem>>[vector<16xi32>, vector<16xi32>], vector<16xf32>,
      %mul3A_533 = arith.constant 16 : i32
      %mul3A_534 = arith.muli %scan3A_69, %mul3A_533 : i32
      %swap3A_535 = arith.constant 51 : i32
      %swap3A_536 = arith.index_cast %swap3A_535 : i32 to index
      %swap3A_537 = arith.index_cast %mul3A_534 : i32 to index
      %swap3A_538 = tpu.vector_load %arg7[%swap3A_536, %swap3A_537] {strides = array<i32>} : memref<64x512xf32, #tpu.memory_space<vmem>>, vector<16xf32>,
      tpu.vector_store %arg7[%swap3A_536, %swap3A_537], %gather3A_532 {strides = array<i32>} : memref<64x512xf32, #tpu.memory_space<vmem>>, vector<16xf32>,
      %broadcast_in_dim3A_539 = arith.constant 52 : i32
      %broadcast_in_dim3A_540 = vector.broadcast %broadcast_in_dim3A_539 : i32 to vector<16xi32>
      %gather3A_541 = tpu.vector_load_idx %arg6[%add3A_73, %broadcast_in_dim3A_540] : memref<512x128xf32, #tpu.memory_space<vmem>>[vector<16xi32>, vector<16xi32>], vector<16xf32>,
      %mul3A_542 = arith.constant 16 : i32
      %mul3A_543 = arith.muli %scan3A_69, %mul3A_542 : i32
      %swap3A_544 = arith.constant 52 : i32
      %swap3A_545 = arith.index_cast %swap3A_544 : i32 to index
      %swap3A_546 = arith.index_cast %mul3A_543 : i32 to index
      %swap3A_547 = tpu.vector_load %arg7[%swap3A_545, %swap3A_546] {strides = array<i32>} : memref<64x512xf32, #tpu.memory_space<vmem>>, vector<16xf32>,
      tpu.vector_store %arg7[%swap3A_545, %swap3A_546], %gather3A_541 {strides = array<i32>} : memref<64x512xf32, #tpu.memory_space<vmem>>, vector<16xf32>,
      %broadcast_in_dim3A_548 = arith.constant 53 : i32
      %broadcast_in_dim3A_549 = vector.broadcast %broadcast_in_dim3A_548 : i32 to vector<16xi32>
      %gather3A_550 = tpu.vector_load_idx %arg6[%add3A_73, %broadcast_in_dim3A_549] : memref<512x128xf32, #tpu.memory_space<vmem>>[vector<16xi32>, vector<16xi32>], vector<16xf32>,
      %mul3A_551 = arith.constant 16 : i32
      %mul3A_552 = arith.muli %scan3A_69, %mul3A_551 : i32
      %swap3A_553 = arith.constant 53 : i32
      %swap3A_554 = arith.index_cast %swap3A_553 : i32 to index
      %swap3A_555 = arith.index_cast %mul3A_552 : i32 to index
      %swap3A_556 = tpu.vector_load %arg7[%swap3A_554, %swap3A_555] {strides = array<i32>} : memref<64x512xf32, #tpu.memory_space<vmem>>, vector<16xf32>,
      tpu.vector_store %arg7[%swap3A_554, %swap3A_555], %gather3A_550 {strides = array<i32>} : memref<64x512xf32, #tpu.memory_space<vmem>>, vector<16xf32>,
      %broadcast_in_dim3A_557 = arith.constant 54 : i32
      %broadcast_in_dim3A_558 = vector.broadcast %broadcast_in_dim3A_557 : i32 to vector<16xi32>
      %gather3A_559 = tpu.vector_load_idx %arg6[%add3A_73, %broadcast_in_dim3A_558] : memref<512x128xf32, #tpu.memory_space<vmem>>[vector<16xi32>, vector<16xi32>], vector<16xf32>,
      %mul3A_560 = arith.constant 16 : i32
      %mul3A_561 = arith.muli %scan3A_69, %mul3A_560 : i32
      %swap3A_562 = arith.constant 54 : i32
      %swap3A_563 = arith.index_cast %swap3A_562 : i32 to index
      %swap3A_564 = arith.index_cast %mul3A_561 : i32 to index
      %swap3A_565 = tpu.vector_load %arg7[%swap3A_563, %swap3A_564] {strides = array<i32>} : memref<64x512xf32, #tpu.memory_space<vmem>>, vector<16xf32>,
      tpu.vector_store %arg7[%swap3A_563, %swap3A_564], %gather3A_559 {strides = array<i32>} : memref<64x512xf32, #tpu.memory_space<vmem>>, vector<16xf32>,
      %broadcast_in_dim3A_566 = arith.constant 55 : i32
      %broadcast_in_dim3A_567 = vector.broadcast %broadcast_in_dim3A_566 : i32 to vector<16xi32>
      %gather3A_568 = tpu.vector_load_idx %arg6[%add3A_73, %broadcast_in_dim3A_567] : memref<512x128xf32, #tpu.memory_space<vmem>>[vector<16xi32>, vector<16xi32>], vector<16xf32>,
      %mul3A_569 = arith.constant 16 : i32
      %mul3A_570 = arith.muli %scan3A_69, %mul3A_569 : i32
      %swap3A_571 = arith.constant 55 : i32
      %swap3A_572 = arith.index_cast %swap3A_571 : i32 to index
      %swap3A_573 = arith.index_cast %mul3A_570 : i32 to index
      %swap3A_574 = tpu.vector_load %arg7[%swap3A_572, %swap3A_573] {strides = array<i32>} : memref<64x512xf32, #tpu.memory_space<vmem>>, vector<16xf32>,
      tpu.vector_store %arg7[%swap3A_572, %swap3A_573], %gather3A_568 {strides = array<i32>} : memref<64x512xf32, #tpu.memory_space<vmem>>, vector<16xf32>,
      %broadcast_in_dim3A_575 = arith.constant 56 : i32
      %broadcast_in_dim3A_576 = vector.broadcast %broadcast_in_dim3A_575 : i32 to vector<16xi32>
      %gather3A_577 = tpu.vector_load_idx %arg6[%add3A_73, %broadcast_in_dim3A_576] : memref<512x128xf32, #tpu.memory_space<vmem>>[vector<16xi32>, vector<16xi32>], vector<16xf32>,
      %mul3A_578 = arith.constant 16 : i32
      %mul3A_579 = arith.muli %scan3A_69, %mul3A_578 : i32
      %swap3A_580 = arith.constant 56 : i32
      %swap3A_581 = arith.index_cast %swap3A_580 : i32 to index
      %swap3A_582 = arith.index_cast %mul3A_579 : i32 to index
      %swap3A_583 = tpu.vector_load %arg7[%swap3A_581, %swap3A_582] {strides = array<i32>} : memref<64x512xf32, #tpu.memory_space<vmem>>, vector<16xf32>,
      tpu.vector_store %arg7[%swap3A_581, %swap3A_582], %gather3A_577 {strides = array<i32>} : memref<64x512xf32, #tpu.memory_space<vmem>>, vector<16xf32>,
      %broadcast_in_dim3A_584 = arith.constant 57 : i32
      %broadcast_in_dim3A_585 = vector.broadcast %broadcast_in_dim3A_584 : i32 to vector<16xi32>
      %gather3A_586 = tpu.vector_load_idx %arg6[%add3A_73, %broadcast_in_dim3A_585] : memref<512x128xf32, #tpu.memory_space<vmem>>[vector<16xi32>, vector<16xi32>], vector<16xf32>,
      %mul3A_587 = arith.constant 16 : i32
      %mul3A_588 = arith.muli %scan3A_69, %mul3A_587 : i32
      %swap3A_589 = arith.constant 57 : i32
      %swap3A_590 = arith.index_cast %swap3A_589 : i32 to index
      %swap3A_591 = arith.index_cast %mul3A_588 : i32 to index
      %swap3A_592 = tpu.vector_load %arg7[%swap3A_590, %swap3A_591] {strides = array<i32>} : memref<64x512xf32, #tpu.memory_space<vmem>>, vector<16xf32>,
      tpu.vector_store %arg7[%swap3A_590, %swap3A_591], %gather3A_586 {strides = array<i32>} : memref<64x512xf32, #tpu.memory_space<vmem>>, vector<16xf32>,
      %broadcast_in_dim3A_593 = arith.constant 58 : i32
      %broadcast_in_dim3A_594 = vector.broadcast %broadcast_in_dim3A_593 : i32 to vector<16xi32>
      %gather3A_595 = tpu.vector_load_idx %arg6[%add3A_73, %broadcast_in_dim3A_594] : memref<512x128xf32, #tpu.memory_space<vmem>>[vector<16xi32>, vector<16xi32>], vector<16xf32>,
      %mul3A_596 = arith.constant 16 : i32
      %mul3A_597 = arith.muli %scan3A_69, %mul3A_596 : i32
      %swap3A_598 = arith.constant 58 : i32
      %swap3A_599 = arith.index_cast %swap3A_598 : i32 to index
      %swap3A_600 = arith.index_cast %mul3A_597 : i32 to index
      %swap3A_601 = tpu.vector_load %arg7[%swap3A_599, %swap3A_600] {strides = array<i32>} : memref<64x512xf32, #tpu.memory_space<vmem>>, vector<16xf32>,
      tpu.vector_store %arg7[%swap3A_599, %swap3A_600], %gather3A_595 {strides = array<i32>} : memref<64x512xf32, #tpu.memory_space<vmem>>, vector<16xf32>,
      %broadcast_in_dim3A_602 = arith.constant 59 : i32
      %broadcast_in_dim3A_603 = vector.broadcast %broadcast_in_dim3A_602 : i32 to vector<16xi32>
      %gather3A_604 = tpu.vector_load_idx %arg6[%add3A_73, %broadcast_in_dim3A_603] : memref<512x128xf32, #tpu.memory_space<vmem>>[vector<16xi32>, vector<16xi32>], vector<16xf32>,
      %mul3A_605 = arith.constant 16 : i32
      %mul3A_606 = arith.muli %scan3A_69, %mul3A_605 : i32
      %swap3A_607 = arith.constant 59 : i32
      %swap3A_608 = arith.index_cast %swap3A_607 : i32 to index
      %swap3A_609 = arith.index_cast %mul3A_606 : i32 to index
      %swap3A_610 = tpu.vector_load %arg7[%swap3A_608, %swap3A_609] {strides = array<i32>} : memref<64x512xf32, #tpu.memory_space<vmem>>, vector<16xf32>,
      tpu.vector_store %arg7[%swap3A_608, %swap3A_609], %gather3A_604 {strides = array<i32>} : memref<64x512xf32, #tpu.memory_space<vmem>>, vector<16xf32>,
      %broadcast_in_dim3A_611 = arith.constant 60 : i32
      %broadcast_in_dim3A_612 = vector.broadcast %broadcast_in_dim3A_611 : i32 to vector<16xi32>
      %gather3A_613 = tpu.vector_load_idx %arg6[%add3A_73, %broadcast_in_dim3A_612] : memref<512x128xf32, #tpu.memory_space<vmem>>[vector<16xi32>, vector<16xi32>], vector<16xf32>,
      %mul3A_614 = arith.constant 16 : i32
      %mul3A_615 = arith.muli %scan3A_69, %mul3A_614 : i32
      %swap3A_616 = arith.constant 60 : i32
      %swap3A_617 = arith.index_cast %swap3A_616 : i32 to index
      %swap3A_618 = arith.index_cast %mul3A_615 : i32 to index
      %swap3A_619 = tpu.vector_load %arg7[%swap3A_617, %swap3A_618] {strides = array<i32>} : memref<64x512xf32, #tpu.memory_space<vmem>>, vector<16xf32>,
      tpu.vector_store %arg7[%swap3A_617, %swap3A_618], %gather3A_613 {strides = array<i32>} : memref<64x512xf32, #tpu.memory_space<vmem>>, vector<16xf32>,
      %broadcast_in_dim3A_620 = arith.constant 61 : i32
      %broadcast_in_dim3A_621 = vector.broadcast %broadcast_in_dim3A_620 : i32 to vector<16xi32>
      %gather3A_622 = tpu.vector_load_idx %arg6[%add3A_73, %broadcast_in_dim3A_621] : memref<512x128xf32, #tpu.memory_space<vmem>>[vector<16xi32>, vector<16xi32>], vector<16xf32>,
      %mul3A_623 = arith.constant 16 : i32
      %mul3A_624 = arith.muli %scan3A_69, %mul3A_623 : i32
      %swap3A_625 = arith.constant 61 : i32
      %swap3A_626 = arith.index_cast %swap3A_625 : i32 to index
      %swap3A_627 = arith.index_cast %mul3A_624 : i32 to index
      %swap3A_628 = tpu.vector_load %arg7[%swap3A_626, %swap3A_627] {strides = array<i32>} : memref<64x512xf32, #tpu.memory_space<vmem>>, vector<16xf32>,
      tpu.vector_store %arg7[%swap3A_626, %swap3A_627], %gather3A_622 {strides = array<i32>} : memref<64x512xf32, #tpu.memory_space<vmem>>, vector<16xf32>,
      %broadcast_in_dim3A_629 = arith.constant 62 : i32
      %broadcast_in_dim3A_630 = vector.broadcast %broadcast_in_dim3A_629 : i32 to vector<16xi32>
      %gather3A_631 = tpu.vector_load_idx %arg6[%add3A_73, %broadcast_in_dim3A_630] : memref<512x128xf32, #tpu.memory_space<vmem>>[vector<16xi32>, vector<16xi32>], vector<16xf32>,
      %mul3A_632 = arith.constant 16 : i32
      %mul3A_633 = arith.muli %scan3A_69, %mul3A_632 : i32
      %swap3A_634 = arith.constant 62 : i32
      %swap3A_635 = arith.index_cast %swap3A_634 : i32 to index
      %swap3A_636 = arith.index_cast %mul3A_633 : i32 to index
      %swap3A_637 = tpu.vector_load %arg7[%swap3A_635, %swap3A_636] {strides = array<i32>} : memref<64x512xf32, #tpu.memory_space<vmem>>, vector<16xf32>,
      tpu.vector_store %arg7[%swap3A_635, %swap3A_636], %gather3A_631 {strides = array<i32>} : memref<64x512xf32, #tpu.memory_space<vmem>>, vector<16xf32>,
      %broadcast_in_dim3A_638 = arith.constant 63 : i32
      %broadcast_in_dim3A_639 = vector.broadcast %broadcast_in_dim3A_638 : i32 to vector<16xi32>
      %gather3A_640 = tpu.vector_load_idx %arg6[%add3A_73, %broadcast_in_dim3A_639] : memref<512x128xf32, #tpu.memory_space<vmem>>[vector<16xi32>, vector<16xi32>], vector<16xf32>,
      %mul3A_641 = arith.constant 16 : i32
      %mul3A_642 = arith.muli %scan3A_69, %mul3A_641 : i32
      %swap3A_643 = arith.constant 63 : i32
      %swap3A_644 = arith.index_cast %swap3A_643 : i32 to index
      %swap3A_645 = arith.index_cast %mul3A_642 : i32 to index
      %swap3A_646 = tpu.vector_load %arg7[%swap3A_644, %swap3A_645] {strides = array<i32>} : memref<64x512xf32, #tpu.memory_space<vmem>>, vector<16xf32>,
      tpu.vector_store %arg7[%swap3A_644, %swap3A_645], %gather3A_640 {strides = array<i32>} : memref<64x512xf32, #tpu.memory_space<vmem>>, vector<16xf32>,
    }
    %scan3A_68 = arith.constant 32 : i32
    "tpu.region"() ({
      %run_scoped3A = tpu.sem_alloc : memref<!tpu.dma_semaphore, #tpu.memory_space<semaphore_mem>>
      %dma_start3A_69 = arith.constant 0 : i32
      %dma_start3A_70 = tpu.memref_slice %arg4[%dma_start3A_69, %mul3A_2] : memref<64x16384xf32, #tpu.memory_space<hbm>> -> memref<64x512xf32, #tpu.memory_space<hbm>>
      %dma_start3A_71 = arith.constant 0 : i32
      %dma_start3A_72 = tpu.memref_slice %arg4[%dma_start3A_71, %mul3A_2] : memref<64x16384xf32, #tpu.memory_space<hbm>> -> memref<64x512xf32, #tpu.memory_space<hbm>>
      tpu.enqueue_dma source(%arg7 : memref<64x512xf32, #tpu.memory_space<vmem>>) target(%dma_start3A_72 : memref<64x512xf32, #tpu.memory_space<hbm>>) target_semaphore(%run_scoped3A : memref<!tpu.dma_semaphore, #tpu.memory_space<semaphore_mem>>)
      %dma_wait3A_73 = arith.constant 0 : i32
      %dma_wait3A_74 = tpu.memref_slice %arg4[%dma_wait3A_73, %mul3A_2] : memref<64x16384xf32, #tpu.memory_space<hbm>> -> memref<64x512xf32, #tpu.memory_space<hbm>>
      %dma_wait3A_75 = arith.constant 0 : i32
      %dma_wait3A_76 = tpu.memref_slice %arg4[%dma_wait3A_75, %mul3A_2] : memref<64x16384xf32, #tpu.memory_space<hbm>> -> memref<64x512xf32, #tpu.memory_space<hbm>>
      tpu.wait_dma2 semaphore(%run_scoped3A : memref<!tpu.dma_semaphore, #tpu.memory_space<semaphore_mem>>) src(%arg7 : memref<64x512xf32, #tpu.memory_space<vmem>>) dst(%dma_wait3A_76 : memref<64x512xf32, #tpu.memory_space<hbm>>)
      tpu.yield
    }) : () -> ()
    return
  }
}

#map = affine_map<(d0, d1) -> (0, 0)>
#map1 = affine_map<(d0, d1) -> (0)>
module attributes {stable_mosaic.version = 14 : i64} {
  func.func @_sweep_gather(%arg0: i32, %arg1: i32, %arg2: memref<64x1000000xf32, #tpu.memory_space<hbm>>, %arg3: memref<16384xi32, #tpu.memory_space<hbm>>, %arg4: memref<64x128xf32, #tpu.memory_space<hbm>>, %arg5: memref<16384x128xf32, #tpu.memory_space<hbm>>, %arg6: memref<512xi32, #tpu.memory_space<vmem>>, %arg7: memref<512xi32, #tpu.memory_space<smem>>, %arg8: memref<512xi32, #tpu.memory_space<smem>>, %arg9: memref<513xi32, #tpu.memory_space<smem>>, %arg10: memref<64x768xf32, #tpu.memory_space<vmem>>, %arg11: memref<512x128xf32, #tpu.memory_space<vmem>>, %arg12: memref<!tpu.dma_semaphore, #tpu.memory_space<semaphore_mem>>) attributes {dimension_semantics = [#tpu.dimension_semantics<core_parallel>, #tpu.dimension_semantics<subcore_parallel>], iteration_bounds = array<i64: 2, 16>, scalar_prefetch = 0 : i64, scratch_operands = 7 : i64, tpu.core_type = #tpu.core_type<sc_vector_subcore>, window_params = [{transform_indices = #map}, {transform_indices = #map1}, {transform_indices = #map}, {transform_indices = #map}]} {
    %mul3A = arith.constant 2 : i32
    %mul3A_0 = arith.muli %arg1, %mul3A : i32
    %add3A = arith.addi %mul3A_0, %arg0 : i32
    %mul3A_1 = arith.constant 512 : i32
    %mul3A_2 = arith.muli %add3A, %mul3A_1 : i32
    "tpu.region"() ({
      %run_scoped3A = tpu.sem_alloc : memref<!tpu.dma_semaphore, #tpu.memory_space<semaphore_mem>>
      %dma_start3A = tpu.memref_slice %arg3[%mul3A_2] : memref<16384xi32, #tpu.memory_space<hbm>> -> memref<512xi32, #tpu.memory_space<hbm>>
      %dma_start3A_23 = tpu.memref_slice %arg3[%mul3A_2] : memref<16384xi32, #tpu.memory_space<hbm>> -> memref<512xi32, #tpu.memory_space<hbm>>
      tpu.enqueue_dma source(%dma_start3A_23 : memref<512xi32, #tpu.memory_space<hbm>>) target(%arg6 : memref<512xi32, #tpu.memory_space<vmem>>) target_semaphore(%run_scoped3A : memref<!tpu.dma_semaphore, #tpu.memory_space<semaphore_mem>>)
      %dma_wait3A = tpu.memref_slice %arg3[%mul3A_2] : memref<16384xi32, #tpu.memory_space<hbm>> -> memref<512xi32, #tpu.memory_space<hbm>>
      %dma_wait3A_24 = tpu.memref_slice %arg3[%mul3A_2] : memref<16384xi32, #tpu.memory_space<hbm>> -> memref<512xi32, #tpu.memory_space<hbm>>
      tpu.wait_dma2 semaphore(%run_scoped3A : memref<!tpu.dma_semaphore, #tpu.memory_space<semaphore_mem>>) src(%dma_wait3A_24 : memref<512xi32, #tpu.memory_space<hbm>>) dst(%arg6 : memref<512xi32, #tpu.memory_space<vmem>>)
      tpu.yield
    }) : () -> ()
    %iota3A = tpu.iota {dimensions = array<i32: 0>} : vector<16xi32>
    %scan3A = arith.constant 0 : i32
    %scan3A_3 = arith.constant -1 : i32
    %scan3A_4 = arith.constant 0 : i32
    %scan3A_5 = arith.constant 32 : i32
    %scan3A_6 = arith.addi %scan3A_4, %scan3A_5 : i32
    %scan3A_7 = arith.constant 1 : i32
    %scan3A_8:2 = scf.for %scan3A_23 = %scan3A_4 to %scan3A_6 step %scan3A_7 iter_args(%scan3A_24 = %scan3A, %scan3A_25 = %scan3A_3) -> (i32, i32)  : i32 {
      %mul3A_26 = arith.constant 16 : i32
      %mul3A_27 = arith.muli %scan3A_23, %mul3A_26 : i32
      %get3A = arith.index_cast %mul3A_27 : i32 to index
      %get3A_28 = tpu.vector_load %arg6[%get3A] {strides = array<i32>} : memref<512xi32, #tpu.memory_space<vmem>>, vector<16xi32>,
      %slice3A = vector.extract_strided_slice %get3A_28 {offsets = [0], sizes = [1], strides = [1]} : vector<16xi32> to vector<1xi32>
      %squeeze3A = vector.extract %slice3A[0] : i32 from vector<1xi32>
      %shift_right_logical3A = arith.constant 7 : i32
      %shift_right_logical3A_29 = arith.shrui %squeeze3A, %shift_right_logical3A : i32
      %shift_left3A = arith.constant 7 : i32
      %shift_left3A_30 = arith.shli %shift_right_logical3A_29, %shift_left3A : i32
      %sub3A = arith.subi %squeeze3A, %shift_left3A_30 : i32
      %mul3A_31 = arith.constant 16 : i32
      %mul3A_32 = arith.muli %scan3A_23, %mul3A_31 : i32
      %add3A_33 = arith.constant 0 : i32
      %add3A_34 = arith.addi %mul3A_32, %add3A_33 : i32
      %swap3A_35 = arith.index_cast %add3A_34 : i32 to index
      %swap3A_36 = memref.load %arg7[%swap3A_35] : memref<512xi32, #tpu.memory_space<smem>>
      memref.store %sub3A, %arg7[%swap3A_35] : memref<512xi32, #tpu.memory_space<smem>>
      %ne3A = arith.cmpi ne, %shift_right_logical3A_29, %scan3A_25 : i32
      %convert_element_type3A = arith.extui %ne3A : i1 to i32
      %cond3A = arith.constant 0 : i32
      %cond3A_37 = arith.cmpi ne, %convert_element_type3A, %cond3A : i32
      scf.if %cond3A_37 {
        %swap3A_325 = arith.index_cast %scan3A_24 : i32 to index
        %swap3A_326 = memref.load %arg8[%swap3A_325] : memref<512xi32, #tpu.memory_space<smem>>
        memref.store %shift_right_logical3A_29, %arg8[%swap3A_325] : memref<512xi32, #tpu.memory_space<smem>>
        %mul3A_327 = arith.constant 16 : i32
        %mul3A_328 = arith.muli %scan3A_23, %mul3A_327 : i32
        %add3A_329 = arith.constant 0 : i32
        %add3A_330 = arith.addi %mul3A_328, %add3A_329 : i32
        %swap3A_331 = arith.index_cast %scan3A_24 : i32 to index
        %swap3A_332 = memref.load %arg9[%swap3A_331] : memref<513xi32, #tpu.memory_space<smem>>
        memref.store %add3A_330, %arg9[%swap3A_331] : memref<513xi32, #tpu.memory_space<smem>>
      } else {
      }
      %convert_element_type3A_38 = arith.extui %ne3A : i1 to i32
      %add3A_39 = arith.addi %scan3A_24, %convert_element_type3A_38 : i32
      %slice3A_40 = vector.extract_strided_slice %get3A_28 {offsets = [1], sizes = [1], strides = [1]} : vector<16xi32> to vector<1xi32>
      %squeeze3A_41 = vector.extract %slice3A_40[0] : i32 from vector<1xi32>
      %shift_right_logical3A_42 = arith.constant 7 : i32
      %shift_right_logical3A_43 = arith.shrui %squeeze3A_41, %shift_right_logical3A_42 : i32
      %shift_left3A_44 = arith.constant 7 : i32
      %shift_left3A_45 = arith.shli %shift_right_logical3A_43, %shift_left3A_44 : i32
      %sub3A_46 = arith.subi %squeeze3A_41, %shift_left3A_45 : i32
      %mul3A_47 = arith.constant 16 : i32
      %mul3A_48 = arith.muli %scan3A_23, %mul3A_47 : i32
      %add3A_49 = arith.constant 1 : i32
      %add3A_50 = arith.addi %mul3A_48, %add3A_49 : i32
      %swap3A_51 = arith.index_cast %add3A_50 : i32 to index
      %swap3A_52 = memref.load %arg7[%swap3A_51] : memref<512xi32, #tpu.memory_space<smem>>
      memref.store %sub3A_46, %arg7[%swap3A_51] : memref<512xi32, #tpu.memory_space<smem>>
      %ne3A_53 = arith.cmpi ne, %shift_right_logical3A_43, %shift_right_logical3A_29 : i32
      %convert_element_type3A_54 = arith.extui %ne3A_53 : i1 to i32
      %cond3A_55 = arith.constant 0 : i32
      %cond3A_56 = arith.cmpi ne, %convert_element_type3A_54, %cond3A_55 : i32
      scf.if %cond3A_56 {
        %swap3A_325 = arith.index_cast %add3A_39 : i32 to index
        %swap3A_326 = memref.load %arg8[%swap3A_325] : memref<512xi32, #tpu.memory_space<smem>>
        memref.store %shift_right_logical3A_43, %arg8[%swap3A_325] : memref<512xi32, #tpu.memory_space<smem>>
        %mul3A_327 = arith.constant 16 : i32
        %mul3A_328 = arith.muli %scan3A_23, %mul3A_327 : i32
        %add3A_329 = arith.constant 1 : i32
        %add3A_330 = arith.addi %mul3A_328, %add3A_329 : i32
        %swap3A_331 = arith.index_cast %add3A_39 : i32 to index
        %swap3A_332 = memref.load %arg9[%swap3A_331] : memref<513xi32, #tpu.memory_space<smem>>
        memref.store %add3A_330, %arg9[%swap3A_331] : memref<513xi32, #tpu.memory_space<smem>>
      } else {
      }
      %convert_element_type3A_57 = arith.extui %ne3A_53 : i1 to i32
      %add3A_58 = arith.addi %add3A_39, %convert_element_type3A_57 : i32
      %slice3A_59 = vector.extract_strided_slice %get3A_28 {offsets = [2], sizes = [1], strides = [1]} : vector<16xi32> to vector<1xi32>
      %squeeze3A_60 = vector.extract %slice3A_59[0] : i32 from vector<1xi32>
      %shift_right_logical3A_61 = arith.constant 7 : i32
      %shift_right_logical3A_62 = arith.shrui %squeeze3A_60, %shift_right_logical3A_61 : i32
      %shift_left3A_63 = arith.constant 7 : i32
      %shift_left3A_64 = arith.shli %shift_right_logical3A_62, %shift_left3A_63 : i32
      %sub3A_65 = arith.subi %squeeze3A_60, %shift_left3A_64 : i32
      %mul3A_66 = arith.constant 16 : i32
      %mul3A_67 = arith.muli %scan3A_23, %mul3A_66 : i32
      %add3A_68 = arith.constant 2 : i32
      %add3A_69 = arith.addi %mul3A_67, %add3A_68 : i32
      %swap3A_70 = arith.index_cast %add3A_69 : i32 to index
      %swap3A_71 = memref.load %arg7[%swap3A_70] : memref<512xi32, #tpu.memory_space<smem>>
      memref.store %sub3A_65, %arg7[%swap3A_70] : memref<512xi32, #tpu.memory_space<smem>>
      %ne3A_72 = arith.cmpi ne, %shift_right_logical3A_62, %shift_right_logical3A_43 : i32
      %convert_element_type3A_73 = arith.extui %ne3A_72 : i1 to i32
      %cond3A_74 = arith.constant 0 : i32
      %cond3A_75 = arith.cmpi ne, %convert_element_type3A_73, %cond3A_74 : i32
      scf.if %cond3A_75 {
        %swap3A_325 = arith.index_cast %add3A_58 : i32 to index
        %swap3A_326 = memref.load %arg8[%swap3A_325] : memref<512xi32, #tpu.memory_space<smem>>
        memref.store %shift_right_logical3A_62, %arg8[%swap3A_325] : memref<512xi32, #tpu.memory_space<smem>>
        %mul3A_327 = arith.constant 16 : i32
        %mul3A_328 = arith.muli %scan3A_23, %mul3A_327 : i32
        %add3A_329 = arith.constant 2 : i32
        %add3A_330 = arith.addi %mul3A_328, %add3A_329 : i32
        %swap3A_331 = arith.index_cast %add3A_58 : i32 to index
        %swap3A_332 = memref.load %arg9[%swap3A_331] : memref<513xi32, #tpu.memory_space<smem>>
        memref.store %add3A_330, %arg9[%swap3A_331] : memref<513xi32, #tpu.memory_space<smem>>
      } else {
      }
      %convert_element_type3A_76 = arith.extui %ne3A_72 : i1 to i32
      %add3A_77 = arith.addi %add3A_58, %convert_element_type3A_76 : i32
      %slice3A_78 = vector.extract_strided_slice %get3A_28 {offsets = [3], sizes = [1], strides = [1]} : vector<16xi32> to vector<1xi32>
      %squeeze3A_79 = vector.extract %slice3A_78[0] : i32 from vector<1xi32>
      %shift_right_logical3A_80 = arith.constant 7 : i32
      %shift_right_logical3A_81 = arith.shrui %squeeze3A_79, %shift_right_logical3A_80 : i32
      %shift_left3A_82 = arith.constant 7 : i32
      %shift_left3A_83 = arith.shli %shift_right_logical3A_81, %shift_left3A_82 : i32
      %sub3A_84 = arith.subi %squeeze3A_79, %shift_left3A_83 : i32
      %mul3A_85 = arith.constant 16 : i32
      %mul3A_86 = arith.muli %scan3A_23, %mul3A_85 : i32
      %add3A_87 = arith.constant 3 : i32
      %add3A_88 = arith.addi %mul3A_86, %add3A_87 : i32
      %swap3A_89 = arith.index_cast %add3A_88 : i32 to index
      %swap3A_90 = memref.load %arg7[%swap3A_89] : memref<512xi32, #tpu.memory_space<smem>>
      memref.store %sub3A_84, %arg7[%swap3A_89] : memref<512xi32, #tpu.memory_space<smem>>
      %ne3A_91 = arith.cmpi ne, %shift_right_logical3A_81, %shift_right_logical3A_62 : i32
      %convert_element_type3A_92 = arith.extui %ne3A_91 : i1 to i32
      %cond3A_93 = arith.constant 0 : i32
      %cond3A_94 = arith.cmpi ne, %convert_element_type3A_92, %cond3A_93 : i32
      scf.if %cond3A_94 {
        %swap3A_325 = arith.index_cast %add3A_77 : i32 to index
        %swap3A_326 = memref.load %arg8[%swap3A_325] : memref<512xi32, #tpu.memory_space<smem>>
        memref.store %shift_right_logical3A_81, %arg8[%swap3A_325] : memref<512xi32, #tpu.memory_space<smem>>
        %mul3A_327 = arith.constant 16 : i32
        %mul3A_328 = arith.muli %scan3A_23, %mul3A_327 : i32
        %add3A_329 = arith.constant 3 : i32
        %add3A_330 = arith.addi %mul3A_328, %add3A_329 : i32
        %swap3A_331 = arith.index_cast %add3A_77 : i32 to index
        %swap3A_332 = memref.load %arg9[%swap3A_331] : memref<513xi32, #tpu.memory_space<smem>>
        memref.store %add3A_330, %arg9[%swap3A_331] : memref<513xi32, #tpu.memory_space<smem>>
      } else {
      }
      %convert_element_type3A_95 = arith.extui %ne3A_91 : i1 to i32
      %add3A_96 = arith.addi %add3A_77, %convert_element_type3A_95 : i32
      %slice3A_97 = vector.extract_strided_slice %get3A_28 {offsets = [4], sizes = [1], strides = [1]} : vector<16xi32> to vector<1xi32>
      %squeeze3A_98 = vector.extract %slice3A_97[0] : i32 from vector<1xi32>
      %shift_right_logical3A_99 = arith.constant 7 : i32
      %shift_right_logical3A_100 = arith.shrui %squeeze3A_98, %shift_right_logical3A_99 : i32
      %shift_left3A_101 = arith.constant 7 : i32
      %shift_left3A_102 = arith.shli %shift_right_logical3A_100, %shift_left3A_101 : i32
      %sub3A_103 = arith.subi %squeeze3A_98, %shift_left3A_102 : i32
      %mul3A_104 = arith.constant 16 : i32
      %mul3A_105 = arith.muli %scan3A_23, %mul3A_104 : i32
      %add3A_106 = arith.constant 4 : i32
      %add3A_107 = arith.addi %mul3A_105, %add3A_106 : i32
      %swap3A_108 = arith.index_cast %add3A_107 : i32 to index
      %swap3A_109 = memref.load %arg7[%swap3A_108] : memref<512xi32, #tpu.memory_space<smem>>
      memref.store %sub3A_103, %arg7[%swap3A_108] : memref<512xi32, #tpu.memory_space<smem>>
      %ne3A_110 = arith.cmpi ne, %shift_right_logical3A_100, %shift_right_logical3A_81 : i32
      %convert_element_type3A_111 = arith.extui %ne3A_110 : i1 to i32
      %cond3A_112 = arith.constant 0 : i32
      %cond3A_113 = arith.cmpi ne, %convert_element_type3A_111, %cond3A_112 : i32
      scf.if %cond3A_113 {
        %swap3A_325 = arith.index_cast %add3A_96 : i32 to index
        %swap3A_326 = memref.load %arg8[%swap3A_325] : memref<512xi32, #tpu.memory_space<smem>>
        memref.store %shift_right_logical3A_100, %arg8[%swap3A_325] : memref<512xi32, #tpu.memory_space<smem>>
        %mul3A_327 = arith.constant 16 : i32
        %mul3A_328 = arith.muli %scan3A_23, %mul3A_327 : i32
        %add3A_329 = arith.constant 4 : i32
        %add3A_330 = arith.addi %mul3A_328, %add3A_329 : i32
        %swap3A_331 = arith.index_cast %add3A_96 : i32 to index
        %swap3A_332 = memref.load %arg9[%swap3A_331] : memref<513xi32, #tpu.memory_space<smem>>
        memref.store %add3A_330, %arg9[%swap3A_331] : memref<513xi32, #tpu.memory_space<smem>>
      } else {
      }
      %convert_element_type3A_114 = arith.extui %ne3A_110 : i1 to i32
      %add3A_115 = arith.addi %add3A_96, %convert_element_type3A_114 : i32
      %slice3A_116 = vector.extract_strided_slice %get3A_28 {offsets = [5], sizes = [1], strides = [1]} : vector<16xi32> to vector<1xi32>
      %squeeze3A_117 = vector.extract %slice3A_116[0] : i32 from vector<1xi32>
      %shift_right_logical3A_118 = arith.constant 7 : i32
      %shift_right_logical3A_119 = arith.shrui %squeeze3A_117, %shift_right_logical3A_118 : i32
      %shift_left3A_120 = arith.constant 7 : i32
      %shift_left3A_121 = arith.shli %shift_right_logical3A_119, %shift_left3A_120 : i32
      %sub3A_122 = arith.subi %squeeze3A_117, %shift_left3A_121 : i32
      %mul3A_123 = arith.constant 16 : i32
      %mul3A_124 = arith.muli %scan3A_23, %mul3A_123 : i32
      %add3A_125 = arith.constant 5 : i32
      %add3A_126 = arith.addi %mul3A_124, %add3A_125 : i32
      %swap3A_127 = arith.index_cast %add3A_126 : i32 to index
      %swap3A_128 = memref.load %arg7[%swap3A_127] : memref<512xi32, #tpu.memory_space<smem>>
      memref.store %sub3A_122, %arg7[%swap3A_127] : memref<512xi32, #tpu.memory_space<smem>>
      %ne3A_129 = arith.cmpi ne, %shift_right_logical3A_119, %shift_right_logical3A_100 : i32
      %convert_element_type3A_130 = arith.extui %ne3A_129 : i1 to i32
      %cond3A_131 = arith.constant 0 : i32
      %cond3A_132 = arith.cmpi ne, %convert_element_type3A_130, %cond3A_131 : i32
      scf.if %cond3A_132 {
        %swap3A_325 = arith.index_cast %add3A_115 : i32 to index
        %swap3A_326 = memref.load %arg8[%swap3A_325] : memref<512xi32, #tpu.memory_space<smem>>
        memref.store %shift_right_logical3A_119, %arg8[%swap3A_325] : memref<512xi32, #tpu.memory_space<smem>>
        %mul3A_327 = arith.constant 16 : i32
        %mul3A_328 = arith.muli %scan3A_23, %mul3A_327 : i32
        %add3A_329 = arith.constant 5 : i32
        %add3A_330 = arith.addi %mul3A_328, %add3A_329 : i32
        %swap3A_331 = arith.index_cast %add3A_115 : i32 to index
        %swap3A_332 = memref.load %arg9[%swap3A_331] : memref<513xi32, #tpu.memory_space<smem>>
        memref.store %add3A_330, %arg9[%swap3A_331] : memref<513xi32, #tpu.memory_space<smem>>
      } else {
      }
      %convert_element_type3A_133 = arith.extui %ne3A_129 : i1 to i32
      %add3A_134 = arith.addi %add3A_115, %convert_element_type3A_133 : i32
      %slice3A_135 = vector.extract_strided_slice %get3A_28 {offsets = [6], sizes = [1], strides = [1]} : vector<16xi32> to vector<1xi32>
      %squeeze3A_136 = vector.extract %slice3A_135[0] : i32 from vector<1xi32>
      %shift_right_logical3A_137 = arith.constant 7 : i32
      %shift_right_logical3A_138 = arith.shrui %squeeze3A_136, %shift_right_logical3A_137 : i32
      %shift_left3A_139 = arith.constant 7 : i32
      %shift_left3A_140 = arith.shli %shift_right_logical3A_138, %shift_left3A_139 : i32
      %sub3A_141 = arith.subi %squeeze3A_136, %shift_left3A_140 : i32
      %mul3A_142 = arith.constant 16 : i32
      %mul3A_143 = arith.muli %scan3A_23, %mul3A_142 : i32
      %add3A_144 = arith.constant 6 : i32
      %add3A_145 = arith.addi %mul3A_143, %add3A_144 : i32
      %swap3A_146 = arith.index_cast %add3A_145 : i32 to index
      %swap3A_147 = memref.load %arg7[%swap3A_146] : memref<512xi32, #tpu.memory_space<smem>>
      memref.store %sub3A_141, %arg7[%swap3A_146] : memref<512xi32, #tpu.memory_space<smem>>
      %ne3A_148 = arith.cmpi ne, %shift_right_logical3A_138, %shift_right_logical3A_119 : i32
      %convert_element_type3A_149 = arith.extui %ne3A_148 : i1 to i32
      %cond3A_150 = arith.constant 0 : i32
      %cond3A_151 = arith.cmpi ne, %convert_element_type3A_149, %cond3A_150 : i32
      scf.if %cond3A_151 {
        %swap3A_325 = arith.index_cast %add3A_134 : i32 to index
        %swap3A_326 = memref.load %arg8[%swap3A_325] : memref<512xi32, #tpu.memory_space<smem>>
        memref.store %shift_right_logical3A_138, %arg8[%swap3A_325] : memref<512xi32, #tpu.memory_space<smem>>
        %mul3A_327 = arith.constant 16 : i32
        %mul3A_328 = arith.muli %scan3A_23, %mul3A_327 : i32
        %add3A_329 = arith.constant 6 : i32
        %add3A_330 = arith.addi %mul3A_328, %add3A_329 : i32
        %swap3A_331 = arith.index_cast %add3A_134 : i32 to index
        %swap3A_332 = memref.load %arg9[%swap3A_331] : memref<513xi32, #tpu.memory_space<smem>>
        memref.store %add3A_330, %arg9[%swap3A_331] : memref<513xi32, #tpu.memory_space<smem>>
      } else {
      }
      %convert_element_type3A_152 = arith.extui %ne3A_148 : i1 to i32
      %add3A_153 = arith.addi %add3A_134, %convert_element_type3A_152 : i32
      %slice3A_154 = vector.extract_strided_slice %get3A_28 {offsets = [7], sizes = [1], strides = [1]} : vector<16xi32> to vector<1xi32>
      %squeeze3A_155 = vector.extract %slice3A_154[0] : i32 from vector<1xi32>
      %shift_right_logical3A_156 = arith.constant 7 : i32
      %shift_right_logical3A_157 = arith.shrui %squeeze3A_155, %shift_right_logical3A_156 : i32
      %shift_left3A_158 = arith.constant 7 : i32
      %shift_left3A_159 = arith.shli %shift_right_logical3A_157, %shift_left3A_158 : i32
      %sub3A_160 = arith.subi %squeeze3A_155, %shift_left3A_159 : i32
      %mul3A_161 = arith.constant 16 : i32
      %mul3A_162 = arith.muli %scan3A_23, %mul3A_161 : i32
      %add3A_163 = arith.constant 7 : i32
      %add3A_164 = arith.addi %mul3A_162, %add3A_163 : i32
      %swap3A_165 = arith.index_cast %add3A_164 : i32 to index
      %swap3A_166 = memref.load %arg7[%swap3A_165] : memref<512xi32, #tpu.memory_space<smem>>
      memref.store %sub3A_160, %arg7[%swap3A_165] : memref<512xi32, #tpu.memory_space<smem>>
      %ne3A_167 = arith.cmpi ne, %shift_right_logical3A_157, %shift_right_logical3A_138 : i32
      %convert_element_type3A_168 = arith.extui %ne3A_167 : i1 to i32
      %cond3A_169 = arith.constant 0 : i32
      %cond3A_170 = arith.cmpi ne, %convert_element_type3A_168, %cond3A_169 : i32
      scf.if %cond3A_170 {
        %swap3A_325 = arith.index_cast %add3A_153 : i32 to index
        %swap3A_326 = memref.load %arg8[%swap3A_325] : memref<512xi32, #tpu.memory_space<smem>>
        memref.store %shift_right_logical3A_157, %arg8[%swap3A_325] : memref<512xi32, #tpu.memory_space<smem>>
        %mul3A_327 = arith.constant 16 : i32
        %mul3A_328 = arith.muli %scan3A_23, %mul3A_327 : i32
        %add3A_329 = arith.constant 7 : i32
        %add3A_330 = arith.addi %mul3A_328, %add3A_329 : i32
        %swap3A_331 = arith.index_cast %add3A_153 : i32 to index
        %swap3A_332 = memref.load %arg9[%swap3A_331] : memref<513xi32, #tpu.memory_space<smem>>
        memref.store %add3A_330, %arg9[%swap3A_331] : memref<513xi32, #tpu.memory_space<smem>>
      } else {
      }
      %convert_element_type3A_171 = arith.extui %ne3A_167 : i1 to i32
      %add3A_172 = arith.addi %add3A_153, %convert_element_type3A_171 : i32
      %slice3A_173 = vector.extract_strided_slice %get3A_28 {offsets = [8], sizes = [1], strides = [1]} : vector<16xi32> to vector<1xi32>
      %squeeze3A_174 = vector.extract %slice3A_173[0] : i32 from vector<1xi32>
      %shift_right_logical3A_175 = arith.constant 7 : i32
      %shift_right_logical3A_176 = arith.shrui %squeeze3A_174, %shift_right_logical3A_175 : i32
      %shift_left3A_177 = arith.constant 7 : i32
      %shift_left3A_178 = arith.shli %shift_right_logical3A_176, %shift_left3A_177 : i32
      %sub3A_179 = arith.subi %squeeze3A_174, %shift_left3A_178 : i32
      %mul3A_180 = arith.constant 16 : i32
      %mul3A_181 = arith.muli %scan3A_23, %mul3A_180 : i32
      %add3A_182 = arith.constant 8 : i32
      %add3A_183 = arith.addi %mul3A_181, %add3A_182 : i32
      %swap3A_184 = arith.index_cast %add3A_183 : i32 to index
      %swap3A_185 = memref.load %arg7[%swap3A_184] : memref<512xi32, #tpu.memory_space<smem>>
      memref.store %sub3A_179, %arg7[%swap3A_184] : memref<512xi32, #tpu.memory_space<smem>>
      %ne3A_186 = arith.cmpi ne, %shift_right_logical3A_176, %shift_right_logical3A_157 : i32
      %convert_element_type3A_187 = arith.extui %ne3A_186 : i1 to i32
      %cond3A_188 = arith.constant 0 : i32
      %cond3A_189 = arith.cmpi ne, %convert_element_type3A_187, %cond3A_188 : i32
      scf.if %cond3A_189 {
        %swap3A_325 = arith.index_cast %add3A_172 : i32 to index
        %swap3A_326 = memref.load %arg8[%swap3A_325] : memref<512xi32, #tpu.memory_space<smem>>
        memref.store %shift_right_logical3A_176, %arg8[%swap3A_325] : memref<512xi32, #tpu.memory_space<smem>>
        %mul3A_327 = arith.constant 16 : i32
        %mul3A_328 = arith.muli %scan3A_23, %mul3A_327 : i32
        %add3A_329 = arith.constant 8 : i32
        %add3A_330 = arith.addi %mul3A_328, %add3A_329 : i32
        %swap3A_331 = arith.index_cast %add3A_172 : i32 to index
        %swap3A_332 = memref.load %arg9[%swap3A_331] : memref<513xi32, #tpu.memory_space<smem>>
        memref.store %add3A_330, %arg9[%swap3A_331] : memref<513xi32, #tpu.memory_space<smem>>
      } else {
      }
      %convert_element_type3A_190 = arith.extui %ne3A_186 : i1 to i32
      %add3A_191 = arith.addi %add3A_172, %convert_element_type3A_190 : i32
      %slice3A_192 = vector.extract_strided_slice %get3A_28 {offsets = [9], sizes = [1], strides = [1]} : vector<16xi32> to vector<1xi32>
      %squeeze3A_193 = vector.extract %slice3A_192[0] : i32 from vector<1xi32>
      %shift_right_logical3A_194 = arith.constant 7 : i32
      %shift_right_logical3A_195 = arith.shrui %squeeze3A_193, %shift_right_logical3A_194 : i32
      %shift_left3A_196 = arith.constant 7 : i32
      %shift_left3A_197 = arith.shli %shift_right_logical3A_195, %shift_left3A_196 : i32
      %sub3A_198 = arith.subi %squeeze3A_193, %shift_left3A_197 : i32
      %mul3A_199 = arith.constant 16 : i32
      %mul3A_200 = arith.muli %scan3A_23, %mul3A_199 : i32
      %add3A_201 = arith.constant 9 : i32
      %add3A_202 = arith.addi %mul3A_200, %add3A_201 : i32
      %swap3A_203 = arith.index_cast %add3A_202 : i32 to index
      %swap3A_204 = memref.load %arg7[%swap3A_203] : memref<512xi32, #tpu.memory_space<smem>>
      memref.store %sub3A_198, %arg7[%swap3A_203] : memref<512xi32, #tpu.memory_space<smem>>
      %ne3A_205 = arith.cmpi ne, %shift_right_logical3A_195, %shift_right_logical3A_176 : i32
      %convert_element_type3A_206 = arith.extui %ne3A_205 : i1 to i32
      %cond3A_207 = arith.constant 0 : i32
      %cond3A_208 = arith.cmpi ne, %convert_element_type3A_206, %cond3A_207 : i32
      scf.if %cond3A_208 {
        %swap3A_325 = arith.index_cast %add3A_191 : i32 to index
        %swap3A_326 = memref.load %arg8[%swap3A_325] : memref<512xi32, #tpu.memory_space<smem>>
        memref.store %shift_right_logical3A_195, %arg8[%swap3A_325] : memref<512xi32, #tpu.memory_space<smem>>
        %mul3A_327 = arith.constant 16 : i32
        %mul3A_328 = arith.muli %scan3A_23, %mul3A_327 : i32
        %add3A_329 = arith.constant 9 : i32
        %add3A_330 = arith.addi %mul3A_328, %add3A_329 : i32
        %swap3A_331 = arith.index_cast %add3A_191 : i32 to index
        %swap3A_332 = memref.load %arg9[%swap3A_331] : memref<513xi32, #tpu.memory_space<smem>>
        memref.store %add3A_330, %arg9[%swap3A_331] : memref<513xi32, #tpu.memory_space<smem>>
      } else {
      }
      %convert_element_type3A_209 = arith.extui %ne3A_205 : i1 to i32
      %add3A_210 = arith.addi %add3A_191, %convert_element_type3A_209 : i32
      %slice3A_211 = vector.extract_strided_slice %get3A_28 {offsets = [10], sizes = [1], strides = [1]} : vector<16xi32> to vector<1xi32>
      %squeeze3A_212 = vector.extract %slice3A_211[0] : i32 from vector<1xi32>
      %shift_right_logical3A_213 = arith.constant 7 : i32
      %shift_right_logical3A_214 = arith.shrui %squeeze3A_212, %shift_right_logical3A_213 : i32
      %shift_left3A_215 = arith.constant 7 : i32
      %shift_left3A_216 = arith.shli %shift_right_logical3A_214, %shift_left3A_215 : i32
      %sub3A_217 = arith.subi %squeeze3A_212, %shift_left3A_216 : i32
      %mul3A_218 = arith.constant 16 : i32
      %mul3A_219 = arith.muli %scan3A_23, %mul3A_218 : i32
      %add3A_220 = arith.constant 10 : i32
      %add3A_221 = arith.addi %mul3A_219, %add3A_220 : i32
      %swap3A_222 = arith.index_cast %add3A_221 : i32 to index
      %swap3A_223 = memref.load %arg7[%swap3A_222] : memref<512xi32, #tpu.memory_space<smem>>
      memref.store %sub3A_217, %arg7[%swap3A_222] : memref<512xi32, #tpu.memory_space<smem>>
      %ne3A_224 = arith.cmpi ne, %shift_right_logical3A_214, %shift_right_logical3A_195 : i32
      %convert_element_type3A_225 = arith.extui %ne3A_224 : i1 to i32
      %cond3A_226 = arith.constant 0 : i32
      %cond3A_227 = arith.cmpi ne, %convert_element_type3A_225, %cond3A_226 : i32
      scf.if %cond3A_227 {
        %swap3A_325 = arith.index_cast %add3A_210 : i32 to index
        %swap3A_326 = memref.load %arg8[%swap3A_325] : memref<512xi32, #tpu.memory_space<smem>>
        memref.store %shift_right_logical3A_214, %arg8[%swap3A_325] : memref<512xi32, #tpu.memory_space<smem>>
        %mul3A_327 = arith.constant 16 : i32
        %mul3A_328 = arith.muli %scan3A_23, %mul3A_327 : i32
        %add3A_329 = arith.constant 10 : i32
        %add3A_330 = arith.addi %mul3A_328, %add3A_329 : i32
        %swap3A_331 = arith.index_cast %add3A_210 : i32 to index
        %swap3A_332 = memref.load %arg9[%swap3A_331] : memref<513xi32, #tpu.memory_space<smem>>
        memref.store %add3A_330, %arg9[%swap3A_331] : memref<513xi32, #tpu.memory_space<smem>>
      } else {
      }
      %convert_element_type3A_228 = arith.extui %ne3A_224 : i1 to i32
      %add3A_229 = arith.addi %add3A_210, %convert_element_type3A_228 : i32
      %slice3A_230 = vector.extract_strided_slice %get3A_28 {offsets = [11], sizes = [1], strides = [1]} : vector<16xi32> to vector<1xi32>
      %squeeze3A_231 = vector.extract %slice3A_230[0] : i32 from vector<1xi32>
      %shift_right_logical3A_232 = arith.constant 7 : i32
      %shift_right_logical3A_233 = arith.shrui %squeeze3A_231, %shift_right_logical3A_232 : i32
      %shift_left3A_234 = arith.constant 7 : i32
      %shift_left3A_235 = arith.shli %shift_right_logical3A_233, %shift_left3A_234 : i32
      %sub3A_236 = arith.subi %squeeze3A_231, %shift_left3A_235 : i32
      %mul3A_237 = arith.constant 16 : i32
      %mul3A_238 = arith.muli %scan3A_23, %mul3A_237 : i32
      %add3A_239 = arith.constant 11 : i32
      %add3A_240 = arith.addi %mul3A_238, %add3A_239 : i32
      %swap3A_241 = arith.index_cast %add3A_240 : i32 to index
      %swap3A_242 = memref.load %arg7[%swap3A_241] : memref<512xi32, #tpu.memory_space<smem>>
      memref.store %sub3A_236, %arg7[%swap3A_241] : memref<512xi32, #tpu.memory_space<smem>>
      %ne3A_243 = arith.cmpi ne, %shift_right_logical3A_233, %shift_right_logical3A_214 : i32
      %convert_element_type3A_244 = arith.extui %ne3A_243 : i1 to i32
      %cond3A_245 = arith.constant 0 : i32
      %cond3A_246 = arith.cmpi ne, %convert_element_type3A_244, %cond3A_245 : i32
      scf.if %cond3A_246 {
        %swap3A_325 = arith.index_cast %add3A_229 : i32 to index
        %swap3A_326 = memref.load %arg8[%swap3A_325] : memref<512xi32, #tpu.memory_space<smem>>
        memref.store %shift_right_logical3A_233, %arg8[%swap3A_325] : memref<512xi32, #tpu.memory_space<smem>>
        %mul3A_327 = arith.constant 16 : i32
        %mul3A_328 = arith.muli %scan3A_23, %mul3A_327 : i32
        %add3A_329 = arith.constant 11 : i32
        %add3A_330 = arith.addi %mul3A_328, %add3A_329 : i32
        %swap3A_331 = arith.index_cast %add3A_229 : i32 to index
        %swap3A_332 = memref.load %arg9[%swap3A_331] : memref<513xi32, #tpu.memory_space<smem>>
        memref.store %add3A_330, %arg9[%swap3A_331] : memref<513xi32, #tpu.memory_space<smem>>
      } else {
      }
      %convert_element_type3A_247 = arith.extui %ne3A_243 : i1 to i32
      %add3A_248 = arith.addi %add3A_229, %convert_element_type3A_247 : i32
      %slice3A_249 = vector.extract_strided_slice %get3A_28 {offsets = [12], sizes = [1], strides = [1]} : vector<16xi32> to vector<1xi32>
      %squeeze3A_250 = vector.extract %slice3A_249[0] : i32 from vector<1xi32>
      %shift_right_logical3A_251 = arith.constant 7 : i32
      %shift_right_logical3A_252 = arith.shrui %squeeze3A_250, %shift_right_logical3A_251 : i32
      %shift_left3A_253 = arith.constant 7 : i32
      %shift_left3A_254 = arith.shli %shift_right_logical3A_252, %shift_left3A_253 : i32
      %sub3A_255 = arith.subi %squeeze3A_250, %shift_left3A_254 : i32
      %mul3A_256 = arith.constant 16 : i32
      %mul3A_257 = arith.muli %scan3A_23, %mul3A_256 : i32
      %add3A_258 = arith.constant 12 : i32
      %add3A_259 = arith.addi %mul3A_257, %add3A_258 : i32
      %swap3A_260 = arith.index_cast %add3A_259 : i32 to index
      %swap3A_261 = memref.load %arg7[%swap3A_260] : memref<512xi32, #tpu.memory_space<smem>>
      memref.store %sub3A_255, %arg7[%swap3A_260] : memref<512xi32, #tpu.memory_space<smem>>
      %ne3A_262 = arith.cmpi ne, %shift_right_logical3A_252, %shift_right_logical3A_233 : i32
      %convert_element_type3A_263 = arith.extui %ne3A_262 : i1 to i32
      %cond3A_264 = arith.constant 0 : i32
      %cond3A_265 = arith.cmpi ne, %convert_element_type3A_263, %cond3A_264 : i32
      scf.if %cond3A_265 {
        %swap3A_325 = arith.index_cast %add3A_248 : i32 to index
        %swap3A_326 = memref.load %arg8[%swap3A_325] : memref<512xi32, #tpu.memory_space<smem>>
        memref.store %shift_right_logical3A_252, %arg8[%swap3A_325] : memref<512xi32, #tpu.memory_space<smem>>
        %mul3A_327 = arith.constant 16 : i32
        %mul3A_328 = arith.muli %scan3A_23, %mul3A_327 : i32
        %add3A_329 = arith.constant 12 : i32
        %add3A_330 = arith.addi %mul3A_328, %add3A_329 : i32
        %swap3A_331 = arith.index_cast %add3A_248 : i32 to index
        %swap3A_332 = memref.load %arg9[%swap3A_331] : memref<513xi32, #tpu.memory_space<smem>>
        memref.store %add3A_330, %arg9[%swap3A_331] : memref<513xi32, #tpu.memory_space<smem>>
      } else {
      }
      %convert_element_type3A_266 = arith.extui %ne3A_262 : i1 to i32
      %add3A_267 = arith.addi %add3A_248, %convert_element_type3A_266 : i32
      %slice3A_268 = vector.extract_strided_slice %get3A_28 {offsets = [13], sizes = [1], strides = [1]} : vector<16xi32> to vector<1xi32>
      %squeeze3A_269 = vector.extract %slice3A_268[0] : i32 from vector<1xi32>
      %shift_right_logical3A_270 = arith.constant 7 : i32
      %shift_right_logical3A_271 = arith.shrui %squeeze3A_269, %shift_right_logical3A_270 : i32
      %shift_left3A_272 = arith.constant 7 : i32
      %shift_left3A_273 = arith.shli %shift_right_logical3A_271, %shift_left3A_272 : i32
      %sub3A_274 = arith.subi %squeeze3A_269, %shift_left3A_273 : i32
      %mul3A_275 = arith.constant 16 : i32
      %mul3A_276 = arith.muli %scan3A_23, %mul3A_275 : i32
      %add3A_277 = arith.constant 13 : i32
      %add3A_278 = arith.addi %mul3A_276, %add3A_277 : i32
      %swap3A_279 = arith.index_cast %add3A_278 : i32 to index
      %swap3A_280 = memref.load %arg7[%swap3A_279] : memref<512xi32, #tpu.memory_space<smem>>
      memref.store %sub3A_274, %arg7[%swap3A_279] : memref<512xi32, #tpu.memory_space<smem>>
      %ne3A_281 = arith.cmpi ne, %shift_right_logical3A_271, %shift_right_logical3A_252 : i32
      %convert_element_type3A_282 = arith.extui %ne3A_281 : i1 to i32
      %cond3A_283 = arith.constant 0 : i32
      %cond3A_284 = arith.cmpi ne, %convert_element_type3A_282, %cond3A_283 : i32
      scf.if %cond3A_284 {
        %swap3A_325 = arith.index_cast %add3A_267 : i32 to index
        %swap3A_326 = memref.load %arg8[%swap3A_325] : memref<512xi32, #tpu.memory_space<smem>>
        memref.store %shift_right_logical3A_271, %arg8[%swap3A_325] : memref<512xi32, #tpu.memory_space<smem>>
        %mul3A_327 = arith.constant 16 : i32
        %mul3A_328 = arith.muli %scan3A_23, %mul3A_327 : i32
        %add3A_329 = arith.constant 13 : i32
        %add3A_330 = arith.addi %mul3A_328, %add3A_329 : i32
        %swap3A_331 = arith.index_cast %add3A_267 : i32 to index
        %swap3A_332 = memref.load %arg9[%swap3A_331] : memref<513xi32, #tpu.memory_space<smem>>
        memref.store %add3A_330, %arg9[%swap3A_331] : memref<513xi32, #tpu.memory_space<smem>>
      } else {
      }
      %convert_element_type3A_285 = arith.extui %ne3A_281 : i1 to i32
      %add3A_286 = arith.addi %add3A_267, %convert_element_type3A_285 : i32
      %slice3A_287 = vector.extract_strided_slice %get3A_28 {offsets = [14], sizes = [1], strides = [1]} : vector<16xi32> to vector<1xi32>
      %squeeze3A_288 = vector.extract %slice3A_287[0] : i32 from vector<1xi32>
      %shift_right_logical3A_289 = arith.constant 7 : i32
      %shift_right_logical3A_290 = arith.shrui %squeeze3A_288, %shift_right_logical3A_289 : i32
      %shift_left3A_291 = arith.constant 7 : i32
      %shift_left3A_292 = arith.shli %shift_right_logical3A_290, %shift_left3A_291 : i32
      %sub3A_293 = arith.subi %squeeze3A_288, %shift_left3A_292 : i32
      %mul3A_294 = arith.constant 16 : i32
      %mul3A_295 = arith.muli %scan3A_23, %mul3A_294 : i32
      %add3A_296 = arith.constant 14 : i32
      %add3A_297 = arith.addi %mul3A_295, %add3A_296 : i32
      %swap3A_298 = arith.index_cast %add3A_297 : i32 to index
      %swap3A_299 = memref.load %arg7[%swap3A_298] : memref<512xi32, #tpu.memory_space<smem>>
      memref.store %sub3A_293, %arg7[%swap3A_298] : memref<512xi32, #tpu.memory_space<smem>>
      %ne3A_300 = arith.cmpi ne, %shift_right_logical3A_290, %shift_right_logical3A_271 : i32
      %convert_element_type3A_301 = arith.extui %ne3A_300 : i1 to i32
      %cond3A_302 = arith.constant 0 : i32
      %cond3A_303 = arith.cmpi ne, %convert_element_type3A_301, %cond3A_302 : i32
      scf.if %cond3A_303 {
        %swap3A_325 = arith.index_cast %add3A_286 : i32 to index
        %swap3A_326 = memref.load %arg8[%swap3A_325] : memref<512xi32, #tpu.memory_space<smem>>
        memref.store %shift_right_logical3A_290, %arg8[%swap3A_325] : memref<512xi32, #tpu.memory_space<smem>>
        %mul3A_327 = arith.constant 16 : i32
        %mul3A_328 = arith.muli %scan3A_23, %mul3A_327 : i32
        %add3A_329 = arith.constant 14 : i32
        %add3A_330 = arith.addi %mul3A_328, %add3A_329 : i32
        %swap3A_331 = arith.index_cast %add3A_286 : i32 to index
        %swap3A_332 = memref.load %arg9[%swap3A_331] : memref<513xi32, #tpu.memory_space<smem>>
        memref.store %add3A_330, %arg9[%swap3A_331] : memref<513xi32, #tpu.memory_space<smem>>
      } else {
      }
      %convert_element_type3A_304 = arith.extui %ne3A_300 : i1 to i32
      %add3A_305 = arith.addi %add3A_286, %convert_element_type3A_304 : i32
      %slice3A_306 = vector.extract_strided_slice %get3A_28 {offsets = [15], sizes = [1], strides = [1]} : vector<16xi32> to vector<1xi32>
      %squeeze3A_307 = vector.extract %slice3A_306[0] : i32 from vector<1xi32>
      %shift_right_logical3A_308 = arith.constant 7 : i32
      %shift_right_logical3A_309 = arith.shrui %squeeze3A_307, %shift_right_logical3A_308 : i32
      %shift_left3A_310 = arith.constant 7 : i32
      %shift_left3A_311 = arith.shli %shift_right_logical3A_309, %shift_left3A_310 : i32
      %sub3A_312 = arith.subi %squeeze3A_307, %shift_left3A_311 : i32
      %mul3A_313 = arith.constant 16 : i32
      %mul3A_314 = arith.muli %scan3A_23, %mul3A_313 : i32
      %add3A_315 = arith.constant 15 : i32
      %add3A_316 = arith.addi %mul3A_314, %add3A_315 : i32
      %swap3A_317 = arith.index_cast %add3A_316 : i32 to index
      %swap3A_318 = memref.load %arg7[%swap3A_317] : memref<512xi32, #tpu.memory_space<smem>>
      memref.store %sub3A_312, %arg7[%swap3A_317] : memref<512xi32, #tpu.memory_space<smem>>
      %ne3A_319 = arith.cmpi ne, %shift_right_logical3A_309, %shift_right_logical3A_290 : i32
      %convert_element_type3A_320 = arith.extui %ne3A_319 : i1 to i32
      %cond3A_321 = arith.constant 0 : i32
      %cond3A_322 = arith.cmpi ne, %convert_element_type3A_320, %cond3A_321 : i32
      scf.if %cond3A_322 {
        %swap3A_325 = arith.index_cast %add3A_305 : i32 to index
        %swap3A_326 = memref.load %arg8[%swap3A_325] : memref<512xi32, #tpu.memory_space<smem>>
        memref.store %shift_right_logical3A_309, %arg8[%swap3A_325] : memref<512xi32, #tpu.memory_space<smem>>
        %mul3A_327 = arith.constant 16 : i32
        %mul3A_328 = arith.muli %scan3A_23, %mul3A_327 : i32
        %add3A_329 = arith.constant 15 : i32
        %add3A_330 = arith.addi %mul3A_328, %add3A_329 : i32
        %swap3A_331 = arith.index_cast %add3A_305 : i32 to index
        %swap3A_332 = memref.load %arg9[%swap3A_331] : memref<513xi32, #tpu.memory_space<smem>>
        memref.store %add3A_330, %arg9[%swap3A_331] : memref<513xi32, #tpu.memory_space<smem>>
      } else {
      }
      %convert_element_type3A_323 = arith.extui %ne3A_319 : i1 to i32
      %add3A_324 = arith.addi %add3A_305, %convert_element_type3A_323 : i32
      scf.yield %add3A_324, %shift_right_logical3A_309 : i32, i32
    }
    %scan3A_9 = arith.constant 32 : i32
    %swap3A = arith.constant 512 : i32
    %swap3A_10 = arith.index_cast %scan3A_8#0 : i32 to index
    %swap3A_11 = memref.load %arg9[%swap3A_10] : memref<513xi32, #tpu.memory_space<smem>>
    memref.store %swap3A, %arg9[%swap3A_10] : memref<513xi32, #tpu.memory_space<smem>>
    %add3A_12 = arith.constant 5 : i32
    %add3A_13 = arith.addi %scan3A_8#0, %add3A_12 : i32
    %while3A = arith.constant 0 : i32
    %while3A_14 = arith.constant 0 : i32
    %while3A_15 = arith.subi %add3A_13, %while3A_14 : i32
    %while3A_16 = arith.addi %while3A_14, %while3A_15 : i32
    %while3A_17 = arith.constant 1 : i32
    %while3A_18 = arith.divsi %while3A_15, %while3A_17 : i32
    %while3A_19 = arith.muli %while3A_18, %while3A_17 : i32
    %while3A_20 = arith.addi %while3A_14, %while3A_19 : i32
    %while3A_21 = arith.constant 1 : i32
    scf.for %while3A_23 = %while3A_14 to %while3A_20 step %while3A_21  : i32 {
      %lt3A = arith.cmpi slt, %while3A_23, %scan3A_8#0 : i32
      %convert_element_type3A = arith.extui %lt3A : i1 to i32
      %cond3A = arith.constant 0 : i32
      %cond3A_24 = arith.cmpi ne, %convert_element_type3A, %cond3A : i32
      scf.if %cond3A_24 {
        %get3A = arith.index_cast %while3A_23 : i32 to index
        %get3A_31 = memref.load %arg8[%get3A] : memref<512xi32, #tpu.memory_space<smem>>
        %rem3A = arith.constant 6 : i32
        %rem3A_32 = arith.remsi %while3A_23, %rem3A : i32
        %mul3A_33 = arith.constant 128 : i32
        %mul3A_34 = arith.muli %rem3A_32, %mul3A_33 : i32
        %multiple_of3A = tpu.assume_multiple %mul3A_34, 128 : i32
        %eq3A = arith.constant 7812 : i32
        %eq3A_35 = arith.cmpi eq, %get3A_31, %eq3A : i32
        %convert_element_type3A_36 = arith.extui %eq3A_35 : i1 to i32
        %cond3A_37 = arith.constant 0 : i32
        %cond3A_38 = arith.cmpi ne, %convert_element_type3A_36, %cond3A_37 : i32
        scf.if %cond3A_38 {
          %dma_start3A = arith.constant 0 : i32
          %dma_start3A_43 = tpu.memref_slice %arg10[%dma_start3A, %multiple_of3A] : memref<64x768xf32, #tpu.memory_space<vmem>> -> memref<64x128xf32, #tpu.memory_space<vmem>>
          %dma_start3A_44 = arith.constant 0 : i32
          %dma_start3A_45 = tpu.memref_slice %arg10[%dma_start3A_44, %multiple_of3A] : memref<64x768xf32, #tpu.memory_space<vmem>> -> memref<64x128xf32, #tpu.memory_space<vmem>>
          tpu.enqueue_dma source(%arg4 : memref<64x128xf32, #tpu.memory_space<hbm>>) target(%dma_start3A_45 : memref<64x128xf32, #tpu.memory_space<vmem>>) target_semaphore(%arg12 : memref<!tpu.dma_semaphore, #tpu.memory_space<semaphore_mem>>)
        } else {
        }
        %ne3A = arith.constant 7812 : i32
        %ne3A_39 = arith.cmpi ne, %get3A_31, %ne3A : i32
        %convert_element_type3A_40 = arith.extui %ne3A_39 : i1 to i32
        %cond3A_41 = arith.constant 0 : i32
        %cond3A_42 = arith.cmpi ne, %convert_element_type3A_40, %cond3A_41 : i32
        scf.if %cond3A_42 {
          %shift_left3A = arith.constant 7 : i32
          %shift_left3A_43 = arith.shli %get3A_31, %shift_left3A : i32
          %multiple_of3A_44 = tpu.assume_multiple %shift_left3A_43, 128 : i32
          %dma_start3A = arith.constant 0 : i32
          %dma_start3A_45 = tpu.memref_slice %arg10[%dma_start3A, %multiple_of3A] : memref<64x768xf32, #tpu.memory_space<vmem>> -> memref<64x128xf32, #tpu.memory_space<vmem>>
          %dma_start3A_46 = arith.constant 0 : i32
          %dma_start3A_47 = tpu.memref_slice %arg2[%dma_start3A_46, %multiple_of3A_44] : memref<64x1000000xf32, #tpu.memory_space<hbm>> -> memref<64x128xf32, #tpu.memory_space<hbm>>
          %dma_start3A_48 = arith.constant 0 : i32
          %dma_start3A_49 = tpu.memref_slice %arg10[%dma_start3A_48, %multiple_of3A] : memref<64x768xf32, #tpu.memory_space<vmem>> -> memref<64x128xf32, #tpu.memory_space<vmem>>
          %dma_start3A_50 = arith.constant 0 : i32
          %dma_start3A_51 = tpu.memref_slice %arg2[%dma_start3A_50, %multiple_of3A_44] : memref<64x1000000xf32, #tpu.memory_space<hbm>> -> memref<64x128xf32, #tpu.memory_space<hbm>>
          tpu.enqueue_dma source(%dma_start3A_51 : memref<64x128xf32, #tpu.memory_space<hbm>>) target(%dma_start3A_49 : memref<64x128xf32, #tpu.memory_space<vmem>>) target_semaphore(%arg12 : memref<!tpu.dma_semaphore, #tpu.memory_space<semaphore_mem>>)
        } else {
        }
      } else {
      }
      %sub3A = arith.constant 5 : i32
      %sub3A_25 = arith.subi %while3A_23, %sub3A : i32
      %ge3A = arith.constant 0 : i32
      %ge3A_26 = arith.cmpi sge, %sub3A_25, %ge3A : i32
      %lt3A_27 = arith.cmpi slt, %sub3A_25, %scan3A_8#0 : i32
      %and3A = arith.andi %ge3A_26, %lt3A_27 : i1
      %convert_element_type3A_28 = arith.extui %and3A : i1 to i32
      %cond3A_29 = arith.constant 0 : i32
      %cond3A_30 = arith.cmpi ne, %convert_element_type3A_28, %cond3A_29 : i32
      scf.if %cond3A_30 {
        %dma_wait3A = arith.constant 0 : i32
        %dma_wait3A_31 = arith.constant 0 : i32
        %dma_wait3A_32 = tpu.memref_slice %arg10[%dma_wait3A, %dma_wait3A_31] : memref<64x768xf32, #tpu.memory_space<vmem>> -> memref<64x128xf32, #tpu.memory_space<vmem>>
        %dma_wait3A_33 = arith.constant 0 : i32
        %dma_wait3A_34 = arith.constant 0 : i32
        %dma_wait3A_35 = tpu.memref_slice %arg2[%dma_wait3A_33, %dma_wait3A_34] : memref<64x1000000xf32, #tpu.memory_space<hbm>> -> memref<64x128xf32, #tpu.memory_space<hbm>>
        %dma_wait3A_36 = arith.constant 0 : i32
        %dma_wait3A_37 = arith.constant 0 : i32
        %dma_wait3A_38 = tpu.memref_slice %arg10[%dma_wait3A_36, %dma_wait3A_37] : memref<64x768xf32, #tpu.memory_space<vmem>> -> memref<64x128xf32, #tpu.memory_space<vmem>>
        %dma_wait3A_39 = arith.constant 0 : i32
        %dma_wait3A_40 = arith.constant 0 : i32
        %dma_wait3A_41 = tpu.memref_slice %arg2[%dma_wait3A_39, %dma_wait3A_40] : memref<64x1000000xf32, #tpu.memory_space<hbm>> -> memref<64x128xf32, #tpu.memory_space<hbm>>
        tpu.wait_dma2 semaphore(%arg12 : memref<!tpu.dma_semaphore, #tpu.memory_space<semaphore_mem>>) src(%dma_wait3A_41 : memref<64x128xf32, #tpu.memory_space<hbm>>) dst(%dma_wait3A_38 : memref<64x128xf32, #tpu.memory_space<vmem>>)
        %rem3A = arith.constant 6 : i32
        %rem3A_42 = arith.remsi %sub3A_25, %rem3A : i32
        %mul3A_43 = arith.constant 128 : i32
        %mul3A_44 = arith.muli %rem3A_42, %mul3A_43 : i32
        %get3A = arith.index_cast %sub3A_25 : i32 to index
        %get3A_45 = memref.load %arg9[%get3A] : memref<513xi32, #tpu.memory_space<smem>>
        %add3A_46 = arith.constant 1 : i32
        %add3A_47 = arith.addi %sub3A_25, %add3A_46 : i32
        %get3A_48 = arith.index_cast %add3A_47 : i32 to index
        %get3A_49 = memref.load %arg9[%get3A_48] : memref<513xi32, #tpu.memory_space<smem>>
        %while3A_50 = arith.constant 0 : i32
        %while3A_51 = arith.subi %get3A_49, %get3A_45 : i32
        %while3A_52 = arith.addi %get3A_45, %while3A_51 : i32
        %while3A_53 = arith.constant 1 : i32
        %while3A_54 = arith.divsi %while3A_51, %while3A_53 : i32
        %while3A_55 = arith.muli %while3A_54, %while3A_53 : i32
        %while3A_56 = arith.addi %get3A_45, %while3A_55 : i32
        %while3A_57 = arith.constant 1 : i32
        scf.for %while3A_59 = %get3A_45 to %while3A_56 step %while3A_57  : i32 {
          %get3A_60 = arith.index_cast %while3A_59 : i32 to index
          %get3A_61 = memref.load %arg7[%get3A_60] : memref<512xi32, #tpu.memory_space<smem>>
          %add3A_62 = arith.addi %get3A_61, %mul3A_44 : i32
          %broadcast_in_dim3A = vector.broadcast %add3A_62 : i32 to vector<16xi32>
          %broadcast_in_dim3A_63 = vector.broadcast %while3A_59 : i32 to vector<16xi32>
          %add3A_64 = arith.constant 0 : i32
          %add3A_65 = vector.broadcast %add3A_64 : i32 to vector<16xi32>
          %add3A_66 = arith.addi %iota3A, %add3A_65 : vector<16xi32>
          %gather3A = tpu.vector_load_idx %arg10[%add3A_66, %broadcast_in_dim3A] : memref<64x768xf32, #tpu.memory_space<vmem>>[vector<16xi32>, vector<16xi32>], vector<16xf32>,
          %add3A_67 = arith.constant 0 : i32
          %add3A_68 = vector.broadcast %add3A_67 : i32 to vector<16xi32>
          %add3A_69 = arith.addi %iota3A, %add3A_68 : vector<16xi32>
          tpu.vector_store_idx %arg11[%broadcast_in_dim3A_63, %add3A_69], %gather3A : memref<512x128xf32, #tpu.memory_space<vmem>>[vector<16xi32>, vector<16xi32>], vector<16xf32>,
          %add3A_70 = arith.constant 16 : i32
          %add3A_71 = vector.broadcast %add3A_70 : i32 to vector<16xi32>
          %add3A_72 = arith.addi %iota3A, %add3A_71 : vector<16xi32>
          %gather3A_73 = tpu.vector_load_idx %arg10[%add3A_72, %broadcast_in_dim3A] : memref<64x768xf32, #tpu.memory_space<vmem>>[vector<16xi32>, vector<16xi32>], vector<16xf32>,
          %add3A_74 = arith.constant 16 : i32
          %add3A_75 = vector.broadcast %add3A_74 : i32 to vector<16xi32>
          %add3A_76 = arith.addi %iota3A, %add3A_75 : vector<16xi32>
          tpu.vector_store_idx %arg11[%broadcast_in_dim3A_63, %add3A_76], %gather3A_73 : memref<512x128xf32, #tpu.memory_space<vmem>>[vector<16xi32>, vector<16xi32>], vector<16xf32>,
          %add3A_77 = arith.constant 32 : i32
          %add3A_78 = vector.broadcast %add3A_77 : i32 to vector<16xi32>
          %add3A_79 = arith.addi %iota3A, %add3A_78 : vector<16xi32>
          %gather3A_80 = tpu.vector_load_idx %arg10[%add3A_79, %broadcast_in_dim3A] : memref<64x768xf32, #tpu.memory_space<vmem>>[vector<16xi32>, vector<16xi32>], vector<16xf32>,
          %add3A_81 = arith.constant 32 : i32
          %add3A_82 = vector.broadcast %add3A_81 : i32 to vector<16xi32>
          %add3A_83 = arith.addi %iota3A, %add3A_82 : vector<16xi32>
          tpu.vector_store_idx %arg11[%broadcast_in_dim3A_63, %add3A_83], %gather3A_80 : memref<512x128xf32, #tpu.memory_space<vmem>>[vector<16xi32>, vector<16xi32>], vector<16xf32>,
          %add3A_84 = arith.constant 48 : i32
          %add3A_85 = vector.broadcast %add3A_84 : i32 to vector<16xi32>
          %add3A_86 = arith.addi %iota3A, %add3A_85 : vector<16xi32>
          %gather3A_87 = tpu.vector_load_idx %arg10[%add3A_86, %broadcast_in_dim3A] : memref<64x768xf32, #tpu.memory_space<vmem>>[vector<16xi32>, vector<16xi32>], vector<16xf32>,
          %add3A_88 = arith.constant 48 : i32
          %add3A_89 = vector.broadcast %add3A_88 : i32 to vector<16xi32>
          %add3A_90 = arith.addi %iota3A, %add3A_89 : vector<16xi32>
          tpu.vector_store_idx %arg11[%broadcast_in_dim3A_63, %add3A_90], %gather3A_87 : memref<512x128xf32, #tpu.memory_space<vmem>>[vector<16xi32>, vector<16xi32>], vector<16xf32>,
        }
        %while3A_58 = arith.constant 1 : i32
        scf.for %while3A_59 = %while3A_56 to %while3A_52 step %while3A_58  : i32 {
          %get3A_60 = arith.index_cast %while3A_59 : i32 to index
          %get3A_61 = memref.load %arg7[%get3A_60] : memref<512xi32, #tpu.memory_space<smem>>
          %add3A_62 = arith.addi %get3A_61, %mul3A_44 : i32
          %broadcast_in_dim3A = vector.broadcast %add3A_62 : i32 to vector<16xi32>
          %broadcast_in_dim3A_63 = vector.broadcast %while3A_59 : i32 to vector<16xi32>
          %add3A_64 = arith.constant 0 : i32
          %add3A_65 = vector.broadcast %add3A_64 : i32 to vector<16xi32>
          %add3A_66 = arith.addi %iota3A, %add3A_65 : vector<16xi32>
          %gather3A = tpu.vector_load_idx %arg10[%add3A_66, %broadcast_in_dim3A] : memref<64x768xf32, #tpu.memory_space<vmem>>[vector<16xi32>, vector<16xi32>], vector<16xf32>,
          %add3A_67 = arith.constant 0 : i32
          %add3A_68 = vector.broadcast %add3A_67 : i32 to vector<16xi32>
          %add3A_69 = arith.addi %iota3A, %add3A_68 : vector<16xi32>
          tpu.vector_store_idx %arg11[%broadcast_in_dim3A_63, %add3A_69], %gather3A : memref<512x128xf32, #tpu.memory_space<vmem>>[vector<16xi32>, vector<16xi32>], vector<16xf32>,
          %add3A_70 = arith.constant 16 : i32
          %add3A_71 = vector.broadcast %add3A_70 : i32 to vector<16xi32>
          %add3A_72 = arith.addi %iota3A, %add3A_71 : vector<16xi32>
          %gather3A_73 = tpu.vector_load_idx %arg10[%add3A_72, %broadcast_in_dim3A] : memref<64x768xf32, #tpu.memory_space<vmem>>[vector<16xi32>, vector<16xi32>], vector<16xf32>,
          %add3A_74 = arith.constant 16 : i32
          %add3A_75 = vector.broadcast %add3A_74 : i32 to vector<16xi32>
          %add3A_76 = arith.addi %iota3A, %add3A_75 : vector<16xi32>
          tpu.vector_store_idx %arg11[%broadcast_in_dim3A_63, %add3A_76], %gather3A_73 : memref<512x128xf32, #tpu.memory_space<vmem>>[vector<16xi32>, vector<16xi32>], vector<16xf32>,
          %add3A_77 = arith.constant 32 : i32
          %add3A_78 = vector.broadcast %add3A_77 : i32 to vector<16xi32>
          %add3A_79 = arith.addi %iota3A, %add3A_78 : vector<16xi32>
          %gather3A_80 = tpu.vector_load_idx %arg10[%add3A_79, %broadcast_in_dim3A] : memref<64x768xf32, #tpu.memory_space<vmem>>[vector<16xi32>, vector<16xi32>], vector<16xf32>,
          %add3A_81 = arith.constant 32 : i32
          %add3A_82 = vector.broadcast %add3A_81 : i32 to vector<16xi32>
          %add3A_83 = arith.addi %iota3A, %add3A_82 : vector<16xi32>
          tpu.vector_store_idx %arg11[%broadcast_in_dim3A_63, %add3A_83], %gather3A_80 : memref<512x128xf32, #tpu.memory_space<vmem>>[vector<16xi32>, vector<16xi32>], vector<16xf32>,
          %add3A_84 = arith.constant 48 : i32
          %add3A_85 = vector.broadcast %add3A_84 : i32 to vector<16xi32>
          %add3A_86 = arith.addi %iota3A, %add3A_85 : vector<16xi32>
          %gather3A_87 = tpu.vector_load_idx %arg10[%add3A_86, %broadcast_in_dim3A] : memref<64x768xf32, #tpu.memory_space<vmem>>[vector<16xi32>, vector<16xi32>], vector<16xf32>,
          %add3A_88 = arith.constant 48 : i32
          %add3A_89 = vector.broadcast %add3A_88 : i32 to vector<16xi32>
          %add3A_90 = arith.addi %iota3A, %add3A_89 : vector<16xi32>
          tpu.vector_store_idx %arg11[%broadcast_in_dim3A_63, %add3A_90], %gather3A_87 : memref<512x128xf32, #tpu.memory_space<vmem>>[vector<16xi32>, vector<16xi32>], vector<16xf32>,
        }
      } else {
      }
    }
    %while3A_22 = arith.constant 1 : i32
    scf.for %while3A_23 = %while3A_20 to %while3A_16 step %while3A_22  : i32 {
      %lt3A = arith.cmpi slt, %while3A_23, %scan3A_8#0 : i32
      %convert_element_type3A = arith.extui %lt3A : i1 to i32
      %cond3A = arith.constant 0 : i32
      %cond3A_24 = arith.cmpi ne, %convert_element_type3A, %cond3A : i32
      scf.if %cond3A_24 {
        %get3A = arith.index_cast %while3A_23 : i32 to index
        %get3A_31 = memref.load %arg8[%get3A] : memref<512xi32, #tpu.memory_space<smem>>
        %rem3A = arith.constant 6 : i32
        %rem3A_32 = arith.remsi %while3A_23, %rem3A : i32
        %mul3A_33 = arith.constant 128 : i32
        %mul3A_34 = arith.muli %rem3A_32, %mul3A_33 : i32
        %multiple_of3A = tpu.assume_multiple %mul3A_34, 128 : i32
        %eq3A = arith.constant 7812 : i32
        %eq3A_35 = arith.cmpi eq, %get3A_31, %eq3A : i32
        %convert_element_type3A_36 = arith.extui %eq3A_35 : i1 to i32
        %cond3A_37 = arith.constant 0 : i32
        %cond3A_38 = arith.cmpi ne, %convert_element_type3A_36, %cond3A_37 : i32
        scf.if %cond3A_38 {
          %dma_start3A = arith.constant 0 : i32
          %dma_start3A_43 = tpu.memref_slice %arg10[%dma_start3A, %multiple_of3A] : memref<64x768xf32, #tpu.memory_space<vmem>> -> memref<64x128xf32, #tpu.memory_space<vmem>>
          %dma_start3A_44 = arith.constant 0 : i32
          %dma_start3A_45 = tpu.memref_slice %arg10[%dma_start3A_44, %multiple_of3A] : memref<64x768xf32, #tpu.memory_space<vmem>> -> memref<64x128xf32, #tpu.memory_space<vmem>>
          tpu.enqueue_dma source(%arg4 : memref<64x128xf32, #tpu.memory_space<hbm>>) target(%dma_start3A_45 : memref<64x128xf32, #tpu.memory_space<vmem>>) target_semaphore(%arg12 : memref<!tpu.dma_semaphore, #tpu.memory_space<semaphore_mem>>)
        } else {
        }
        %ne3A = arith.constant 7812 : i32
        %ne3A_39 = arith.cmpi ne, %get3A_31, %ne3A : i32
        %convert_element_type3A_40 = arith.extui %ne3A_39 : i1 to i32
        %cond3A_41 = arith.constant 0 : i32
        %cond3A_42 = arith.cmpi ne, %convert_element_type3A_40, %cond3A_41 : i32
        scf.if %cond3A_42 {
          %shift_left3A = arith.constant 7 : i32
          %shift_left3A_43 = arith.shli %get3A_31, %shift_left3A : i32
          %multiple_of3A_44 = tpu.assume_multiple %shift_left3A_43, 128 : i32
          %dma_start3A = arith.constant 0 : i32
          %dma_start3A_45 = tpu.memref_slice %arg10[%dma_start3A, %multiple_of3A] : memref<64x768xf32, #tpu.memory_space<vmem>> -> memref<64x128xf32, #tpu.memory_space<vmem>>
          %dma_start3A_46 = arith.constant 0 : i32
          %dma_start3A_47 = tpu.memref_slice %arg2[%dma_start3A_46, %multiple_of3A_44] : memref<64x1000000xf32, #tpu.memory_space<hbm>> -> memref<64x128xf32, #tpu.memory_space<hbm>>
          %dma_start3A_48 = arith.constant 0 : i32
          %dma_start3A_49 = tpu.memref_slice %arg10[%dma_start3A_48, %multiple_of3A] : memref<64x768xf32, #tpu.memory_space<vmem>> -> memref<64x128xf32, #tpu.memory_space<vmem>>
          %dma_start3A_50 = arith.constant 0 : i32
          %dma_start3A_51 = tpu.memref_slice %arg2[%dma_start3A_50, %multiple_of3A_44] : memref<64x1000000xf32, #tpu.memory_space<hbm>> -> memref<64x128xf32, #tpu.memory_space<hbm>>
          tpu.enqueue_dma source(%dma_start3A_51 : memref<64x128xf32, #tpu.memory_space<hbm>>) target(%dma_start3A_49 : memref<64x128xf32, #tpu.memory_space<vmem>>) target_semaphore(%arg12 : memref<!tpu.dma_semaphore, #tpu.memory_space<semaphore_mem>>)
        } else {
        }
      } else {
      }
      %sub3A = arith.constant 5 : i32
      %sub3A_25 = arith.subi %while3A_23, %sub3A : i32
      %ge3A = arith.constant 0 : i32
      %ge3A_26 = arith.cmpi sge, %sub3A_25, %ge3A : i32
      %lt3A_27 = arith.cmpi slt, %sub3A_25, %scan3A_8#0 : i32
      %and3A = arith.andi %ge3A_26, %lt3A_27 : i1
      %convert_element_type3A_28 = arith.extui %and3A : i1 to i32
      %cond3A_29 = arith.constant 0 : i32
      %cond3A_30 = arith.cmpi ne, %convert_element_type3A_28, %cond3A_29 : i32
      scf.if %cond3A_30 {
        %dma_wait3A = arith.constant 0 : i32
        %dma_wait3A_31 = arith.constant 0 : i32
        %dma_wait3A_32 = tpu.memref_slice %arg10[%dma_wait3A, %dma_wait3A_31] : memref<64x768xf32, #tpu.memory_space<vmem>> -> memref<64x128xf32, #tpu.memory_space<vmem>>
        %dma_wait3A_33 = arith.constant 0 : i32
        %dma_wait3A_34 = arith.constant 0 : i32
        %dma_wait3A_35 = tpu.memref_slice %arg2[%dma_wait3A_33, %dma_wait3A_34] : memref<64x1000000xf32, #tpu.memory_space<hbm>> -> memref<64x128xf32, #tpu.memory_space<hbm>>
        %dma_wait3A_36 = arith.constant 0 : i32
        %dma_wait3A_37 = arith.constant 0 : i32
        %dma_wait3A_38 = tpu.memref_slice %arg10[%dma_wait3A_36, %dma_wait3A_37] : memref<64x768xf32, #tpu.memory_space<vmem>> -> memref<64x128xf32, #tpu.memory_space<vmem>>
        %dma_wait3A_39 = arith.constant 0 : i32
        %dma_wait3A_40 = arith.constant 0 : i32
        %dma_wait3A_41 = tpu.memref_slice %arg2[%dma_wait3A_39, %dma_wait3A_40] : memref<64x1000000xf32, #tpu.memory_space<hbm>> -> memref<64x128xf32, #tpu.memory_space<hbm>>
        tpu.wait_dma2 semaphore(%arg12 : memref<!tpu.dma_semaphore, #tpu.memory_space<semaphore_mem>>) src(%dma_wait3A_41 : memref<64x128xf32, #tpu.memory_space<hbm>>) dst(%dma_wait3A_38 : memref<64x128xf32, #tpu.memory_space<vmem>>)
        %rem3A = arith.constant 6 : i32
        %rem3A_42 = arith.remsi %sub3A_25, %rem3A : i32
        %mul3A_43 = arith.constant 128 : i32
        %mul3A_44 = arith.muli %rem3A_42, %mul3A_43 : i32
        %get3A = arith.index_cast %sub3A_25 : i32 to index
        %get3A_45 = memref.load %arg9[%get3A] : memref<513xi32, #tpu.memory_space<smem>>
        %add3A_46 = arith.constant 1 : i32
        %add3A_47 = arith.addi %sub3A_25, %add3A_46 : i32
        %get3A_48 = arith.index_cast %add3A_47 : i32 to index
        %get3A_49 = memref.load %arg9[%get3A_48] : memref<513xi32, #tpu.memory_space<smem>>
        %while3A_50 = arith.constant 0 : i32
        %while3A_51 = arith.subi %get3A_49, %get3A_45 : i32
        %while3A_52 = arith.addi %get3A_45, %while3A_51 : i32
        %while3A_53 = arith.constant 1 : i32
        %while3A_54 = arith.divsi %while3A_51, %while3A_53 : i32
        %while3A_55 = arith.muli %while3A_54, %while3A_53 : i32
        %while3A_56 = arith.addi %get3A_45, %while3A_55 : i32
        %while3A_57 = arith.constant 1 : i32
        scf.for %while3A_59 = %get3A_45 to %while3A_56 step %while3A_57  : i32 {
          %get3A_60 = arith.index_cast %while3A_59 : i32 to index
          %get3A_61 = memref.load %arg7[%get3A_60] : memref<512xi32, #tpu.memory_space<smem>>
          %add3A_62 = arith.addi %get3A_61, %mul3A_44 : i32
          %broadcast_in_dim3A = vector.broadcast %add3A_62 : i32 to vector<16xi32>
          %broadcast_in_dim3A_63 = vector.broadcast %while3A_59 : i32 to vector<16xi32>
          %add3A_64 = arith.constant 0 : i32
          %add3A_65 = vector.broadcast %add3A_64 : i32 to vector<16xi32>
          %add3A_66 = arith.addi %iota3A, %add3A_65 : vector<16xi32>
          %gather3A = tpu.vector_load_idx %arg10[%add3A_66, %broadcast_in_dim3A] : memref<64x768xf32, #tpu.memory_space<vmem>>[vector<16xi32>, vector<16xi32>], vector<16xf32>,
          %add3A_67 = arith.constant 0 : i32
          %add3A_68 = vector.broadcast %add3A_67 : i32 to vector<16xi32>
          %add3A_69 = arith.addi %iota3A, %add3A_68 : vector<16xi32>
          tpu.vector_store_idx %arg11[%broadcast_in_dim3A_63, %add3A_69], %gather3A : memref<512x128xf32, #tpu.memory_space<vmem>>[vector<16xi32>, vector<16xi32>], vector<16xf32>,
          %add3A_70 = arith.constant 16 : i32
          %add3A_71 = vector.broadcast %add3A_70 : i32 to vector<16xi32>
          %add3A_72 = arith.addi %iota3A, %add3A_71 : vector<16xi32>
          %gather3A_73 = tpu.vector_load_idx %arg10[%add3A_72, %broadcast_in_dim3A] : memref<64x768xf32, #tpu.memory_space<vmem>>[vector<16xi32>, vector<16xi32>], vector<16xf32>,
          %add3A_74 = arith.constant 16 : i32
          %add3A_75 = vector.broadcast %add3A_74 : i32 to vector<16xi32>
          %add3A_76 = arith.addi %iota3A, %add3A_75 : vector<16xi32>
          tpu.vector_store_idx %arg11[%broadcast_in_dim3A_63, %add3A_76], %gather3A_73 : memref<512x128xf32, #tpu.memory_space<vmem>>[vector<16xi32>, vector<16xi32>], vector<16xf32>,
          %add3A_77 = arith.constant 32 : i32
          %add3A_78 = vector.broadcast %add3A_77 : i32 to vector<16xi32>
          %add3A_79 = arith.addi %iota3A, %add3A_78 : vector<16xi32>
          %gather3A_80 = tpu.vector_load_idx %arg10[%add3A_79, %broadcast_in_dim3A] : memref<64x768xf32, #tpu.memory_space<vmem>>[vector<16xi32>, vector<16xi32>], vector<16xf32>,
          %add3A_81 = arith.constant 32 : i32
          %add3A_82 = vector.broadcast %add3A_81 : i32 to vector<16xi32>
          %add3A_83 = arith.addi %iota3A, %add3A_82 : vector<16xi32>
          tpu.vector_store_idx %arg11[%broadcast_in_dim3A_63, %add3A_83], %gather3A_80 : memref<512x128xf32, #tpu.memory_space<vmem>>[vector<16xi32>, vector<16xi32>], vector<16xf32>,
          %add3A_84 = arith.constant 48 : i32
          %add3A_85 = vector.broadcast %add3A_84 : i32 to vector<16xi32>
          %add3A_86 = arith.addi %iota3A, %add3A_85 : vector<16xi32>
          %gather3A_87 = tpu.vector_load_idx %arg10[%add3A_86, %broadcast_in_dim3A] : memref<64x768xf32, #tpu.memory_space<vmem>>[vector<16xi32>, vector<16xi32>], vector<16xf32>,
          %add3A_88 = arith.constant 48 : i32
          %add3A_89 = vector.broadcast %add3A_88 : i32 to vector<16xi32>
          %add3A_90 = arith.addi %iota3A, %add3A_89 : vector<16xi32>
          tpu.vector_store_idx %arg11[%broadcast_in_dim3A_63, %add3A_90], %gather3A_87 : memref<512x128xf32, #tpu.memory_space<vmem>>[vector<16xi32>, vector<16xi32>], vector<16xf32>,
        }
        %while3A_58 = arith.constant 1 : i32
        scf.for %while3A_59 = %while3A_56 to %while3A_52 step %while3A_58  : i32 {
          %get3A_60 = arith.index_cast %while3A_59 : i32 to index
          %get3A_61 = memref.load %arg7[%get3A_60] : memref<512xi32, #tpu.memory_space<smem>>
          %add3A_62 = arith.addi %get3A_61, %mul3A_44 : i32
          %broadcast_in_dim3A = vector.broadcast %add3A_62 : i32 to vector<16xi32>
          %broadcast_in_dim3A_63 = vector.broadcast %while3A_59 : i32 to vector<16xi32>
          %add3A_64 = arith.constant 0 : i32
          %add3A_65 = vector.broadcast %add3A_64 : i32 to vector<16xi32>
          %add3A_66 = arith.addi %iota3A, %add3A_65 : vector<16xi32>
          %gather3A = tpu.vector_load_idx %arg10[%add3A_66, %broadcast_in_dim3A] : memref<64x768xf32, #tpu.memory_space<vmem>>[vector<16xi32>, vector<16xi32>], vector<16xf32>,
          %add3A_67 = arith.constant 0 : i32
          %add3A_68 = vector.broadcast %add3A_67 : i32 to vector<16xi32>
          %add3A_69 = arith.addi %iota3A, %add3A_68 : vector<16xi32>
          tpu.vector_store_idx %arg11[%broadcast_in_dim3A_63, %add3A_69], %gather3A : memref<512x128xf32, #tpu.memory_space<vmem>>[vector<16xi32>, vector<16xi32>], vector<16xf32>,
          %add3A_70 = arith.constant 16 : i32
          %add3A_71 = vector.broadcast %add3A_70 : i32 to vector<16xi32>
          %add3A_72 = arith.addi %iota3A, %add3A_71 : vector<16xi32>
          %gather3A_73 = tpu.vector_load_idx %arg10[%add3A_72, %broadcast_in_dim3A] : memref<64x768xf32, #tpu.memory_space<vmem>>[vector<16xi32>, vector<16xi32>], vector<16xf32>,
          %add3A_74 = arith.constant 16 : i32
          %add3A_75 = vector.broadcast %add3A_74 : i32 to vector<16xi32>
          %add3A_76 = arith.addi %iota3A, %add3A_75 : vector<16xi32>
          tpu.vector_store_idx %arg11[%broadcast_in_dim3A_63, %add3A_76], %gather3A_73 : memref<512x128xf32, #tpu.memory_space<vmem>>[vector<16xi32>, vector<16xi32>], vector<16xf32>,
          %add3A_77 = arith.constant 32 : i32
          %add3A_78 = vector.broadcast %add3A_77 : i32 to vector<16xi32>
          %add3A_79 = arith.addi %iota3A, %add3A_78 : vector<16xi32>
          %gather3A_80 = tpu.vector_load_idx %arg10[%add3A_79, %broadcast_in_dim3A] : memref<64x768xf32, #tpu.memory_space<vmem>>[vector<16xi32>, vector<16xi32>], vector<16xf32>,
          %add3A_81 = arith.constant 32 : i32
          %add3A_82 = vector.broadcast %add3A_81 : i32 to vector<16xi32>
          %add3A_83 = arith.addi %iota3A, %add3A_82 : vector<16xi32>
          tpu.vector_store_idx %arg11[%broadcast_in_dim3A_63, %add3A_83], %gather3A_80 : memref<512x128xf32, #tpu.memory_space<vmem>>[vector<16xi32>, vector<16xi32>], vector<16xf32>,
          %add3A_84 = arith.constant 48 : i32
          %add3A_85 = vector.broadcast %add3A_84 : i32 to vector<16xi32>
          %add3A_86 = arith.addi %iota3A, %add3A_85 : vector<16xi32>
          %gather3A_87 = tpu.vector_load_idx %arg10[%add3A_86, %broadcast_in_dim3A] : memref<64x768xf32, #tpu.memory_space<vmem>>[vector<16xi32>, vector<16xi32>], vector<16xf32>,
          %add3A_88 = arith.constant 48 : i32
          %add3A_89 = vector.broadcast %add3A_88 : i32 to vector<16xi32>
          %add3A_90 = arith.addi %iota3A, %add3A_89 : vector<16xi32>
          tpu.vector_store_idx %arg11[%broadcast_in_dim3A_63, %add3A_90], %gather3A_87 : memref<512x128xf32, #tpu.memory_space<vmem>>[vector<16xi32>, vector<16xi32>], vector<16xf32>,
        }
      } else {
      }
    }
    "tpu.region"() ({
      %run_scoped3A = tpu.sem_alloc : memref<!tpu.dma_semaphore, #tpu.memory_space<semaphore_mem>>
      %dma_start3A = arith.constant 0 : i32
      %dma_start3A_23 = tpu.memref_slice %arg5[%mul3A_2, %dma_start3A] : memref<16384x128xf32, #tpu.memory_space<hbm>> -> memref<512x128xf32, #tpu.memory_space<hbm>>
      %dma_start3A_24 = arith.constant 0 : i32
      %dma_start3A_25 = tpu.memref_slice %arg5[%mul3A_2, %dma_start3A_24] : memref<16384x128xf32, #tpu.memory_space<hbm>> -> memref<512x128xf32, #tpu.memory_space<hbm>>
      tpu.enqueue_dma source(%arg11 : memref<512x128xf32, #tpu.memory_space<vmem>>) target(%dma_start3A_25 : memref<512x128xf32, #tpu.memory_space<hbm>>) target_semaphore(%run_scoped3A : memref<!tpu.dma_semaphore, #tpu.memory_space<semaphore_mem>>)
      %dma_wait3A = arith.constant 0 : i32
      %dma_wait3A_26 = tpu.memref_slice %arg5[%mul3A_2, %dma_wait3A] : memref<16384x128xf32, #tpu.memory_space<hbm>> -> memref<512x128xf32, #tpu.memory_space<hbm>>
      %dma_wait3A_27 = arith.constant 0 : i32
      %dma_wait3A_28 = tpu.memref_slice %arg5[%mul3A_2, %dma_wait3A_27] : memref<16384x128xf32, #tpu.memory_space<hbm>> -> memref<512x128xf32, #tpu.memory_space<hbm>>
      tpu.wait_dma2 semaphore(%run_scoped3A : memref<!tpu.dma_semaphore, #tpu.memory_space<semaphore_mem>>) src(%arg11 : memref<512x128xf32, #tpu.memory_space<vmem>>) dst(%dma_wait3A_28 : memref<512x128xf32, #tpu.memory_space<hbm>>)
      tpu.yield
    }) : () -> ()
    return
  }
}

</mosaic_0001>

<sc_bundles>
// kernel: gather_offload_async_start
scs
__scs_entry_jumppad:
0x0: {  	(pc) =	sbr.rel $0x88, $3  }
0x1: {  	(tag) =	ssettag $0x0;
	lr =	simm.s32 $0x1  }
0x2: {  	[smem:$0x3F9F] =	sst lr;
	_ =	strace $0xD0000000  }
0x3: {  	_ = 	snop  }
0x4: {  	_ = 	snop  }
0x5: {  	_ = 	snop  }
0x6: {  	_ = 	snop  }
0x7: {  	_ = 	snop  }
__scs_overlays_trampoline_lowered:
0x8: {  	[smem:$0x3FAE] =	sst s0  }
0x9: {  	[smem:$0x3FAF] =	sst s1  }
0xa: {  	[smem:$0x3FB0] =	sst s2  }
0xb: {  	[smem:$0x3FB1] =	sst s3  }
0xc: {  	[smem:$0x3FB2] =	sst s4  }
0xd: {  	[smem:$0x3FB3] =	sst s5  }
0xe: {  	[smem:$0x3FB4] =	sst s6  }
0xf: {  	[smem:$0x3FB5] =	sst s7  }
0x10: {  	[smem:$0x3FB6] =	sst s8  }
0x11: {  	[smem:$0x3FB7] =	sst s9;
	s0 =	simm.s32 @!p0 $0x0  }
0x12: {  	s1 =	sld [smem:$0x3F9D];
	s0 =	simm.s32 @p0 $0x1  }
0x13: {  	[smem:$0x3FB8] =	sst s0;
	s0 =	simm.s32 @!p1 $0x0  }
0x14: {  	s2 =	sld [smem:$0x3F9C];
	s0 =	simm.s32 @p1 $0x1  }
0x15: {  	[smem:$0x3FB9] =	sst s0;
	s0 =	simm.s32 @!p2 $0x0  }
0x16: {  	s3 =	sld [smem:$0x3FDB];
	s0 =	simm.s32 @p2 $0x1  }
0x17: {  	s4 =	simm.s32 $0x1BF5;
	[smem:$0x3FBB] =	sst s0  }
0x18: {  	s0 =	sld [smem:$0x3F9E];
	_ =	swait.ge [sflag:s4], $0x0  }
0x19: {  	s7 =	sld [smem:$0x3F9F]  }
0x1a: {  	s8 =	sadd.s32 $0xFFFFE003, lr  }
0x1b: {  	s9 =	sadd.s32 $0xFFFFFEF7, lr;
	s5 =	simm.s32 $0xFFFFFFFF;
	p2 =	slt.u32 s8, $0xFFFFF086  }
0x1c: {  	p1 =	slt.u32 s9, $0xF7A;
	s5 =	simm.s32 @!p2 $0x0  }
0x1d: {  	s5 =	simm.s32 @p1 $0x1;
	p0 =	seq.s32 s7, s2  }
0x1e: {  	s7 =	smul.u32 @!p0 $0xF7A, s2;
	p2 =	seq.s32 @!p0 s5, $0x0  }
0x1f: {  	s9 =	smul.u32 $0xF7A, s1;
	s8 =	simm.s32 @!p0 $0x1BF5;
	p2 =	por !p2, p0  }
0x20: {  	[sflag:s8] =	ssyncset.s32 @!p0 $0xFFFFF086;
	s6 =	sadd.s32 @!p0 s3, s7;
	s7 =	simm.s32 @!p0 $0x108  }
0x21: {  	s3 =	sadd.s32 s3, s9;
	s6 =	sadd.s32 @!p0 $0x88, s6;
	s7 =	simm.s32 @p2 $0x1082  }
0x22: {  	[simem:s7], [sflag:s8] =	dma.local @!p0 [hbm:s6], $0xF7A  }
0x23: {  	s9 =	sor.u32 $0xD0000000, s2;
	s6 =	simm.s32 $0x108;
	_ =	swait.ge @!p0 [sflag:s8], $0x0  }
0x24: {  	s3 =	sadd.s32 $0x88, s3;
	s6 =	simm.s32 @!p1 $0x1082;
	[sflag:s4] =	ssyncset.s32 $0xFFFFF086  }
0x25: {  	[simem:s6], [sflag:s4] =	dma.local [hbm:s3], $0xF7A  }
0x26: {  	[smem:$0x3F9F] =	sst s1;
	(tag) =	ssettag s2;
	_ =	strace s9  }
0x27: {  	s1 =	sld [smem:$0x3FAF]  }
0x28: {  	s2 =	sld [smem:$0x3FB0]  }
0x29: {  	s4 =	sld [smem:$0x3FB2]  }
0x2a: {  	p0 =	seq.s32 s5, $0x0;
	s5 =	sld [smem:$0x3FB3]  }
0x2b: {  	s6 =	sld [smem:$0x3FB4]  }
0x2c: {  	s7 =	sld [smem:$0x3FB5]  }
0x2d: {  	s3 =	simm.s32 $0x108;
	s8 =	sld [smem:$0x3FB6]  }
0x2e: {  	s3 =	simm.s32 @!p0 $0x1082;
	s9 =	sld [smem:$0x3FB7]  }
0x2f: {  	lr =	sadd.s32 s0, s3;
	s0 =	sld [smem:$0x3FAE]  }
0x30: {  	s3 =	sld [smem:$0x3FB1]  }
0x31: {  	[smem:$0x3FBA] =	sst s10  }
0x32: {  	s10 =	sld [smem:$0x3FB8];
	_ =	sdelay $0x3  }
0x33: {  	p0 =	seq.s32 s10, $0x1;
	s10 =	sld [smem:$0x3FBA];
	_ =	sdelay $0x3  }
0x34: {  	[smem:$0x3FBA] =	sst s10  }
0x35: {  	s10 =	sld [smem:$0x3FB9];
	_ =	sdelay $0x3  }
0x36: {  	p1 =	seq.s32 s10, $0x1;
	s10 =	sld [smem:$0x3FBA];
	_ =	sdelay $0x3  }
0x37: {  	[smem:$0x3FBA] =	sst s10  }
0x38: {  	s10 =	sld [smem:$0x3FBB]  }
0x39: {  	_ = 	snop;
	(pc) =	sbr.ind lr, $3  }
0x3a: {  	_ = 	snop  }
0x3b: {  	_ = 	snop  }
0x3c: {  	p2 =	seq.s32 s10, $0x1;
	s10 =	sld [smem:$0x3FBA]  }
0x3d: {  	_ =	shalt  }
0x3e: {  	_ =	shalt  }
0x3f: {  	_ =	shalt  }
0x40: {  	_ =	shalt  }
0x41: {  	_ =	shalt  }
0x42: {  	_ =	shalt  }
0x43: {  	_ =	shalt  }
0x44: {  	_ =	shalt  }
0x45: {  	_ =	shalt  }
0x46: {  	_ =	shalt  }
0x47: {  	_ =	shalt  }
0x48: {  	_ =	shalt  }
0x49: {  	_ =	shalt  }
0x4a: {  	_ =	shalt  }
0x4b: {  	_ =	shalt  }
0x4c: {  	_ =	shalt  }
0x4d: {  	_ =	shalt  }
0x4e: {  	_ =	shalt  }
0x4f: {  	_ =	shalt  }
0x50: {  	_ =	shalt  }
0x51: {  	_ =	shalt  }
0x52: {  	_ =	shalt  }
0x53: {  	_ =	shalt  }
0x54: {  	_ =	shalt  }
0x55: {  	_ =	shalt  }
0x56: {  	_ =	shalt  }
0x57: {  	_ =	shalt  }
0x58: {  	_ =	shalt  }
0x59: {  	_ =	shalt  }
0x5a: {  	_ =	shalt  }
0x5b: {  	_ =	shalt  }
0x5c: {  	_ =	shalt  }
0x5d: {  	_ =	shalt  }
0x5e: {  	_ =	shalt  }
0x5f: {  	_ =	shalt  }
0x60: {  	_ =	shalt  }
0x61: {  	_ =	shalt  }
0x62: {  	_ =	shalt  }
0x63: {  	_ =	shalt  }
0x64: {  	_ =	shalt  }
0x65: {  	_ =	shalt  }
0x66: {  	_ =	shalt  }
0x67: {  	_ =	shalt  }
0x68: {  	_ =	shalt  }
0x69: {  	_ =	shalt  }
0x6a: {  	_ =	shalt  }
0x6b: {  	_ =	shalt  }
0x6c: {  	_ =	shalt  }
0x6d: {  	_ =	shalt  }
0x6e: {  	_ =	shalt  }
0x6f: {  	_ =	shalt  }
0x70: {  	_ =	shalt  }
0x71: {  	_ =	shalt  }
0x72: {  	_ =	shalt  }
0x73: {  	_ =	shalt  }
0x74: {  	_ =	shalt  }
0x75: {  	_ =	shalt  }
0x76: {  	_ =	shalt  }
0x77: {  	_ =	shalt  }
0x78: {  	_ =	shalt  }
0x79: {  	_ =	shalt  }
0x7a: {  	_ =	shalt  }
0x7b: {  	_ =	shalt  }
0x7c: {  	_ =	shalt  }
0x7d: {  	_ =	shalt  }
0x7e: {  	_ =	shalt  }
0x7f: {  	_ =	shalt  }
0x80: {  	_ =	shalt  }
0x81: {  	_ =	shalt  }
0x82: {  	_ =	shalt  }
0x83: {  	_ =	shalt  }
0x84: {  	_ =	shalt  }
0x85: {  	_ =	shalt  }
0x86: {  	_ =	shalt  }
0x87: {  	_ =	shalt  }
.Lfunc_end0:
.L_simem_size_0:
called_computation_lowered:
.L_overlay_start_0:
0x88: {  	s2 =	sld [smem:$0x3FD9]  }
0x89: {  	s3 =	sld [smem:$0x3FFE];
	_ =	sdelay $0x1  }
0x8a: {  	s1 =	srdreg.scid  }
0x8b: {  	s0 =	sand.u32 $0x1, s1  }
0x8c: {  	s17 =	sshll.u32 s0, $0xA;
	s2 =	sadd.s32 s3, s2  }
0x8d: {  	s2 =	sadd.s32 s2, s17  }
0x8e: {  	[smem:$0x3FC6] =	sst s2  }
0x8f: {  	_ = 	snop  }
0x90: {  	s2 =	sld [smem:$0x3FC9];
	(tm) =	ssettm $0x1  }
0x91: {  	s18 =	sld [smem:$0x3FFB];
	_ =	sdelay $0x3  }
0x92: {  	_ =	strace s18  }
0x93: {  	s3 =	sld [smem:$0x3FFC];
	_ =	sdelay $0x3  }
0x94: {  	_ =	strace s3  }
0x95: {  	s3 =	sld [smem:$0x3FFD];
	_ =	sdelay $0x3  }
0x96: {  	_ =	strace s3  }
0x97: {  	_ =	strace $0x8FFFFFFF  }
0x98: {  	s19 =	sld [smem:$0x3FDB];
	_ =	sdelay $0x1  }
0x99: {  	s4 =	simm.s32 $_scs_section_size  }
0x9a: {  	s5 =	simm.s32 $_size__tile_overlayer_lowered;
	s6 =	simm.s32 $_tile_overlayer_lowered  }
0x9b: {  	s22 =	simm.s32 $0x1BFF;
	s21 =	sshll.u32 s6, $0x1;
	s3 =	sadd.s32 s4, s19  }
0x9c: {  	s7 =	simm.s32 $0x0;
	s20 =	sshll.u32 s5, $0x1;
	s5 =	sadd.s32 s21, s3  }
0x9d: {  	[timem:s7], [sflag:s22] =	dma.local [hbm:s5], s20  }
0x9e: {  	_ =	swait.ge [sflag:s22], s20  }
0x9f: {  	s4 =	ssub.s32 $0x0, s20;
	[sflag:s22] =	ssyncset.done $0x0  }
0xa0: {  	[sflag:s22] =	ssyncadd.s32 s4;
	_ =	sdelay $0x1  }
0xa1: {  	s23 =	simm.s32 $0x1B8B  }
0xa2: {  	_ =	swait.ge [sflag:s23], $0x1  }
0xa3: {  	[sflag:s23] =	ssyncset.done $0x0  }
0xa4: {  	s25 =	simm.s32 $0x1B8E;
	s24 =	sld [smem:$0x3FFE];
	[sflag:s23] =	ssyncadd.s32 $0xFFFFFFFF  }
0xa5: {  	s26 =	simm.s32 $execute0_lowered;
	[smem:$0x3FD2] =	sst s25  }
0xa6: {  	s5 =	sshll.u32 s26, $0x1;
	_ =	strace $0x80000046;
	[dreg:$0x1] =	wrdreg $0xFFFFFFFF  }
0xa7: {  	s28 =	simm.s32 $_size_execute0_lowered;
	s3 =	sadd.s32 s3, s5;
	[dreg:$0x0] =	wrdreg $0x0  }
0xa8: {  	s5 =	sshll.u32 s28, $0x1;
	[dreg:$0x2] =	wrdreg s3  }
0xa9: {  	[dreg:$0x3] =	wrdreg s5  }
0xaa: {  	[dreg:$0x4] =	wrdreg $0xC0  }
0xab: {  	_ =	task [dreg:s7], $0x5FFFF  }
0xac: {  	[dreg:$0x1] =	wrdreg $0xFFFFFFFF  }
0xad: {  	[dreg:$0x0] =	wrdreg $0x60  }
0xae: {  	[dreg:$0x2] =	wrdreg s2  }
0xaf: {  	[dreg:$0x3] =	wrdreg s24  }
0xb0: {  	[dreg:$0x4] =	wrdreg $0x9  }
0xb1: {  	_ =	task.clear_ibuf [dreg:s7], $0x5FFFF;
	_ =	strace $0x90000046  }
0xb2: {  	s29 =	simm.s32 $0x9;
	_ =	strace $0x80000048  }
0xb3: {  	_ =	swait.ge [sflag:s29], $0x1  }
0xb4: {  	[sflag:s29] =	ssyncadd.s32 $0xFFFFFFFF  }
0xb5: {  	_ =	strace $0x90000048  }
0xb6: {  	_ =	sfence  }
0xb7: {  	s30 =	sld [smem:$0x0];
	_ =	sdelay $0x2  }
0xb8: {  	s31 =	sshll.u32 s1, $0xD;
	s1 =	sshrl.u32 s1, $0x2  }
0xb9: {  	s3 =	sand.u32 $0x4000, s31;
	s1 =	sadd.s32 s1, s30  }
0xba: {  	s0 =	sor.u32 s3, s0;
	s1 =	sshll.u32 s1, $0x11  }
0xbb: {  	s0 =	sor.u32 s1, s0  }
0xbc: {  	s0 =	sadd.s32 $0x8F2B, s0  }
0xbd: {  	[sflag:s0] =	ssyncadd.remote.s32 $0x1  }
0xbe: {  	_ =	sfence.sel $0xFFFF  }
0xbf: {  	[dreg:$0x0] =	wrdreg $0xFFFFFFFF;
	(pc) =	sbr.abs _section_cstart, $3  }
0xc0: {  	[dreg:$0x1] =	wrdreg $0xFFFFFFFF  }
0xc1: {  	_ =	task.clear_ibuf [dreg:s7], $0x2FFFF;
	_ =	strace $0x9FFFFFFF  }
0xc2: {  	(tm) =	ssettm $0x7FFFFFFF  }
0xc3: {  	_ =	shalt  }
tec
execute0_lowered:
.L_overlay_start_1:
0x0: {  	(tag) =	ssettag $0x1  }
0x1: {  	s1 =	srdreg.scid;
	s2 =	rddreg [dreg:$0x0]  }
0x2: {  	s0 =	stileid.u32;
	s3 =	rddreg [dreg:$0x1]  }
0x3: {  	s6 =	simm.s32 $0x1;
	s9 =	simm.s32 $0x1;
	s1 =	sshll.u32 s1, $0x8  }
0x4: {  	s10 =	simm.s32 $0x3;
	s4 =	sshll.u32 s0, $0x9;
	s5 =	sand.u32 $0x100, s1  }
0x5: {  	s13 =	simm.s32 $0x0;
	s12 =	simm.s32 $0x0;
	s4 =	sor.u32 s4, s5  }
0x6: {  	s1 =	rddreg [dreg:$0x2];
	_ =	strace $0x80000047;
	s8 =	ssub.s32 $0x4000, s4  }
.Ltmp0:
0x7: {  	s5 =	sadd.s32 $0x800, s3;
	s7 =	sand.u32 $0x1F00, s8;
	(pc) =	sbr.rel .LBB2_1-.Ltmp0, $4  }
0x8: {  	[sflag:s6] =	ssyncpa.u1 $0x0;
	s11 =	smov.u32 s4;
	p0 =	sne.s32 s7, $0x0  }
0x9: {  	s8 =	sshrl.u32 s8, $0xD;
	s7 =	simm.s32 $0x2;
	s9 =	simm.s32 @!p0 $0x0  }
0xa: {  	[sflag:s7] =	ssyncpa.u1 $0x0;
	p0 =	por $0x0, $0x0;
	s8 =	sadd.s32 s9, s8  }
0xb: {  	vm0 =	vmmov $0xffff;
	[sflag:s10] =	ssyncpa.u1 $0x0;
	s10 =	simm.s32 $0x0;
	s9 =	sadd.s32 $0x1, s8  }
.LBB2_4:
0xc: {  	v2 =	vnsel vm1, $0x0, v2  }
0xd: {  	vm1 =	vgt.s32 v0, $0x0;
	v2 =	vmin.u32 v2, $0x3FFF  }
0xe: {  	v0 =	vnsel vm1, $0x0, v0  }
0xf: {  	v0 =	vmin.u32 v0, $0x3FFF  }
0x10: {  	[tilespmem:s15], [sflag:$0x1] =	stream.indirect_vreg.gather [hbm4b:s2+s10], $0x1, v1, vm0, $0x4038;
	[tilespmem:$0x400] =	vst v63  }
0x11: {  	(ifvalue) =	ssetifvalue $0x7FFFFFFF  }
0x12: {  	[tilespmem:s16], [sflag:$0x1] =	stream.indirect_vreg.gather [hbm4b:s2+s10], $0x1, v2, vm0, $0x4038;
	[tilespmem:$0x400] =	vst v63  }
0x13: {  	s29 =	sadd.s32 $0x10, s16;
	(ifvalue) =	ssetifvalue $0x7FFFFFFF  }
0x14: {  	[tilespmem:s29], [sflag:$0x1] =	stream.indirect_vreg.gather [hbm4b:s2+s10], $0x1, v0, vm0, $0x4038;
	[tilespmem:$0x400] =	vst v63  }
0x15: {  	_ =	swait.ge [sflag:s6], $0x100  }
0x16: {  	s30 =	sshrl.u32 s13, $0x3;
	[sflag:s6] =	ssyncset.done $0x0  }
0x17: {  	s31 =	sand.u32 $0x7, s13;
	s15 =	sadd.s32 s5, s30;
	[sflag:s6] =	ssyncadd.s32 $0xFFFFFF00  }
0x18: {  	[hbm4b:s15+s31] =	stream.linear.scatter [tilespmem:s14], [sflag:$0x3], $0x100, $0x38;
	[tilespmem:$0x400] =	vst v63  }
.LBB2_5:
0x19: {  	s15 =	sadd.s32 $0x2000, s11  }
0x1a: {  	p2 =	sgt.s32 s15, $0x3FFF  }
0x1b: {  	s15 =	smov.u32 @p2 s4;
	p2 =	sne.s32 s12, s9  }
.Ltmp1:
0x1c: {  	p1 =	slt.u32 s12, $0x2;
	(pc) =	sbr.rel @!p2 .LBB2_6-.Ltmp1, $4  }
0x1d: {  	s14 =	simm.s32 @!p1 $0x3  }
0x1e: {  	s16 =	sadd.s32 $0x1, s12;
	_ =	swait.ge @!p1 [sflag:s14], $0x100  }
0x1f: {  	s13 =	smov.u32 s11;
	p0 =	por !p0, !p0;
	[sflag:s14] =	ssyncset.done @!p1 $0x0  }
0x20: {  	s12 =	smov.u32 s16;
	s11 =	smov.u32 s15;
	[sflag:s14] =	ssyncadd.s32 @!p1 $0xFFFFFF00  }
.LBB2_1:
0x21: {  	p1 =	sge.u32 s12, s8  }
0x22: {  	s14 =	sxor.u32 @!p1 $0xFFFFFFFF, s12  }
0x23: {  	s31 =	sadd.s32 $0xFFFFFFFF, s12;
	s15 =	sshrl.u32 @!p1 s11, $0x3;
	s14 =	sshll.u32 @!p1 s14, $0x8  }
0x24: {  	s16 =	sand.u32 @!p1 $0x7, s11;
	s15 =	sadd.s32 @!p1 s3, s15;
	s14 =	sand.u32 @!p1 $0x100, s14  }
0x25: {  	[tilespmem:s14], [sflag:$0x2] =	stream.linear.gather @!p1 [hbm4b:s15+s16], $0x100, $0x38;
	[tilespmem:$0x400] =	vst v63  }
0x26: {  	p1 =	sge.u32 s31, s8  }
.Ltmp2:
0x27: {  	_ = 	snop;
	(pc) =	sbr.rel @p1 .LBB2_5-.Ltmp2, $1  }
0x28: {  	_ =	sdelay $0x3  }
0x29: {  	s14 =	simm.s32 $0x1  }
0x2a: {  	_ =	swait.ge [sflag:s7], $0x100;
	s14 =	simm.s32 @!p0 $0x0  }
0x2b: {  	[sflag:s7] =	ssyncset.done $0x0;
	s14 =	sshll.u32 s14, $0x8  }
0x2c: {  	[sflag:s7] =	ssyncadd.s32 $0xFFFFFF00;
	(ifvalue) =	ssetifvalue $0x7FFFFFFF;
	v0 =	vld.msk [tilespmem:s14+$0x0 ss:$0x1], $0xffff;
	_ =	sdelay $0x4  }
0x2d: {  	s15 =	sadd.s32 $0x10, s14;
	vm1 =	vgt.s32 v0, $0x0  }
0x2e: {  	v2 =	vld.msk [tilespmem:s15+$0x0 ss:$0x1], $0xffff;
	v1 =	vnsel vm1, $0x0, v0  }
0x2f: {  	v1 =	vmin.u32 v1, $0x3FFF;
	_ =	sdelay $0x1  }
0x30: {  	s16 =	sshll.u32 s12, $0x8;
	s18 =	simm.s32 $0x20  }
0x31: {  	s16 =	sand.u32 $0x100, s16;
	s17 =	sadd.s32 $0x10, s15;
	s15 =	sor.u32 $0x200, s14  }
0x32: {  	s14 =	sor.u32 $0x200, s16;
	s16 =	sadd.s32 $0x10, s15;
	v0 =	vld.msk [tilespmem:s17+$0x0 ss:$0x1], $0xffff;
	vm1 =	vgt.s32 v2, $0x0;
	(ifvalue) =	ssetifvalue $0x7FFFFFFF  }
.LBB2_3:
0x33: {  	[tilespmem:s15], [sflag:$0x1] =	stream.indirect_vreg.gather [hbm4b:s2+s10], $0x1, v1, vm0, $0x4038;
	[tilespmem:$0x400] =	vst v63  }
0x34: {  	s18 =	sadd.s32 $0x10, s18  }
0x35: {  	v2 =	vnsel vm1, $0x0, v2;
	p1 =	slt.u32 s18, $0xF0  }
.Ltmp3:
0x36: {  	s15 =	smov.u32 s16;
	v1 =	vmin.u32 v2, $0x3FFF;
	(pc) =	sbr.rel @p1 .LBB2_3-.Ltmp3, $3  }
0x37: {  	_ =	sdelay $0x1  }
0x38: {  	s17 =	sadd.s32 $0x10, s17  }
0x39: {  	vm1 =	vgt.s32 v0, $0x0;
	s16 =	sadd.s32 $0x10, s16;
	v2 =	vmov v0;
	(ifvalue) =	ssetifvalue $0x7FFFFFFF;
	v0 =	vld.msk [tilespmem:s17+$0x0 ss:$0x1], $0xffff  }
.Ltmp4:
0x3a: {  	_ = 	snop;
	(pc) =	sbr.rel .LBB2_4-.Ltmp4, $1  }
0x3b: {  	_ =	sdelay $0x3  }
.LBB2_6:
0x3c: {  	_ =	sfence.sel $0x180000  }
0x3d: {  	s2 =	simm.s32 $0x2;
	[bflag:$0x0] =	sbarrier.arrive $0xFFFF  }
0x3e: {  	s30 =	simm.s32 $0x3;
	[sflag:s2] =	ssyncpa.u1 $0x1  }
0x3f: {  	s31 =	simm.s32 $0x1;
	[sflag:s30] =	ssyncpa.u1 $0x1  }
0x40: {  	[sflag:s31] =	ssyncpa.u1 $0x1  }
0x41: {  	p0 =	sne.s32 s0, $0x0;
	_ =	strace $0x90000047  }
0x42: {  	s0 =	sadd.s32 @!p0 $0x100000, s1;
	[bflag:$0x2] =	sbarrier.arrive $0xFFFF  }
0x43: {  	[sflag:s0] =	ssyncadd.tile.s32 @!p0 $0x1;
	_ =	shalt  }
.Lfunc_end2:
_tile_overlayer_lowered:
.L_overlay_start_2:
0x44: {  	(tag) =	ssettag $0x2  }
0x45: {  	s0 =	rddreg [dreg:$0x0];
	s2 =	stileid.u32  }
0x46: {  	s1 =	rddreg [dreg:$0x1];
	p0 =	sne.s32 s2, $0x0  }
0x47: {  	s3 =	rddreg [dreg:$0x2];
	[bflag:$0x3] =	sbarrier.arrive $0xFFFF;
	s2 =	simm.s32 @!p0 $0x1C01  }
0x48: {  	[timem:s3], [sflag:s2] =	dma.local @!p0 [hbm:s0], s1  }
0x49: {  	s0 =	simm.s32 @!p0 $0x1  }
0x4a: {  	_ =	swait.ge @!p0 [sflag:s0], s1  }
0x4b: {  	s1 =	ssub.s32 @!p0 $0x0, s1;
	[sflag:s0] =	ssyncset.done @!p0 $0x0  }
0x4c: {  	[sflag:s0] =	ssyncadd.s32 @!p0 s1  }
0x4d: {  	[bflag:$0x3] =	sbarrier.arrive $0xFFFF  }
0x4e: {  	_ =	shalt  }

// kernel: kernel.4.cloned.1.call-start
scs
__scs_entry_jumppad:
0x0: {  	(pc) =	sbr.rel $0x88, $3  }
0x1: {  	(tag) =	ssettag $0x0;
	lr =	simm.s32 $0x1  }
0x2: {  	[smem:$0x3F9F] =	sst lr;
	_ =	strace $0xD0000000  }
0x3: {  	_ = 	snop  }
0x4: {  	_ = 	snop  }
0x5: {  	_ = 	snop  }
0x6: {  	_ = 	snop  }
0x7: {  	_ = 	snop  }
__scs_overlays_trampoline_lowered:
0x8: {  	[smem:$0x3FAE] =	sst s0  }
0x9: {  	[smem:$0x3FAF] =	sst s1  }
0xa: {  	[smem:$0x3FB0] =	sst s2  }
0xb: {  	[smem:$0x3FB1] =	sst s3  }
0xc: {  	[smem:$0x3FB2] =	sst s4  }
0xd: {  	[smem:$0x3FB3] =	sst s5  }
0xe: {  	[smem:$0x3FB4] =	sst s6  }
0xf: {  	[smem:$0x3FB5] =	sst s7  }
0x10: {  	[smem:$0x3FB6] =	sst s8  }
0x11: {  	[smem:$0x3FB7] =	sst s9;
	s0 =	simm.s32 @!p0 $0x0  }
0x12: {  	s1 =	sld [smem:$0x3F9D];
	s0 =	simm.s32 @p0 $0x1  }
0x13: {  	[smem:$0x3FB8] =	sst s0;
	s0 =	simm.s32 @!p1 $0x0  }
0x14: {  	s2 =	sld [smem:$0x3F9C];
	s0 =	simm.s32 @p1 $0x1  }
0x15: {  	[smem:$0x3FB9] =	sst s0;
	s0 =	simm.s32 @!p2 $0x0  }
0x16: {  	s3 =	sld [smem:$0x3FDB];
	s0 =	simm.s32 @p2 $0x1  }
0x17: {  	s4 =	simm.s32 $0x1BF5;
	[smem:$0x3FBB] =	sst s0  }
0x18: {  	s0 =	sld [smem:$0x3F9E];
	_ =	swait.ge [sflag:s4], $0x0  }
0x19: {  	s7 =	sld [smem:$0x3F9F]  }
0x1a: {  	s8 =	sadd.s32 $0xFFFFE003, lr  }
0x1b: {  	s9 =	sadd.s32 $0xFFFFFEF7, lr;
	s5 =	simm.s32 $0xFFFFFFFF;
	p2 =	slt.u32 s8, $0xFFFFF086  }
0x1c: {  	p1 =	slt.u32 s9, $0xF7A;
	s5 =	simm.s32 @!p2 $0x0  }
0x1d: {  	s5 =	simm.s32 @p1 $0x1;
	p0 =	seq.s32 s7, s2  }
0x1e: {  	s7 =	smul.u32 @!p0 $0xF7A, s2;
	p2 =	seq.s32 @!p0 s5, $0x0  }
0x1f: {  	s9 =	smul.u32 $0xF7A, s1;
	s8 =	simm.s32 @!p0 $0x1BF5;
	p2 =	por !p2, p0  }
0x20: {  	[sflag:s8] =	ssyncset.s32 @!p0 $0xFFFFF086;
	s6 =	sadd.s32 @!p0 s3, s7;
	s7 =	simm.s32 @!p0 $0x108  }
0x21: {  	s3 =	sadd.s32 s3, s9;
	s6 =	sadd.s32 @!p0 $0x88, s6;
	s7 =	simm.s32 @p2 $0x1082  }
0x22: {  	[simem:s7], [sflag:s8] =	dma.local @!p0 [hbm:s6], $0xF7A  }
0x23: {  	s9 =	sor.u32 $0xD0000000, s2;
	s6 =	simm.s32 $0x108;
	_ =	swait.ge @!p0 [sflag:s8], $0x0  }
0x24: {  	s3 =	sadd.s32 $0x88, s3;
	s6 =	simm.s32 @!p1 $0x1082;
	[sflag:s4] =	ssyncset.s32 $0xFFFFF086  }
0x25: {  	[simem:s6], [sflag:s4] =	dma.local [hbm:s3], $0xF7A  }
0x26: {  	[smem:$0x3F9F] =	sst s1;
	(tag) =	ssettag s2;
	_ =	strace s9  }
0x27: {  	s1 =	sld [smem:$0x3FAF]  }
0x28: {  	s2 =	sld [smem:$0x3FB0]  }
0x29: {  	s4 =	sld [smem:$0x3FB2]  }
0x2a: {  	p0 =	seq.s32 s5, $0x0;
	s5 =	sld [smem:$0x3FB3]  }
0x2b: {  	s6 =	sld [smem:$0x3FB4]  }
0x2c: {  	s7 =	sld [smem:$0x3FB5]  }
0x2d: {  	s3 =	simm.s32 $0x108;
	s8 =	sld [smem:$0x3FB6]  }
0x2e: {  	s3 =	simm.s32 @!p0 $0x1082;
	s9 =	sld [smem:$0x3FB7]  }
0x2f: {  	lr =	sadd.s32 s0, s3;
	s0 =	sld [smem:$0x3FAE]  }
0x30: {  	s3 =	sld [smem:$0x3FB1]  }
0x31: {  	[smem:$0x3FBA] =	sst s10  }
0x32: {  	s10 =	sld [smem:$0x3FB8];
	_ =	sdelay $0x3  }
0x33: {  	p0 =	seq.s32 s10, $0x1;
	s10 =	sld [smem:$0x3FBA];
	_ =	sdelay $0x3  }
0x34: {  	[smem:$0x3FBA] =	sst s10  }
0x35: {  	s10 =	sld [smem:$0x3FB9];
	_ =	sdelay $0x3  }
0x36: {  	p1 =	seq.s32 s10, $0x1;
	s10 =	sld [smem:$0x3FBA];
	_ =	sdelay $0x3  }
0x37: {  	[smem:$0x3FBA] =	sst s10  }
0x38: {  	s10 =	sld [smem:$0x3FBB]  }
0x39: {  	_ = 	snop;
	(pc) =	sbr.ind lr, $3  }
0x3a: {  	_ = 	snop  }
0x3b: {  	_ = 	snop  }
0x3c: {  	p2 =	seq.s32 s10, $0x1;
	s10 =	sld [smem:$0x3FBA]  }
0x3d: {  	_ =	shalt  }
0x3e: {  	_ =	shalt  }
0x3f: {  	_ =	shalt  }
0x40: {  	_ =	shalt  }
0x41: {  	_ =	shalt  }
0x42: {  	_ =	shalt  }
0x43: {  	_ =	shalt  }
0x44: {  	_ =	shalt  }
0x45: {  	_ =	shalt  }
0x46: {  	_ =	shalt  }
0x47: {  	_ =	shalt  }
0x48: {  	_ =	shalt  }
0x49: {  	_ =	shalt  }
0x4a: {  	_ =	shalt  }
0x4b: {  	_ =	shalt  }
0x4c: {  	_ =	shalt  }
0x4d: {  	_ =	shalt  }
0x4e: {  	_ =	shalt  }
0x4f: {  	_ =	shalt  }
0x50: {  	_ =	shalt  }
0x51: {  	_ =	shalt  }
0x52: {  	_ =	shalt  }
0x53: {  	_ =	shalt  }
0x54: {  	_ =	shalt  }
0x55: {  	_ =	shalt  }
0x56: {  	_ =	shalt  }
0x57: {  	_ =	shalt  }
0x58: {  	_ =	shalt  }
0x59: {  	_ =	shalt  }
0x5a: {  	_ =	shalt  }
0x5b: {  	_ =	shalt  }
0x5c: {  	_ =	shalt  }
0x5d: {  	_ =	shalt  }
0x5e: {  	_ =	shalt  }
0x5f: {  	_ =	shalt  }
0x60: {  	_ =	shalt  }
0x61: {  	_ =	shalt  }
0x62: {  	_ =	shalt  }
0x63: {  	_ =	shalt  }
0x64: {  	_ =	shalt  }
0x65: {  	_ =	shalt  }
0x66: {  	_ =	shalt  }
0x67: {  	_ =	shalt  }
0x68: {  	_ =	shalt  }
0x69: {  	_ =	shalt  }
0x6a: {  	_ =	shalt  }
0x6b: {  	_ =	shalt  }
0x6c: {  	_ =	shalt  }
0x6d: {  	_ =	shalt  }
0x6e: {  	_ =	shalt  }
0x6f: {  	_ =	shalt  }
0x70: {  	_ =	shalt  }
0x71: {  	_ =	shalt  }
0x72: {  	_ =	shalt  }
0x73: {  	_ =	shalt  }
0x74: {  	_ =	shalt  }
0x75: {  	_ =	shalt  }
0x76: {  	_ =	shalt  }
0x77: {  	_ =	shalt  }
0x78: {  	_ =	shalt  }
0x79: {  	_ =	shalt  }
0x7a: {  	_ =	shalt  }
0x7b: {  	_ =	shalt  }
0x7c: {  	_ =	shalt  }
0x7d: {  	_ =	shalt  }
0x7e: {  	_ =	shalt  }
0x7f: {  	_ =	shalt  }
0x80: {  	_ =	shalt  }
0x81: {  	_ =	shalt  }
0x82: {  	_ =	shalt  }
0x83: {  	_ =	shalt  }
0x84: {  	_ =	shalt  }
0x85: {  	_ =	shalt  }
0x86: {  	_ =	shalt  }
0x87: {  	_ =	shalt  }
.Lfunc_end0:
.L_simem_size_0:
called_computation.1_lowered:
.L_overlay_start_0:
0x88: {  	s2 =	sld [smem:$0x3FD9]  }
0x89: {  	s3 =	sld [smem:$0x3FFE];
	_ =	sdelay $0x1  }
0x8a: {  	s1 =	srdreg.scid  }
0x8b: {  	s0 =	sand.u32 $0x1, s1  }
0x8c: {  	s17 =	sshll.u32 s0, $0xA;
	s2 =	sadd.s32 s3, s2  }
0x8d: {  	s2 =	sadd.s32 s2, s17  }
0x8e: {  	[smem:$0x3FC6] =	sst s2  }
0x8f: {  	_ = 	snop  }
0x90: {  	s2 =	sld [smem:$0x3FC8];
	(tm) =	ssettm $0x1  }
0x91: {  	s18 =	sld [smem:$0x3FFB];
	_ =	sdelay $0x3  }
0x92: {  	_ =	strace s18  }
0x93: {  	s3 =	sld [smem:$0x3FFC];
	_ =	sdelay $0x3  }
0x94: {  	_ =	strace s3  }
0x95: {  	s3 =	sld [smem:$0x3FFD];
	_ =	sdelay $0x3  }
0x96: {  	_ =	strace s3  }
0x97: {  	_ =	strace $0x8FFFFFFF  }
0x98: {  	s19 =	sld [smem:$0x3FDB];
	_ =	sdelay $0x1  }
0x99: {  	s4 =	simm.s32 $_scs_section_size  }
0x9a: {  	s5 =	simm.s32 $_size__tile_overlayer_lowered;
	s6 =	simm.s32 $_tile_overlayer_lowered  }
0x9b: {  	s22 =	simm.s32 $0x1BFF;
	s21 =	sshll.u32 s6, $0x1;
	s3 =	sadd.s32 s4, s19  }
0x9c: {  	s7 =	simm.s32 $0x0;
	s20 =	sshll.u32 s5, $0x1;
	s5 =	sadd.s32 s21, s3  }
0x9d: {  	[timem:s7], [sflag:s22] =	dma.local [hbm:s5], s20  }
0x9e: {  	_ =	swait.ge [sflag:s22], s20  }
0x9f: {  	s4 =	ssub.s32 $0x0, s20;
	[sflag:s22] =	ssyncset.done $0x0  }
0xa0: {  	[sflag:s22] =	ssyncadd.s32 s4;
	_ =	sdelay $0x1  }
0xa1: {  	s23 =	simm.s32 $0x1B8B  }
0xa2: {  	_ =	swait.ge [sflag:s23], $0x1  }
0xa3: {  	[sflag:s23] =	ssyncset.done $0x0  }
0xa4: {  	s25 =	simm.s32 $0x1B8E;
	s24 =	sld [smem:$0x3FFE];
	[sflag:s23] =	ssyncadd.s32 $0xFFFFFFFF  }
0xa5: {  	s26 =	simm.s32 $execute0_lowered;
	[smem:$0x3FD2] =	sst s25  }
0xa6: {  	s5 =	sshll.u32 s26, $0x1;
	_ =	strace $0x80000049;
	[dreg:$0x1] =	wrdreg $0xFFFFFFFF  }
0xa7: {  	s28 =	simm.s32 $_size_execute0_lowered;
	s3 =	sadd.s32 s3, s5;
	[dreg:$0x0] =	wrdreg $0x0  }
0xa8: {  	s5 =	sshll.u32 s28, $0x1;
	[dreg:$0x2] =	wrdreg s3  }
0xa9: {  	[dreg:$0x3] =	wrdreg s5  }
0xaa: {  	[dreg:$0x4] =	wrdreg $0xC0  }
0xab: {  	_ =	task [dreg:s7], $0x5FFFF  }
0xac: {  	[dreg:$0x1] =	wrdreg $0xFFFFFFFF  }
0xad: {  	[dreg:$0x0] =	wrdreg $0x60  }
0xae: {  	[dreg:$0x2] =	wrdreg s2  }
0xaf: {  	[dreg:$0x3] =	wrdreg s24  }
0xb0: {  	[dreg:$0x4] =	wrdreg $0x9  }
0xb1: {  	_ =	task.clear_ibuf [dreg:s7], $0x5FFFF;
	_ =	strace $0x90000049  }
0xb2: {  	s29 =	simm.s32 $0x9;
	_ =	strace $0x8000004B  }
0xb3: {  	_ =	swait.ge [sflag:s29], $0x1  }
0xb4: {  	[sflag:s29] =	ssyncadd.s32 $0xFFFFFFFF  }
0xb5: {  	_ =	strace $0x9000004B  }
0xb6: {  	_ =	sfence  }
0xb7: {  	s30 =	sld [smem:$0x0];
	_ =	sdelay $0x2  }
0xb8: {  	s31 =	sshll.u32 s1, $0xD;
	s1 =	sshrl.u32 s1, $0x2  }
0xb9: {  	s3 =	sand.u32 $0x4000, s31;
	s1 =	sadd.s32 s1, s30  }
0xba: {  	s0 =	sor.u32 s3, s0;
	s1 =	sshll.u32 s1, $0x11  }
0xbb: {  	s0 =	sor.u32 s1, s0  }
0xbc: {  	s0 =	sadd.s32 $0x8F2B, s0  }
0xbd: {  	[sflag:s0] =	ssyncadd.remote.s32 $0x1  }
0xbe: {  	_ =	sfence.sel $0xFFFF  }
0xbf: {  	[dreg:$0x0] =	wrdreg $0xFFFFFFFF;
	(pc) =	sbr.abs _section_cstart, $3  }
0xc0: {  	[dreg:$0x1] =	wrdreg $0xFFFFFFFF  }
0xc1: {  	_ =	task.clear_ibuf [dreg:s7], $0x2FFFF;
	_ =	strace $0x9FFFFFFF  }
0xc2: {  	(tm) =	ssettm $0x7FFFFFFF  }
0xc3: {  	_ =	shalt  }
tec
execute0_lowered:
.L_overlay_start_1:
0x0: {  	(tag) =	ssettag $0x1  }
0x1: {  	v0 =	vimm.s32 $0x1B80;
	vm14 =	vcmask $0x300  }
0x2: {  	vm13 =	vcmask $0x704;
	vm12 =	vcmask $0xB08;
	vm11 =	vcmask $0xF0C  }
0x3: {  	vm10 =	vcmask $0x1310;
	vm9 =	vcmask $0x1714;
	vm8 =	vcmask $0x1B18  }
0x4: {  	vm7 =	vcmask $0x1F1C;
	vm6 =	vcmask $0x2320;
	vm5 =	vcmask $0x2724  }
0x5: {  	vm4 =	vcmask $0x2B28;
	vm3 =	vcmask $0x2F2C;
	vm2 =	vcmask $0x3330  }
0x6: {  	vm1 =	vcmask $0x3734;
	vm0 =	vcmask $0x3B38;
	v2 =	vimm.s32 $0x4B80  }
0x7: {  	v1 =	vlaneseq.u32;
	v3 =	vimm.s32 $0x7B80;
	v4 =	vimm.s32 $0xAB80  }
0x8: {  	v0 =	vsel vm14, $0x0, v0;
	v2 =	vsel vm14, $0x3000, v2;
	v3 =	vsel vm14, $0x6000, v3  }
0x9: {  	v4 =	vsel vm14, $0x9000, v4;
	v7 =	vor.u32 $0x30, v1;
	v0 =	vsel vm13, $0x80, v0  }
0xa: {  	v2 =	vsel vm13, $0x3080, v2;
	v3 =	vsel vm13, $0x6080, v3;
	v4 =	vsel vm13, $0x9080, v4  }
0xb: {  	v0 =	vsel vm12, $0x100, v0;
	v2 =	vsel vm12, $0x3100, v2;
	v3 =	vsel vm12, $0x6100, v3  }
0xc: {  	v4 =	vsel vm12, $0x9100, v4;
	v0 =	vsel vm11, $0x180, v0;
	v2 =	vsel vm11, $0x3180, v2  }
0xd: {  	v3 =	vsel vm11, $0x6180, v3;
	v4 =	vsel vm11, $0x9180, v4;
	v0 =	vsel vm10, $0x200, v0  }
0xe: {  	v2 =	vsel vm10, $0x3200, v2;
	v3 =	vsel vm10, $0x6200, v3;
	v4 =	vsel vm10, $0x9200, v4  }
0xf: {  	s0 =	rddreg [dreg:$0x1];
	s1 =	srdreg.scid;
	s5 =	simm.s32 $0x0;
	v0 =	vsel vm9, $0x280, v0;
	v2 =	vsel vm9, $0x3280, v2;
	v3 =	vsel vm9, $0x6280, v3  }
0x10: {  	s2 =	stileid.u32;
	[smem:$0x7FF] =	sst s5;
	s11 =	sadd.s32 $0x1000, s0;
	v4 =	vsel vm9, $0x9280, v4;
	v0 =	vsel vm8, $0x300, v0;
	v2 =	vsel vm8, $0x3300, v2  }
0x11: {  	s12 =	sadd.s32 $0x1080, s0;
	_ =	strace $0x8000004A;
	[dreg:$0x1f] =	wrdreg s11;
	v3 =	vsel vm8, $0x6300, v3;
	v4 =	vsel vm8, $0x9300, v4;
	v0 =	vsel vm7, $0x380, v0  }
0x12: {  	s1 =	sand.u32 $0x1, s1;
	s13 =	sadd.s32 $0x1100, s0;
	[smem:$0x7F7] =	sst s12;
	v2 =	vsel vm7, $0x3380, v2;
	v3 =	vsel vm7, $0x6380, v3;
	v4 =	vsel vm7, $0x9380, v4  }
0x13: {  	s2 =	sshll.u32 s2, $0xA;
	s14 =	sadd.s32 $0x1180, s0;
	[smem:$0x7F8] =	sst s13;
	v0 =	vsel vm6, $0x1800, v0;
	v2 =	vsel vm6, $0x4800, v2;
	v3 =	vsel vm6, $0x7800, v3  }
0x14: {  	s15 =	sadd.s32 $0x1200, s0;
	s18 =	sadd.s32 $0x1280, s0;
	[smem:$0x7F9] =	sst s14;
	v4 =	vsel vm6, $0xA800, v4;
	v0 =	vsel vm5, $0x1880, v0;
	v2 =	vsel vm5, $0x4880, v2  }
0x15: {  	s19 =	sadd.s32 $0x1300, s0;
	s20 =	sadd.s32 $0x1380, s0;
	[smem:$0x7FA] =	sst s15;
	v3 =	vsel vm5, $0x7880, v3;
	v4 =	vsel vm5, $0xA880, v4;
	v0 =	vsel vm4, $0x1900, v0  }
0x16: {  	s3 =	sshll.u32 s1, $0x9;
	s1 =	ssub.s32 $0x2, s1;
	[smem:$0x7FB] =	sst s18;
	v2 =	vsel vm4, $0x4900, v2;
	v3 =	vsel vm4, $0x7900, v3;
	v4 =	vsel vm4, $0xA900, v4  }
0x17: {  	[smem:$0x7FC] =	sst s19;
	s2 =	sor.u32 s3, s2;
	s4 =	sshrl.u32 s1, $0x1;
	v0 =	vsel vm3, $0x1980, v0;
	v2 =	vsel vm3, $0x4980, v2;
	v3 =	vsel vm3, $0x7980, v3  }
.Ltmp0:
0x18: {  	s3 =	sshll.u32 s2, $0x4;
	s2 =	sshrl.u32 s2, $0x3;
	v4 =	vsel vm3, $0xA980, v4;
	v0 =	vsel vm2, $0x1A00, v0;
	v2 =	vsel vm2, $0x4A00, v2;
	(pc) =	sbr.rel .LBB2_1-.Ltmp0, $4  }
0x19: {  	[smem:$0x7FD] =	sst s20;
	s1 =	ssub.s32 s1, s4;
	s2 =	sadd.s32 s0, s2;
	v3 =	vsel vm2, $0x7A00, v3;
	v6 =	vsel vm2, $0xAA00, v4;
	v0 =	vsel vm1, $0x1A80, v0  }
0x1a: {  	s3 =	sadd.s32 s3, s0;
	s1 =	smax.u32 s1, $0x1;
	[smem:$0x7F4] =	sst s2;
	v2 =	vsel vm1, $0x4A80, v2;
	v5 =	vsel vm1, $0x7A80, v3;
	v3 =	vor.u32 $0x10, v1  }
0x1b: {  	s17 =	simm.s32 $0xC200;
	s31 =	sadd.s32 $0x1400, s3;
	[smem:$0x7F6] =	sst s1;
	v6 =	vsel vm1, $0xAA80, v6;
	v0 =	vsel vm0, $0x1B00, v0;
	v2 =	vsel vm0, $0x4B00, v2  }
0x1c: {  	s1 =	simm.s32 $0x2;
	s2 =	simm.s32 $0x0;
	[smem:$0x7F5] =	sst s31;
	v4 =	vsel vm0, $0x7B00, v5;
	v5 =	vor.u32 $0x20, v1;
	v6 =	vsel vm0, $0xAB00, v6  }
.LBB2_9:
0x1d: {  	s0 =	sld [smem:$0x7F5];
	_ =	sdelay $0x1  }
0x1e: {  	s5 =	simm.s32 $0x0;
	s1 =	simm.s32 $0x2  }
0x1f: {  	[hbm4b:s0+s5] =	stream.linear.scatter [tilespmem:s17], [sflag:$0x2], $0x10000, $0x38;
	[tilespmem:$0x1C200] =	vst v63  }
0x20: {  	_ =	swait.ge [sflag:s1], $0x10000  }
0x21: {  	s2 =	sld [smem:$0x7F1]  }
0x22: {  	s31 =	sld [smem:$0x7F6];
	_ =	sdelay $0x1  }
0x23: {  	s2 =	sadd.s32 $0x1, s2  }
0x24: {  	p0 =	sne.s32 s2, s31  }
.Ltmp1:
0x25: {  	_ = 	snop;
	(pc) =	sbr.rel @!p0 .LBB2_10-.Ltmp1, $3  }
0x26: {  	_ =	sdelay $0x1  }
0x27: {  	[sflag:s1] =	ssyncset.done $0x0  }
0x28: {  	[sflag:s1] =	ssyncadd.s32 $0xFFFF0000  }
.LBB2_1:
0x29: {  	s0 =	sld [smem:$0x7F4];
	_ =	sdelay $0x1  }
0x2a: {  	[smem:$0x7F1] =	sst s2  }
0x2b: {  	[tilespmem:s5], [sflag:$0x2] =	stream.linear.gather [hbm4b:s0+s5], $0x200, $0x38;
	[tilespmem:$0x1C200] =	vst v63  }
0x2c: {  	_ =	swait.ge [sflag:s1], $0x200  }
0x2d: {  	[sflag:s1] =	ssyncset.done $0x0  }
0x2e: {  	[sflag:s1] =	ssyncadd.s32 $0xFFFFFE00  }
0x2f: {  	v8 =	vld [tilespmem:s5+$0x0];
	_ =	sdelay $0x4  }
0x30: {  	(v2sf) =	vpush v8, $0xE  }
0x31: {  	(v2sf) =	vpush v8, $0x3  }
0x32: {  	(v2sf) =	vpush v8, $0x0  }
0x33: {  	(v2sf) =	vpush v8, $0x1  }
0x34: {  	(v2sf) =	vpush v8, $0x2  }
0x35: {  	(v2sf) =	vpush v8, $0x5;
	_ =	sdelay $0x1  }
0x36: {  	(v2sf) =	vpush v8, $0x4  }
0x37: {  	(v2sf) =	vpush v8, $0x7  }
0x38: {  	(v2sf) =	vpush v8, $0x6  }
0x39: {  	(v2sf) =	vpush v8, $0xC  }
0x3a: {  	(v2sf) =	vpush v8, $0xB  }
0x3b: {  	(v2sf) =	vpush v8, $0x9  }
0x3c: {  	(v2sf) =	vpush v8, $0x8  }
0x3d: {  	s22 =	simm.s32 $0x1;
	s15 =	simm.s32 $0x1;
	(v2sf) =	vpush v8, $0xA  }
0x3e: {  	s28 =	simm.s32 $0x1;
	s29 =	simm.s32 $0x8;
	s26 =	spop (v2sf);
	(v2sf) =	vpush v8, $0xD  }
0x3f: {  	s23 =	spop (v2sf);
	s21 =	sshrl.u32 s26, $0x7;
	s26 =	sand.u32 $0x7F, s26  }
0x40: {  	s4 =	spop (v2sf);
	s3 =	sshrl.u32 s23, $0x7;
	[dreg:$0x7] =	wrdreg s21  }
0x41: {  	(v2sf) =	vpush v8, $0xF;
	s12 =	spop (v2sf);
	s7 =	sshrl.u32 s4, $0x7;
	s4 =	sand.u32 $0x7F, s4  }
0x42: {  	s6 =	spop (v2sf);
	s13 =	sshrl.u32 s12, $0x7;
	s5 =	sand.u32 $0x7F, s12  }
0x43: {  	p2 =	seq.s32 s7, $0xFFFFFFFF;
	p3 =	sne.s32 s7, $0xFFFFFFFF;
	s14 =	spop (v2sf)  }
0x44: {  	s0 =	sshrl.u32 s6, $0x7;
	s31 =	sand.u32 $0x7F, s6;
	s6 =	simm.s32 $0x0  }
0x45: {  	p4 =	sne.s32 s13, s7;
	s11 =	spop (v2sf);
	p0 =	sne.s32 s0, s13  }
0x46: {  	p5 =	seq.s32 s0, s13;
	s8 =	spop (v2sf);
	s22 =	simm.s32 @!p0 $0x0  }
0x47: {  	p0 =	sne.s32 s3, s0;
	s9 =	sshrl.u32 s11, $0x7;
	s19 =	spop (v2sf)  }
0x48: {  	s11 =	sand.u32 $0x7F, s11;
	s15 =	simm.s32 @!p0 $0x0;
	s16 =	spop (v2sf)  }
0x49: {  	p0 =	sne.s32 s9, s3;
	[dreg:$0xc] =	wrdreg s16;
	s18 =	spop (v2sf)  }
0x4a: {  	s25 =	sshrl.u32 s8, $0x7;
	[dreg:$0xe] =	wrdreg s18;
	s20 =	spop (v2sf)  }
0x4b: {  	s2 =	sand.u32 $0x7F, s19;
	[dreg:$0x13] =	wrdreg s20;
	s12 =	spop (v2sf)  }
0x4c: {  	s28 =	simm.s32 @!p0 $0x0;
	s10 =	spop (v2sf);
	[smem:$0x0] =	sst s4  }
0x4d: {  	p0 =	seq.s32 s3, s0;
	s16 =	sand.u32 $0x7F, s8;
	s24 =	spop (v2sf)  }
0x4e: {  	s8 =	simm.s32 $0xC;
	s18 =	sshrl.u32 s14, $0x7;
	[dreg:$0x9] =	wrdreg s24  }
0x4f: {  	p1 =	sne.s32 s18, s9;
	s20 =	simm.s32 $0x1;
	[smem:$0x200] =	sst @!p2 s7  }
0x50: {  	p6 =	seq.s32 s18, s9;
	s21 =	spop (v2sf);
	[smem:$0x400] =	sst @!p2 s6  }
0x51: {  	s4 =	simm.s32 $0x1;
	s20 =	simm.s32 @!p1 $0x0;
	[smem:$0x1] =	sst s5  }
0x52: {  	s4 =	simm.s32 @!p3 $0x0;
	s24 =	simm.s32 $0x1;
	[dreg:$0x11] =	wrdreg s25  }
0x53: {  	s6 =	sadd.s32 $0x0, s4;
	p2 =	seq.s32 s13, s7;
	[dreg:$0x6] =	wrdreg s26  }
0x54: {  	s4 =	sshrl.u32 s19, $0x7;
	s7 =	simm.s32 $0x1;
	[dreg:$0x1d] =	wrdreg s2  }
0x55: {  	s26 =	sand.u32 $0x7F, s23;
	s19 =	simm.s32 $0xF;
	[dreg:$0x8] =	wrdreg s8  }
0x56: {  	s23 =	simm.s32 $0x2;
	s2 =	simm.s32 $0x3;
	[smem:s6+$0x200] =	sst @!p2 s13  }
0x57: {  	s8 =	simm.s32 $0x10;
	p3 =	sne.s32 s25, s4;
	[dreg:$0x3] =	wrdreg s21  }
0x58: {  	s13 =	simm.s32 $0xA;
	[smem:s6+$0x400] =	sst @!p2 s7;
	s7 =	simm.s32 $0x1  }
0x59: {  	p2 =	sne.s32 s4, s18;
	s5 =	simm.s32 @!p3 $0x0;
	[dreg:$0xd] =	wrdreg s13  }
0x5a: {  	s13 =	simm.s32 $0x4;
	s5 =	simm.s32 @p3 $0x1;
	s7 =	simm.s32 @!p4 $0x0  }
0x5b: {  	p3 =	seq.s32 s25, s4;
	s24 =	simm.s32 @!p2 $0x0;
	p2 =	seq.s32 s4, s18  }
0x5c: {  	s25 =	simm.s32 $0x9;
	[smem:$0x7F2] =	sst s5;
	s1 =	simm.s32 @!p3 $0x0  }
0x5d: {  	s7 =	sadd.s32 s7, s6;
	s5 =	simm.s32 $0xD;
	s6 =	simm.s32 $0xE  }
0x5e: {  	[dreg:$0xf] =	wrdreg s25;
	s25 =	simm.s32 $0x5;
	s1 =	simm.s32 @p3 $0x1  }
0x5f: {  	s30 =	sadd.s32 s22, s7;
	s22 =	sand.u32 $0x7F, s14;
	[dreg:$0x5] =	wrdreg s5  }
0x60: {  	[dreg:$0x4] =	wrdreg s6;
	s14 =	simm.s32 $0xB;
	s5 =	smov.u32 s10  }
0x61: {  	s10 =	sshrl.u32 s10, $0x7;
	s6 =	sshrl.u32 s21, $0x7;
	[smem:$0x7F3] =	sst s1  }
0x62: {  	s21 =	simm.s32 $0x8;
	s1 =	simm.s32 $0x1F;
	[dreg:$0xa] =	wrdreg s14  }
.LBB2_2:
0x63: {  	[dreg:$0xb] =	wrdreg s8  }
0x64: {  	[smem:s29+$0xFFFFFFFA] =	sst s31  }
0x65: {  	s14 =	rddreg [dreg:$0x9]  }
0x66: {  	v8 =	vld [tilespmem:s8+$0x0];
	s8 =	rddreg [dreg:$0x7]  }
0x67: {  	[dreg:$0x10] =	wrdreg s1  }
0x68: {  	[dreg:$0x9] =	wrdreg s14  }
0x69: {  	[smem:s7+$0x200] =	sst @!p5 s0  }
0x6a: {  	s31 =	sshrl.u32 s14, $0x7;
	p1 =	sne.s32 s6, s8;
	[smem:s7+$0x400] =	sst @!p5 s23  }
0x6b: {  	s14 =	smov.u32 s6;
	s6 =	simm.s32 @!p1 $0x0;
	s7 =	rddreg [dreg:$0x13]  }
0x6c: {  	s6 =	simm.s32 @p1 $0x1;
	[smem:s29+$0xFFFFFFFB] =	sst s26  }
0x6d: {  	[smem:$0x7EE] =	sst s6  }
0x6e: {  	s6 =	smov.u32 s19;
	[smem:s30+$0x200] =	sst @!p0 s3  }
0x6f: {  	[dreg:$0x16] =	wrdreg s6  }
0x70: {  	s6 =	smov.u32 s8;
	[smem:s30+$0x400] =	sst @!p0 s2  }
0x71: {  	s8 =	sand.u32 $0x7F, s12;
	[dreg:$0x12] =	wrdreg s6  }
0x72: {  	[dreg:$0x1c] =	wrdreg s8  }
0x73: {  	p1 =	sne.s32 s6, s31;
	s6 =	sld [smem:$0x7F2]  }
0x74: {  	[smem:s29+$0xFFFFFFFC] =	sst s11;
	s0 =	simm.s32 @!p1 $0x0  }
0x75: {  	s11 =	rddreg [dreg:$0xe];
	s0 =	simm.s32 @p1 $0x1  }
0x76: {  	[smem:$0x7EC] =	sst s0  }
0x77: {  	s23 =	simm.s32 $0x1;
	p1 =	seq.s32 s6, $0x1;
	s0 =	rddreg [dreg:$0x11]  }
0x78: {  	s26 =	sand.u32 $0x7F, s7;
	s6 =	rddreg [dreg:$0xc];
	s23 =	simm.s32 @!p1 $0x0  }
0x79: {  	p1 =	seq.s32 s9, s3;
	s3 =	sshrl.u32 s7, $0x7;
	s7 =	sadd.s32 s15, s30  }
0x7a: {  	s8 =	sshrl.u32 s12, $0x7;
	s12 =	sshrl.u32 s11, $0x7;
	[smem:s7+$0x200] =	sst @!p1 s9  }
0x7b: {  	s9 =	sand.u32 $0x7F, s5;
	s5 =	sand.u32 $0x7F, s11;
	s11 =	rddreg [dreg:$0x1d]  }
0x7c: {  	p0 =	seq.s32 s3, s8;
	[smem:s7+$0x400] =	sst @!p1 s13  }
0x7d: {  	s19 =	smov.u32 s1;
	s1 =	simm.s32 @!p0 $0x0;
	[dreg:$0x19] =	wrdreg s5  }
0x7e: {  	(v2sf) =	vpush v8, $0xE;
	s1 =	simm.s32 @p0 $0x1;
	[smem:s29+$0xFFFFFFFD] =	sst s22  }
0x7f: {  	s15 =	sadd.s32 s28, s7;
	[smem:$0x7ED] =	sst s1  }
0x80: {  	(v2sf) =	vpush v8, $0x3;
	[smem:s15+$0x200] =	sst @!p6 s18  }
0x81: {  	s2 =	simm.s32 $0x1;
	[smem:s15+$0x400] =	sst @!p6 s25  }
0x82: {  	p4 =	seq.s32 s8, s0;
	p3 =	sne.s32 s8, s0;
	s25 =	rddreg [dreg:$0x16]  }
0x83: {  	(v2sf) =	vpush v8, $0x0;
	s7 =	sshrl.u32 s6, $0x7;
	s18 =	sadd.s32 s20, s15;
	[smem:s29+$0xFFFFFFFE] =	sst s11  }
0x84: {  	s11 =	sand.u32 $0x7F, s6;
	s6 =	sadd.s32 $0xFFFFFFF7, s25;
	[smem:s18+$0x200] =	sst @!p2 s4  }
0x85: {  	(v2sf) =	vpush v8, $0x1;
	s2 =	simm.s32 @!p3 $0x0;
	s20 =	smov.u32 s16;
	[smem:s18+$0x400] =	sst @!p2 s6  }
0x86: {  	p3 =	sne.s32 s3, s8;
	p5 =	sne.s32 s10, s3;
	[smem:s21+$0xFFFFFFFF] =	sst s20  }
0x87: {  	s13 =	simm.s32 $0x1;
	p0 =	sne.s32 s12, s10;
	s20 =	sld [smem:$0x7F3]  }
0x88: {  	s15 =	sadd.s32 s24, s18;
	s24 =	simm.s32 $0x1;
	s6 =	sld [smem:$0x7EC]  }
0x89: {  	s13 =	simm.s32 @!p3 $0x0;
	s16 =	rddreg [dreg:$0x10];
	s24 =	simm.s32 @!p0 $0x0  }
0x8a: {  	s5 =	sadd.s32 s23, s15;
	s23 =	rddreg [dreg:$0x1c];
	p2 =	seq.s32 s20, $0x1  }
0x8b: {  	p0 =	seq.s32 s6, $0x1;
	s6 =	sadd.s32 $0xFFFFFFF8, s25;
	[smem:s15+$0x200] =	sst @!p2 s0  }
0x8c: {  	s22 =	simm.s32 $0x1;
	s1 =	simm.s32 $0x1;
	[smem:s15+$0x400] =	sst @!p2 s6  }
0x8d: {  	s15 =	sadd.s32 $0xFFFFFFF9, s25;
	s25 =	spop (v2sf);
	s6 =	rddreg [dreg:$0x12]  }
0x8e: {  	(v2sf) =	vpush v8, $0x2;
	s22 =	simm.s32 @!p5 $0x0;
	s1 =	simm.s32 @!p0 $0x0;
	[dreg:$0x18] =	wrdreg s25  }
0x8f: {  	(v2sf) =	vpush v8, $0x5;
	[smem:s21] =	sst s23;
	p0 =	seq.s32 s6, s31;
	s6 =	spop (v2sf)  }
0x90: {  	p5 =	sne.s32 s31, s7;
	p6 =	sne.s32 s7, s12;
	[dreg:$0x15] =	wrdreg s6  }
0x91: {  	[smem:s5+$0x200] =	sst @!p4 s8;
	s8 =	sadd.s32 s2, s5;
	s2 =	sadd.s32 $0x10, s16  }
0x92: {  	(v2sf) =	vpush v8, $0x4;
	s4 =	simm.s32 $0x1;
	s16 =	spop (v2sf);
	[dreg:$0x10] =	wrdreg s2  }
0x93: {  	(v2sf) =	vpush v8, $0x7;
	s4 =	simm.s32 @!p6 $0x0;
	s0 =	simm.s32 @!p0 $0x0;
	[dreg:$0x1b] =	wrdreg s16  }
0x94: {  	s0 =	simm.s32 @p0 $0x1;
	[smem:s5+$0x400] =	sst @!p4 s15;
	s23 =	spop (v2sf)  }
0x95: {  	s15 =	sand.u32 $0x7F, s23;
	s28 =	sshrl.u32 s23, $0x7;
	s23 =	sld [smem:$0x7ED]  }
0x96: {  	s20 =	smov.u32 s31;
	s5 =	sadd.s32 s13, s8;
	[smem:$0x7EF] =	sst s0  }
0x97: {  	p2 =	seq.s32 s31, s7;
	[smem:s21+$0x1] =	sst s26;
	s31 =	sadd.s32 s22, s5  }
0x98: {  	[dreg:$0x14] =	wrdreg s15;
	s30 =	sadd.s32 s24, s31;
	p0 =	seq.s32 s23, $0x1  }
0x99: {  	s23 =	sadd.s32 s4, s30;
	s4 =	sshrl.u32 s25, $0x7;
	[smem:s8+$0x200] =	sst @!p0 s3  }
0x9a: {  	[dreg:$0x7] =	wrdreg s4  }
0x9b: {  	p1 =	seq.s32 s12, s10;
	p3 =	seq.s32 s10, s3;
	(v2sf) =	vpush v8, $0x6;
	s4 =	rddreg [dreg:$0xf]  }
0x9c: {  	s18 =	simm.s32 $0x1;
	s3 =	sshrl.u32 s6, $0x7;
	s6 =	sld [smem:$0x7EE]  }
0x9d: {  	s18 =	simm.s32 @!p5 $0x0;
	s26 =	spop (v2sf);
	[smem:s8+$0x400] =	sst @!p0 s4  }
0x9e: {  	s0 =	sshrl.u32 s26, $0x7;
	s22 =	spop (v2sf);
	s8 =	rddreg [dreg:$0x9]  }
0x9f: {  	s25 =	sshrl.u32 s16, $0x7;
	s2 =	sadd.s32 s18, s23;
	[smem:s21+$0x2] =	sst s9  }
0xa0: {  	s13 =	sadd.s32 s1, s2;
	s9 =	sand.u32 $0x7F, s26;
	[smem:s5+$0x200] =	sst @!p3 s10  }
0xa1: {  	s1 =	simm.s32 $0x1;
	s26 =	spop (v2sf);
	[dreg:$0x17] =	wrdreg s9  }
0xa2: {  	p0 =	seq.s32 s6, $0x1;
	s16 =	spop (v2sf);
	s10 =	rddreg [dreg:$0x19]  }
0xa3: {  	s6 =	sand.u32 $0x7F, s8;
	s1 =	simm.s32 @!p0 $0x0;
	[dreg:$0x1a] =	wrdreg s16  }
0xa4: {  	s16 =	sshrl.u32 s16, $0x7;
	s8 =	sadd.s32 s1, s13;
	s1 =	rddreg [dreg:$0xd]  }
0xa5: {  	s9 =	sshrl.u32 s26, $0x7;
	[dreg:$0x11] =	wrdreg s16  }
0xa6: {  	p0 =	sne.s32 s9, s3;
	[smem:s5+$0x400] =	sst @!p3 s1  }
0xa7: {  	p5 =	seq.s32 s7, s12;
	s1 =	simm.s32 @!p0 $0x0;
	s5 =	rddreg [dreg:$0x3]  }
0xa8: {  	s24 =	simm.s32 $0x1;
	s1 =	simm.s32 @p0 $0x1;
	[smem:s21+$0x3] =	sst s10  }
0xa9: {  	s15 =	simm.s32 $0x1;
	p4 =	sne.s32 s0, s28;
	[smem:$0x7F0] =	sst s1  }
0xaa: {  	s24 =	simm.s32 @!p4 $0x0;
	s10 =	spop (v2sf);
	[smem:s31+$0x200] =	sst @!p1 s12  }
0xab: {  	p4 =	sne.s32 s3, s0;
	s4 =	sshrl.u32 s10, $0x7;
	s1 =	rddreg [dreg:$0xa]  }
0xac: {  	s15 =	simm.s32 @!p4 $0x0;
	s12 =	rddreg [dreg:$0x10];
	p4 =	sne.s32 s16, s4  }
0xad: {  	[smem:s31+$0x400] =	sst @!p1 s1;
	s1 =	simm.s32 @!p4 $0x0  }
0xae: {  	(v2sf) =	vpush v8, $0xC;
	p6 =	seq.s32 s16, s4;
	[smem:s21+$0x4] =	sst s11;
	s1 =	simm.s32 @p4 $0x1  }
0xaf: {  	p4 =	sne.s32 s25, s14;
	[smem:s30+$0x200] =	sst @!p5 s7;
	s7 =	simm.s32 $0x1  }
0xb0: {  	[smem:$0x7F2] =	sst s1;
	s1 =	simm.s32 @!p6 $0x0;
	s7 =	simm.s32 @!p4 $0x0  }
0xb1: {  	s1 =	simm.s32 @p6 $0x1;
	s31 =	sadd.s32 s7, s8;
	s7 =	rddreg [dreg:$0x8]  }
0xb2: {  	p0 =	sne.s32 s28, s25;
	s11 =	simm.s32 $0x1;
	[smem:$0x7F3] =	sst s1  }
0xb3: {  	s11 =	simm.s32 @!p0 $0x0;
	[smem:s30+$0x400] =	sst @!p5 s7  }
0xb4: {  	s7 =	sadd.s32 s11, s31;
	s11 =	rddreg [dreg:$0x6]  }
0xb5: {  	[smem:s21+$0x5] =	sst s6  }
0xb6: {  	s6 =	sadd.s32 $0xFFFFFFF2, s19;
	[smem:s23+$0x200] =	sst @!p2 s20  }
0xb7: {  	[dreg:$0x1e] =	wrdreg s6  }
0xb8: {  	(v2sf) =	vpush v8, $0xB;
	s6 =	rddreg [dreg:$0x5]  }
0xb9: {  	s18 =	sshrl.u32 s22, $0x7;
	[smem:s23+$0x400] =	sst @!p2 s6  }
0xba: {  	p3 =	sne.s32 s18, s9;
	p1 =	sne.s32 s4, s18;
	s23 =	sld [smem:$0x7EF]  }
0xbb: {  	s1 =	smov.u32 s12;
	s20 =	simm.s32 $0x1;
	s6 =	rddreg [dreg:$0x4]  }
0xbc: {  	s30 =	sadd.s32 s24, s7;
	s20 =	simm.s32 @!p3 $0x0;
	[smem:s21+$0x6] =	sst s11  }
0xbd: {  	(v2sf) =	vpush v8, $0x9;
	p3 =	sne.s32 s12, $0x20F;
	s11 =	rddreg [dreg:$0x12];
	s12 =	spop (v2sf)  }
0xbe: {  	s24 =	simm.s32 $0x1;
	[dreg:$0xc] =	wrdreg s12;
	s12 =	sadd.s32 $0xFFFFFFFC, s19  }
0xbf: {  	s24 =	simm.s32 @!p1 $0x0;
	p1 =	seq.s32 s23, $0x1;
	[dreg:$0xa] =	wrdreg s12  }
0xc0: {  	[smem:s2+$0x200] =	sst @!p1 s11  }
0xc1: {  	(v2sf) =	vpush v8, $0x8;
	[smem:s2+$0x400] =	sst @!p1 s6  }
0xc2: {  	(v2sf) =	vpush v8, $0xA;
	s2 =	sand.u32 $0x7F, s5;
	s5 =	rddreg [dreg:$0x16]  }
0xc3: {  	(v2sf) =	vpush v8, $0xD;
	s6 =	sadd.s32 $0xFFFFFFFE, s19;
	[smem:s21+$0x7] =	sst s2  }
0xc4: {  	p1 =	seq.s32 s14, s11;
	s11 =	sadd.s32 $0xFFFFFFFF, s19;
	[dreg:$0x5] =	wrdreg s6  }
0xc5: {  	[dreg:$0x4] =	wrdreg s11  }
0xc6: {  	s6 =	rddreg [dreg:$0x18]  }
0xc7: {  	s11 =	sand.u32 $0x7F, s26;
	s26 =	spop (v2sf);
	[smem:s13+$0x200] =	sst @!p1 s14  }
0xc8: {  	[dreg:$0xe] =	wrdreg s26  }
0xc9: {  	s26 =	rddreg [dreg:$0x1b]  }
0xca: {  	p0 =	seq.s32 s25, s14;
	(v2sf) =	vpush v8, $0xF;
	s14 =	sadd.s32 $0xFFFFFFFD, s19;
	[smem:s13+$0x400] =	sst @!p1 s5  }
0xcb: {  	[dreg:$0x8] =	wrdreg s14;
	s5 =	sadd.s32 $0xFFFFFFFB, s19  }
0xcc: {  	s13 =	spop (v2sf);
	[dreg:$0xd] =	wrdreg s5  }
0xcd: {  	s14 =	sadd.s32 $0xFFFFFFFA, s19;
	[dreg:$0x13] =	wrdreg s13  }
0xce: {  	s29 =	sadd.s32 $0x10, s29;
	[dreg:$0xf] =	wrdreg s14;
	s5 =	sand.u32 $0x7F, s26  }
0xcf: {  	s26 =	sand.u32 $0x7F, s6;
	[smem:s29+$0xFFFFFFF8] =	sst s5  }
0xd0: {  	s12 =	spop (v2sf);
	[dreg:$0x6] =	wrdreg s26  }
0xd1: {  	s14 =	spop (v2sf);
	s26 =	rddreg [dreg:$0xb]  }
0xd2: {  	s5 =	spop (v2sf);
	[smem:s8+$0x200] =	sst @!p0 s25  }
0xd3: {  	s16 =	sadd.s32 $0xFFFFFFF1, s19;
	[dreg:$0x9] =	wrdreg s5  }
0xd4: {  	s22 =	sand.u32 $0x7F, s22;
	[smem:s8+$0x400] =	sst @!p0 s16  }
0xd5: {  	p4 =	seq.s32 s28, s25;
	s8 =	sadd.s32 $0x10, s26;
	s26 =	rddreg [dreg:$0x14]  }
0xd6: {  	p6 =	seq.s32 s18, s9;
	s16 =	sand.u32 $0x7F, s10;
	s10 =	rddreg [dreg:$0x15]  }
0xd7: {  	p5 =	seq.s32 s0, s28;
	p2 =	seq.s32 s4, s18;
	[dreg:$0x1d] =	wrdreg s16  }
0xd8: {  	s23 =	sadd.s32 $0xFFFFFFF3, s19;
	s21 =	smov.u32 s29;
	[smem:s29+$0xFFFFFFF9] =	sst s26  }
0xd9: {  	s6 =	spop (v2sf);
	s5 =	smov.u32 s14;
	s16 =	sld [smem:$0x7F0]  }
0xda: {  	s26 =	sand.u32 $0x7F, s10;
	s10 =	sshrl.u32 s14, $0x7;
	s14 =	rddreg [dreg:$0x1e]  }
.Ltmp2:
0xdb: {  	s2 =	sadd.s32 $0xFFFFFFF4, s19;
	[dreg:$0x3] =	wrdreg s6;
	(pc) =	sbr.rel @p3 .LBB2_2-.Ltmp2, $4  }
0xdc: {  	s13 =	sadd.s32 $0xFFFFFFF5, s19;
	s25 =	sadd.s32 $0xFFFFFFF6, s19;
	[smem:s31+$0x200] =	sst @!p4 s28  }
0xdd: {  	p0 =	seq.s32 s3, s0;
	s6 =	sshrl.u32 s6, $0x7;
	[smem:s31+$0x400] =	sst @!p4 s14  }
0xde: {  	s28 =	simm.s32 $0x1;
	p1 =	seq.s32 s16, $0x1;
	s16 =	rddreg [dreg:$0x1a]  }
0xdf: {  	s31 =	rddreg [dreg:$0x17];
	s28 =	simm.s32 @!p1 $0x0;
	s16 =	sand.u32 $0x7F, s16  }
0xe0: {  	[smem:s29+$0xFFFFFFFA] =	sst s31  }
0xe1: {  	s1 =	rddreg [dreg:$0x1d]  }
0xe2: {  	s14 =	rddreg [dreg:$0x9]  }
0xe3: {  	s31 =	rddreg [dreg:$0x3]  }
0xe4: {  	[smem:s7+$0x200] =	sst @!p5 s0  }
0xe5: {  	s0 =	sadd.s32 s15, s30;
	s15 =	sld [smem:$0x7FA]  }
0xe6: {  	[smem:s7+$0x400] =	sst @!p5 s23  }
0xe7: {  	[smem:s29+$0xFFFFFFFB] =	sst s26  }
0xe8: {  	[smem:s30+$0x200] =	sst @!p0 s3  }
0xe9: {  	[smem:s30+$0x400] =	sst @!p0 s2  }
0xea: {  	s30 =	rddreg [dreg:$0x6]  }
0xeb: {  	[smem:s29+$0xFFFFFFFC] =	sst s11  }
0xec: {  	p0 =	seq.s32 s9, s3;
	s11 =	rddreg [dreg:$0x1f]  }
0xed: {  	[smem:s0+$0x200] =	sst @!p0 s9  }
0xee: {  	[smem:s0+$0x400] =	sst @!p0 s13  }
0xef: {  	s0 =	sadd.s32 s28, s0;
	s28 =	rddreg [dreg:$0xc]  }
0xf0: {  	s13 =	sld [smem:$0x7F8]  }
0xf1: {  	[smem:s29+$0xFFFFFFFD] =	sst s22  }
0xf2: {  	s22 =	rddreg [dreg:$0x13]  }
0xf3: {  	[smem:s0+$0x200] =	sst @!p6 s18  }
0xf4: {  	s3 =	sshrl.u32 s12, $0x7;
	s18 =	sand.u32 $0x7F, s12;
	s12 =	sld [smem:$0x7F7]  }
0xf5: {  	[smem:s0+$0x400] =	sst @!p6 s25  }
0xf6: {  	s0 =	sadd.s32 s20, s0;
	[smem:s29+$0xFFFFFFFE] =	sst s1  }
0xf7: {  	s2 =	sadd.s32 $0xFFFFFFF7, s19;
	[smem:s0+$0x200] =	sst @!p2 s4  }
0xf8: {  	[smem:s0+$0x400] =	sst @!p2 s2  }
0xf9: {  	[smem:s21+$0xFFFFFFFF] =	sst s16  }
0xfa: {  	s16 =	sld [smem:$0x7F3]  }
0xfb: {  	s20 =	sld [smem:$0x7F2]  }
0xfc: {  	s25 =	rddreg [dreg:$0xe]  }
0xfd: {  	s4 =	rddreg [dreg:$0x11];
	s0 =	sadd.s32 s24, s0;
	p0 =	seq.s32 s16, $0x1  }
0xfe: {  	s1 =	sadd.s32 $0xFFFFFFF8, s19;
	[smem:s0+$0x200] =	sst @!p0 s4  }
0xff: {  	s2 =	simm.s32 $0x1;
	[smem:s0+$0x400] =	sst @!p0 s1;
	p0 =	seq.s32 s20, $0x1  }
0x100: {  	p1 =	sne.s32 s3, s4;
	s20 =	sld [smem:$0x7FD];
	s2 =	simm.s32 @!p0 $0x0  }
0x101: {  	p0 =	seq.s32 s3, s4;
	[smem:s21] =	sst s18;
	s0 =	sadd.s32 s2, s0  }
0x102: {  	s1 =	sadd.s32 $0xFFFFFFF9, s19;
	s2 =	simm.s32 $0x1;
	[smem:s0+$0x200] =	sst @!p0 s3  }
0x103: {  	s23 =	sand.u32 $0x7F, s22;
	s2 =	simm.s32 @!p1 $0x0;
	[smem:s0+$0x400] =	sst @!p0 s1  }
0x104: {  	s4 =	sshrl.u32 s22, $0x7;
	s0 =	sadd.s32 s2, s0;
	s2 =	rddreg [dreg:$0xf]  }
0x105: {  	p0 =	seq.s32 s4, s3;
	[smem:s21+$0x1] =	sst s23  }
0x106: {  	[smem:s0+$0x200] =	sst @!p0 s4  }
0x107: {  	p1 =	sne.s32 s4, s3;
	s1 =	simm.s32 $0x1;
	[smem:s0+$0x400] =	sst @!p0 s2  }
0x108: {  	s24 =	sand.u32 $0x7F, s5;
	s1 =	simm.s32 @!p1 $0x0;
	s2 =	rddreg [dreg:$0xd]  }
0x109: {  	s0 =	sadd.s32 s1, s0;
	p0 =	seq.s32 s10, s4;
	[smem:s21+$0x2] =	sst s24  }
0x10a: {  	s26 =	sand.u32 $0x7F, s25;
	[smem:s0+$0x200] =	sst @!p0 s10  }
0x10b: {  	p1 =	sne.s32 s10, s4;
	s1 =	simm.s32 $0x1;
	[smem:s0+$0x400] =	sst @!p0 s2  }
0x10c: {  	s3 =	sshrl.u32 s25, $0x7;
	s1 =	simm.s32 @!p1 $0x0;
	s2 =	rddreg [dreg:$0xa]  }
0x10d: {  	s0 =	sadd.s32 s1, s0;
	p0 =	seq.s32 s3, s10;
	[smem:s21+$0x3] =	sst s26  }
0x10e: {  	s4 =	sand.u32 $0x7F, s28;
	[smem:s0+$0x200] =	sst @!p0 s3  }
0x10f: {  	p1 =	sne.s32 s3, s10;
	s1 =	simm.s32 $0x1;
	[smem:s0+$0x400] =	sst @!p0 s2  }
0x110: {  	s1 =	simm.s32 @!p1 $0x0;
	s2 =	sshrl.u32 s28, $0x7;
	[smem:s21+$0x4] =	sst s4  }
0x111: {  	p0 =	seq.s32 s2, s3;
	p1 =	sne.s32 s2, s3;
	s3 =	rddreg [dreg:$0x8]  }
0x112: {  	s0 =	sadd.s32 s1, s0;
	s1 =	simm.s32 $0x1;
	s4 =	rddreg [dreg:$0x7]  }
0x113: {  	s29 =	sand.u32 $0x7F, s14;
	[smem:s0+$0x200] =	sst @!p0 s2;
	s1 =	simm.s32 @!p1 $0x0  }
0x114: {  	[smem:s0+$0x400] =	sst @!p0 s3;
	s0 =	sadd.s32 s1, s0;
	s1 =	sshrl.u32 s14, $0x7  }
0x115: {  	[smem:s21+$0x5] =	sst s29;
	p1 =	seq.s32 s1, s2  }
0x116: {  	p0 =	sne.s32 s4, s1;
	p2 =	sne.s32 s1, s2;
	[smem:s0+$0x200] =	sst @!p1 s1  }
0x117: {  	s2 =	simm.s32 $0x1;
	p3 =	seq.s32 s4, s1;
	s1 =	rddreg [dreg:$0x5]  }
0x118: {  	s2 =	simm.s32 @!p2 $0x0;
	[smem:s0+$0x400] =	sst @!p1 s1  }
0x119: {  	s0 =	sadd.s32 s2, s0;
	s2 =	rddreg [dreg:$0x4]  }
0x11a: {  	s1 =	simm.s32 $0x1;
	[smem:s21+$0x6] =	sst s30  }
0x11b: {  	s1 =	simm.s32 @!p0 $0x0;
	[smem:s0+$0x200] =	sst @!p3 s4  }
0x11c: {  	p0 =	sne.s32 s6, s4;
	[smem:s0+$0x400] =	sst @!p3 s2;
	s2 =	simm.s32 $0x1  }
0x11d: {  	s3 =	sadd.s32 s1, s0;
	s0 =	sand.u32 $0x7F, s31;
	s2 =	simm.s32 @!p0 $0x0  }
0x11e: {  	[smem:s21+$0x7] =	sst s0;
	p0 =	seq.s32 s6, s4;
	s0 =	sadd.s32 s2, s3  }
0x11f: {  	[smem:s3+$0x200] =	sst @!p0 s6;
	s1 =	sadd.s32 $0x5, s0  }
0x120: {  	[smem:s3+$0x400] =	sst @!p0 s19;
	p0 =	slt.s32 s1, $0x1  }
.Ltmp3:
0x121: {  	s18 =	sld [smem:$0x7FB];
	(pc) =	sbr.rel @!p0 .LBB2_4-.Ltmp3, $4  }
.Ltmp4:
0x122: {  	s10 =	rddreg [dreg:$0x0];
	(pc) =	sbr.rel @p0 .LBB2_9-.Ltmp4, $4  }
0x123: {  	s14 =	sld [smem:$0x7F9]  }
0x124: {  	s16 =	simm.s32 $0x200;
	s19 =	sld [smem:$0x7FC]  }
0x125: {  	s2 =	simm.s32 $0x0;
	[smem:s0+$0x400] =	sst s16  }
0x126: {  	_ = 	snop  }
.LBB2_7:
0x127: {  	v10 =	vor.u32 s5, v5  }
0x128: {  	v8 =	vadd.s32 v6, v8;
	_ =	sdelay $0x3  }
0x129: {  	[tilespmem:v10+s17+$0x0] =	vst.idx.msk $0xffff, v9  }
0x12a: {  	v63 =	vor.u32 s5, v7;
	v8 =	vld.idx.msk [tilespmem:v8+s16+$0x0], $0xffff;
	_ =	sdelay $0x4  }
0x12b: {  	[tilespmem:v63+s17+$0x0] =	vst.idx.msk $0xffff, v8  }
.LBB2_8:
0x12c: {  	s2 =	sadd.s32 $0x1, s2  }
0x12d: {  	p0 =	slt.s32 s2, s1  }
.Ltmp5:
0x12e: {  	_ = 	snop;
	(pc) =	sbr.rel @!p0 .LBB2_9-.Ltmp5, $1  }
0x12f: {  	_ =	sdelay $0x3  }
.LBB2_4:
0x130: {  	p0 =	sge.s32 s2, s0  }
0x131: {  	s3 =	smulhi.u32 @!p0 $0xAAAAAAAB, s2  }
0x132: {  	s4 =	sld @!p0 [smem:s2+$0x200]  }
0x133: {  	s3 =	sshrl.u32 @!p0 s3, $0x2  }
0x134: {  	s3 =	smul.u32 @!p0 $0x6, s3  }
0x135: {  	p2 =	sne.s32 @!p0 s4, $0x1E84  }
0x136: {  	p1 =	por !p2, p0;
	s3 =	ssub.s32 @!p0 s2, s3  }
0x137: {  	s4 =	sshll.u32 @!p1 s4, $0x7;
	s5 =	sshll.u32 @!p1 s3, $0xC  }
0x138: {  	s4 =	sand.u32 @!p1 $0x1FFFFF80, s4;
	s6 =	sshrl.u32 @!p1 s5, $0x2  }
0x139: {  	s8 =	simm.s32 @!p1 $0x0;
	s4 =	sadd.s32 @!p1 s10, s4;
	s7 =	sor.u32 @!p1 $0x200, s6  }
0x13a: {  	[tilespmem:s7], [sflag:$0x1] =	stream.linear.gather @!p1 [hbm4b:s4+s8], $0x400, $0x38;
	[tilespmem:$0x1C200] =	vst v63  }
0x13b: {  	s9 =	sadd.s32 @!p1 $0x1A00, s6;
	s7 =	sadd.s32 @!p1 $0xF4280, s4  }
0x13c: {  	[tilespmem:s9], [sflag:$0x1] =	stream.linear.gather @!p1 [hbm4b:s7+s8], $0x400, $0x38;
	[tilespmem:$0x1C200] =	vst v63  }
0x13d: {  	s7 =	sadd.s32 @!p1 $0x1E8500, s4;
	s9 =	sadd.s32 @!p1 $0x3200, s6  }
0x13e: {  	[tilespmem:s9], [sflag:$0x1] =	stream.linear.gather @!p1 [hbm4b:s7+s8], $0x400, $0x38;
	[tilespmem:$0x1C200] =	vst v63  }
0x13f: {  	s7 =	sadd.s32 @!p1 $0x2DC780, s4;
	s9 =	sadd.s32 @!p1 $0x4A00, s6  }
0x140: {  	[tilespmem:s9], [sflag:$0x1] =	stream.linear.gather @!p1 [hbm4b:s7+s8], $0x400, $0x38;
	[tilespmem:$0x1C200] =	vst v63  }
0x141: {  	s7 =	sadd.s32 @!p1 $0x3D0A00, s4;
	s9 =	sadd.s32 @!p1 $0x6200, s6  }
0x142: {  	[tilespmem:s9], [sflag:$0x1] =	stream.linear.gather @!p1 [hbm4b:s7+s8], $0x400, $0x38;
	[tilespmem:$0x1C200] =	vst v63  }
0x143: {  	p2 =	por p2, p0;
	s7 =	sadd.s32 @!p1 $0x4C4C80, s4;
	s9 =	sadd.s32 @!p1 $0x7A00, s6  }
0x144: {  	[tilespmem:s9], [sflag:$0x1] =	stream.linear.gather @!p1 [hbm4b:s7+s8], $0x400, $0x38;
	[tilespmem:$0x1C200] =	vst v63  }
0x145: {  	s3 =	sshll.u32 @!p2 s3, $0xC;
	s6 =	sadd.s32 @!p1 $0x9200, s6;
	s7 =	sadd.s32 @!p1 $0x5B8F00, s4  }
0x146: {  	[tilespmem:s6], [sflag:$0x1] =	stream.linear.gather @!p1 [hbm4b:s7+s8], $0x400, $0x38;
	[tilespmem:$0x1C200] =	vst v63  }
0x147: {  	s6 =	sshrl.u32 @!p2 s3, $0x2  }
0x148: {  	s8 =	simm.s32 @!p2 $0x0;
	s7 =	sor.u32 @!p2 $0x200, s6  }
0x149: {  	[tilespmem:s7], [sflag:$0x1] =	stream.linear.gather @!p2 [hbm4b:s11+s8], $0x400, $0x38;
	[tilespmem:$0x1C200] =	vst v63  }
0x14a: {  	s7 =	sadd.s32 @!p2 $0x1A00, s6  }
0x14b: {  	[tilespmem:s7], [sflag:$0x1] =	stream.linear.gather @!p2 [hbm4b:s12+s8], $0x400, $0x38;
	[tilespmem:$0x1C200] =	vst v63  }
0x14c: {  	s7 =	sadd.s32 @!p2 $0x3200, s6  }
0x14d: {  	[tilespmem:s7], [sflag:$0x1] =	stream.linear.gather @!p2 [hbm4b:s13+s8], $0x400, $0x38;
	[tilespmem:$0x1C200] =	vst v63  }
0x14e: {  	s7 =	sadd.s32 @!p2 $0x4A00, s6  }
0x14f: {  	[tilespmem:s7], [sflag:$0x1] =	stream.linear.gather @!p2 [hbm4b:s14+s8], $0x400, $0x38;
	[tilespmem:$0x1C200] =	vst v63  }
0x150: {  	s7 =	sadd.s32 @!p2 $0x6200, s6  }
0x151: {  	[tilespmem:s7], [sflag:$0x1] =	stream.linear.gather @!p2 [hbm4b:s15+s8], $0x400, $0x38;
	[tilespmem:$0x1C200] =	vst v63  }
0x152: {  	s5 =	smov.u32 @p1 s3;
	s7 =	sadd.s32 @!p2 $0x7A00, s6  }
0x153: {  	[tilespmem:s7], [sflag:$0x1] =	stream.linear.gather @!p2 [hbm4b:s18+s8], $0x400, $0x38;
	[tilespmem:$0x1C200] =	vst v63  }
0x154: {  	s3 =	sadd.s32 @!p1 $0x6AD180, s4;
	s4 =	sshrl.u32 @!p0 s5, $0x2;
	s6 =	sadd.s32 @!p2 $0x9200, s6  }
0x155: {  	[tilespmem:s6], [sflag:$0x1] =	stream.linear.gather @!p2 [hbm4b:s19+s8], $0x400, $0x38;
	[tilespmem:$0x1C200] =	vst v63  }
0x156: {  	s5 =	simm.s32 @!p0 $0x0;
	s3 =	smov.u32 @p1 s20;
	s4 =	sadd.s32 @!p0 $0xAA00, s4  }
0x157: {  	[tilespmem:s4], [sflag:$0x1] =	stream.linear.gather @!p0 [hbm4b:s3+s5], $0x400, $0x38;
	[tilespmem:$0x1C200] =	vst v63  }
0x158: {  	s4 =	sadd.s32 $0xFFFFFFFB, s2;
	p0 =	slt.u32 s2, $0x5  }
0x159: {  	p1 =	sge.s32 @!p0 s4, s0  }
0x15a: {  	p0 =	por p0, p1  }
0x15b: {  	s3 =	simm.s32 @!p0 $0x1  }
0x15c: {  	_ =	swait.ge @!p0 [sflag:s3], $0x2000  }
0x15d: {  	[sflag:s3] =	ssyncset.done @!p0 $0x0  }
0x15e: {  	[sflag:s3] =	ssyncadd.s32 @!p0 $0xFFFFE000  }
0x15f: {  	s6 =	sld @!p0 [smem:s4+$0x400]  }
0x160: {  	s3 =	sld @!p0 [smem:s2+$0x3FC];
	_ =	sdelay $0x2  }
0x161: {  	p1 =	sge.s32 @!p0 s6, s3  }
0x162: {  	p1 =	por p0, p1  }
.Ltmp6:
0x163: {  	_ = 	snop;
	(pc) =	sbr.rel @p1 .LBB2_8-.Ltmp6, $1  }
0x164: {  	_ =	sdelay $0x3  }
0x165: {  	s5 =	smulhi.u32 @!p0 $0xAAAAAAAB, s4;
	_ =	sdelay $0x1  }
0x166: {  	s7 =	sshll.u32 s6, $0x2;
	s5 =	sshrl.u32 @!p0 s5, $0x2  }
0x167: {  	s7 =	sshra.s32 s7, $0x2;
	s5 =	smul.u32 @!p0 $0x6, s5  }
0x168: {  	s8 =	sld [smem:s7+$0x0]  }
0x169: {  	s4 =	ssub.s32 @!p0 s4, s5  }
0x16a: {  	s4 =	sshll.u32 @!p0 s4, $0x7  }
0x16b: {  	s31 =	sadd.s32 s4, s8  }
0x16c: {  	v8 =	vmov s31  }
0x16d: {  	v9 =	vshll.u32 v8, $0x3  }
0x16e: {  	v8 =	vand.u32 $0x7F, v8;
	v9 =	vand.u32 $0xFFFFFC00, v9  }
0x16f: {  	v8 =	vor.u32 v8, v9  }
0x170: {  	v9 =	vadd.s32 v0, v8;
	_ =	sdelay $0x3  }
0x171: {  	s5 =	sshll.u32 s6, $0x7  }
0x172: {  	v10 =	vor.u32 s5, v1;
	v9 =	vld.idx.msk [tilespmem:v9+s16+$0x0], $0xffff  }
0x173: {  	v11 =	vadd.s32 v2, v8;
	_ =	sdelay $0x3  }
0x174: {  	[tilespmem:v10+s17+$0x0] =	vst.idx.msk $0xffff, v9  }
0x175: {  	s6 =	sadd.s32 $0x1, s6;
	v10 =	vor.u32 s5, v3;
	v9 =	vld.idx.msk [tilespmem:v11+s16+$0x0], $0xffff  }
0x176: {  	p0 =	sne.s32 s3, s6;
	v11 =	vadd.s32 v4, v8  }
.Ltmp7:
0x177: {  	_ = 	snop;
	(pc) =	sbr.rel @!p0 .LBB2_7-.Ltmp7, $3  }
0x178: {  	_ =	sdelay $0x1  }
0x179: {  	[tilespmem:v10+s17+$0x0] =	vst.idx.msk $0xffff, v9  }
0x17a: {  	s7 =	sadd.s32 $0x1, s7;
	v9 =	vld.idx.msk [tilespmem:v11+s16+$0x0], $0xffff  }
.LBB2_6:
0x17b: {  	s8 =	sld [smem:s7+$0x0];
	v10 =	vor.u32 s5, v5;
	s9 =	smov.u32 s6;
	s6 =	sadd.s32 $0x1, s6  }
0x17c: {  	v8 =	vadd.s32 v6, v8;
	p0 =	sne.s32 s3, s6;
	_ =	sdelay $0x1  }
0x17d: {  	s8 =	sadd.s32 s4, s8  }
0x17e: {  	v11 =	vmov s8  }
0x17f: {  	v12 =	vshll.u32 v11, $0x3;
	[tilespmem:v10+s17+$0x0] =	vst.idx.msk $0xffff, v9  }
0x180: {  	v9 =	vand.u32 $0x7F, v11;
	v10 =	vand.u32 $0xFFFFFC00, v12;
	v11 =	vld.idx.msk [tilespmem:v8+s16+$0x0], $0xffff  }
0x181: {  	v8 =	vor.u32 v9, v10;
	v9 =	vor.u32 s5, v7  }
0x182: {  	v10 =	vadd.s32 v0, v8;
	_ =	sdelay $0x3  }
0x183: {  	[tilespmem:v9+s17+$0x0] =	vst.idx.msk $0xffff, v11  }
0x184: {  	s5 =	sshll.u32 s9, $0x7;
	v9 =	vld.idx.msk [tilespmem:v10+s16+$0x0], $0xffff  }
0x185: {  	v10 =	vor.u32 s5, v1  }
0x186: {  	v11 =	vadd.s32 v2, v8;
	_ =	sdelay $0x3  }
0x187: {  	[tilespmem:v10+s17+$0x0] =	vst.idx.msk $0xffff, v9  }
0x188: {  	v9 =	vld.idx.msk [tilespmem:v11+s16+$0x0], $0xffff  }
0x189: {  	v10 =	vor.u32 s5, v3  }
0x18a: {  	v11 =	vadd.s32 v4, v8  }
.Ltmp8:
0x18b: {  	(pc) =	sbr.rel @p0 .LBB2_6-.Ltmp8, $3  }
0x18c: {  	_ =	sdelay $0x1  }
0x18d: {  	[tilespmem:v10+s17+$0x0] =	vst.idx.msk $0xffff, v9  }
0x18e: {  	s7 =	sadd.s32 $0x1, s7;
	v9 =	vld.idx.msk [tilespmem:v11+s16+$0x0], $0xffff  }
.Ltmp9:
0x18f: {  	_ = 	snop;
	(pc) =	sbr.rel .LBB2_7-.Ltmp9, $1  }
0x190: {  	_ =	sdelay $0x3  }
.LBB2_10:
0x191: {  	_ =	sfence.sel $0x180000  }
0x192: {  	[bflag:$0x0] =	sbarrier.arrive $0xFFFF  }
0x193: {  	_ =	strace $0x9000004A  }
0x194: {  	s0 =	stileid.u32;
	[bflag:$0x2] =	sbarrier.arrive $0xFFFF  }
0x195: {  	p0 =	sne.s32 s0, $0x0;
	s0 =	rddreg [dreg:$0x2]  }
0x196: {  	s0 =	sadd.s32 @!p0 $0x100000, s0  }
0x197: {  	[sflag:s0] =	ssyncadd.tile.s32 @!p0 $0x1;
	_ =	shalt  }
.Lfunc_end2:
_tile_overlayer_lowered:
.L_overlay_start_2:
0x198: {  	(tag) =	ssettag $0x2  }
0x199: {  	s0 =	rddreg [dreg:$0x0];
	s2 =	stileid.u32  }
0x19a: {  	s1 =	rddreg [dreg:$0x1];
	p0 =	sne.s32 s2, $0x0  }
0x19b: {  	s3 =	rddreg [dreg:$0x2];
	[bflag:$0x3] =	sbarrier.arrive $0xFFFF;
	s2 =	simm.s32 @!p0 $0x1C02  }
0x19c: {  	[timem:s3], [sflag:s2] =	dma.local @!p0 [hbm:s0], s1  }
0x19d: {  	s0 =	simm.s32 @!p0 $0x2  }
0x19e: {  	_ =	swait.ge @!p0 [sflag:s0], s1  }
0x19f: {  	s1 =	ssub.s32 @!p0 $0x0, s1;
	[sflag:s0] =	ssyncset.done @!p0 $0x0  }
0x1a0: {  	[sflag:s0] =	ssyncadd.s32 @!p0 s1  }
0x1a1: {  	[bflag:$0x3] =	sbarrier.arrive $0xFFFF  }
0x1a2: {  	_ =	shalt  }

// kernel: kernel.7.cloned.1.call-start
scs
__scs_entry_jumppad:
0x0: {  	(pc) =	sbr.rel $0x88, $3  }
0x1: {  	(tag) =	ssettag $0x0;
	lr =	simm.s32 $0x1  }
0x2: {  	[smem:$0x3F9F] =	sst lr;
	_ =	strace $0xD0000000  }
0x3: {  	_ = 	snop  }
0x4: {  	_ = 	snop  }
0x5: {  	_ = 	snop  }
0x6: {  	_ = 	snop  }
0x7: {  	_ = 	snop  }
__scs_overlays_trampoline_lowered:
0x8: {  	[smem:$0x3FAE] =	sst s0  }
0x9: {  	[smem:$0x3FAF] =	sst s1  }
0xa: {  	[smem:$0x3FB0] =	sst s2  }
0xb: {  	[smem:$0x3FB1] =	sst s3  }
0xc: {  	[smem:$0x3FB2] =	sst s4  }
0xd: {  	[smem:$0x3FB3] =	sst s5  }
0xe: {  	[smem:$0x3FB4] =	sst s6  }
0xf: {  	[smem:$0x3FB5] =	sst s7  }
0x10: {  	[smem:$0x3FB6] =	sst s8  }
0x11: {  	[smem:$0x3FB7] =	sst s9;
	s0 =	simm.s32 @!p0 $0x0  }
0x12: {  	s1 =	sld [smem:$0x3F9D];
	s0 =	simm.s32 @p0 $0x1  }
0x13: {  	[smem:$0x3FB8] =	sst s0;
	s0 =	simm.s32 @!p1 $0x0  }
0x14: {  	s2 =	sld [smem:$0x3F9C];
	s0 =	simm.s32 @p1 $0x1  }
0x15: {  	[smem:$0x3FB9] =	sst s0;
	s0 =	simm.s32 @!p2 $0x0  }
0x16: {  	s3 =	sld [smem:$0x3FDB];
	s0 =	simm.s32 @p2 $0x1  }
0x17: {  	s4 =	simm.s32 $0x1BF5;
	[smem:$0x3FBB] =	sst s0  }
0x18: {  	s0 =	sld [smem:$0x3F9E];
	_ =	swait.ge [sflag:s4], $0x0  }
0x19: {  	s7 =	sld [smem:$0x3F9F]  }
0x1a: {  	s8 =	sadd.s32 $0xFFFFE003, lr  }
0x1b: {  	s9 =	sadd.s32 $0xFFFFFEF7, lr;
	s5 =	simm.s32 $0xFFFFFFFF;
	p2 =	slt.u32 s8, $0xFFFFF086  }
0x1c: {  	p1 =	slt.u32 s9, $0xF7A;
	s5 =	simm.s32 @!p2 $0x0  }
0x1d: {  	s5 =	simm.s32 @p1 $0x1;
	p0 =	seq.s32 s7, s2  }
0x1e: {  	s7 =	smul.u32 @!p0 $0xF7A, s2;
	p2 =	seq.s32 @!p0 s5, $0x0  }
0x1f: {  	s9 =	smul.u32 $0xF7A, s1;
	s8 =	simm.s32 @!p0 $0x1BF5;
	p2 =	por !p2, p0  }
0x20: {  	[sflag:s8] =	ssyncset.s32 @!p0 $0xFFFFF086;
	s6 =	sadd.s32 @!p0 s3, s7;
	s7 =	simm.s32 @!p0 $0x108  }
0x21: {  	s3 =	sadd.s32 s3, s9;
	s6 =	sadd.s32 @!p0 $0x88, s6;
	s7 =	simm.s32 @p2 $0x1082  }
0x22: {  	[simem:s7], [sflag:s8] =	dma.local @!p0 [hbm:s6], $0xF7A  }
0x23: {  	s9 =	sor.u32 $0xD0000000, s2;
	s6 =	simm.s32 $0x108;
	_ =	swait.ge @!p0 [sflag:s8], $0x0  }
0x24: {  	s3 =	sadd.s32 $0x88, s3;
	s6 =	simm.s32 @!p1 $0x1082;
	[sflag:s4] =	ssyncset.s32 $0xFFFFF086  }
0x25: {  	[simem:s6], [sflag:s4] =	dma.local [hbm:s3], $0xF7A  }
0x26: {  	[smem:$0x3F9F] =	sst s1;
	(tag) =	ssettag s2;
	_ =	strace s9  }
0x27: {  	s1 =	sld [smem:$0x3FAF]  }
0x28: {  	s2 =	sld [smem:$0x3FB0]  }
0x29: {  	s4 =	sld [smem:$0x3FB2]  }
0x2a: {  	p0 =	seq.s32 s5, $0x0;
	s5 =	sld [smem:$0x3FB3]  }
0x2b: {  	s6 =	sld [smem:$0x3FB4]  }
0x2c: {  	s7 =	sld [smem:$0x3FB5]  }
0x2d: {  	s3 =	simm.s32 $0x108;
	s8 =	sld [smem:$0x3FB6]  }
0x2e: {  	s3 =	simm.s32 @!p0 $0x1082;
	s9 =	sld [smem:$0x3FB7]  }
0x2f: {  	lr =	sadd.s32 s0, s3;
	s0 =	sld [smem:$0x3FAE]  }
0x30: {  	s3 =	sld [smem:$0x3FB1]  }
0x31: {  	[smem:$0x3FBA] =	sst s10  }
0x32: {  	s10 =	sld [smem:$0x3FB8];
	_ =	sdelay $0x3  }
0x33: {  	p0 =	seq.s32 s10, $0x1;
	s10 =	sld [smem:$0x3FBA];
	_ =	sdelay $0x3  }
0x34: {  	[smem:$0x3FBA] =	sst s10  }
0x35: {  	s10 =	sld [smem:$0x3FB9];
	_ =	sdelay $0x3  }
0x36: {  	p1 =	seq.s32 s10, $0x1;
	s10 =	sld [smem:$0x3FBA];
	_ =	sdelay $0x3  }
0x37: {  	[smem:$0x3FBA] =	sst s10  }
0x38: {  	s10 =	sld [smem:$0x3FBB]  }
0x39: {  	_ = 	snop;
	(pc) =	sbr.ind lr, $3  }
0x3a: {  	_ = 	snop  }
0x3b: {  	_ = 	snop  }
0x3c: {  	p2 =	seq.s32 s10, $0x1;
	s10 =	sld [smem:$0x3FBA]  }
0x3d: {  	_ =	shalt  }
0x3e: {  	_ =	shalt  }
0x3f: {  	_ =	shalt  }
0x40: {  	_ =	shalt  }
0x41: {  	_ =	shalt  }
0x42: {  	_ =	shalt  }
0x43: {  	_ =	shalt  }
0x44: {  	_ =	shalt  }
0x45: {  	_ =	shalt  }
0x46: {  	_ =	shalt  }
0x47: {  	_ =	shalt  }
0x48: {  	_ =	shalt  }
0x49: {  	_ =	shalt  }
0x4a: {  	_ =	shalt  }
0x4b: {  	_ =	shalt  }
0x4c: {  	_ =	shalt  }
0x4d: {  	_ =	shalt  }
0x4e: {  	_ =	shalt  }
0x4f: {  	_ =	shalt  }
0x50: {  	_ =	shalt  }
0x51: {  	_ =	shalt  }
0x52: {  	_ =	shalt  }
0x53: {  	_ =	shalt  }
0x54: {  	_ =	shalt  }
0x55: {  	_ =	shalt  }
0x56: {  	_ =	shalt  }
0x57: {  	_ =	shalt  }
0x58: {  	_ =	shalt  }
0x59: {  	_ =	shalt  }
0x5a: {  	_ =	shalt  }
0x5b: {  	_ =	shalt  }
0x5c: {  	_ =	shalt  }
0x5d: {  	_ =	shalt  }
0x5e: {  	_ =	shalt  }
0x5f: {  	_ =	shalt  }
0x60: {  	_ =	shalt  }
0x61: {  	_ =	shalt  }
0x62: {  	_ =	shalt  }
0x63: {  	_ =	shalt  }
0x64: {  	_ =	shalt  }
0x65: {  	_ =	shalt  }
0x66: {  	_ =	shalt  }
0x67: {  	_ =	shalt  }
0x68: {  	_ =	shalt  }
0x69: {  	_ =	shalt  }
0x6a: {  	_ =	shalt  }
0x6b: {  	_ =	shalt  }
0x6c: {  	_ =	shalt  }
0x6d: {  	_ =	shalt  }
0x6e: {  	_ =	shalt  }
0x6f: {  	_ =	shalt  }
0x70: {  	_ =	shalt  }
0x71: {  	_ =	shalt  }
0x72: {  	_ =	shalt  }
0x73: {  	_ =	shalt  }
0x74: {  	_ =	shalt  }
0x75: {  	_ =	shalt  }
0x76: {  	_ =	shalt  }
0x77: {  	_ =	shalt  }
0x78: {  	_ =	shalt  }
0x79: {  	_ =	shalt  }
0x7a: {  	_ =	shalt  }
0x7b: {  	_ =	shalt  }
0x7c: {  	_ =	shalt  }
0x7d: {  	_ =	shalt  }
0x7e: {  	_ =	shalt  }
0x7f: {  	_ =	shalt  }
0x80: {  	_ =	shalt  }
0x81: {  	_ =	shalt  }
0x82: {  	_ =	shalt  }
0x83: {  	_ =	shalt  }
0x84: {  	_ =	shalt  }
0x85: {  	_ =	shalt  }
0x86: {  	_ =	shalt  }
0x87: {  	_ =	shalt  }
.Lfunc_end0:
.L_simem_size_0:
called_computation.2_lowered:
.L_overlay_start_0:
0x88: {  	s2 =	sld [smem:$0x3FD9]  }
0x89: {  	s3 =	sld [smem:$0x3FFE];
	_ =	sdelay $0x1  }
0x8a: {  	s1 =	srdreg.scid  }
0x8b: {  	s0 =	sand.u32 $0x1, s1  }
0x8c: {  	s17 =	sshll.u32 s0, $0xA;
	s2 =	sadd.s32 s3, s2  }
0x8d: {  	s2 =	sadd.s32 s2, s17  }
0x8e: {  	[smem:$0x3FC6] =	sst s2  }
0x8f: {  	_ = 	snop  }
0x90: {  	s2 =	sld [smem:$0x3FD0];
	(tm) =	ssettm $0x1  }
0x91: {  	s18 =	sld [smem:$0x3FFB];
	_ =	sdelay $0x3  }
0x92: {  	_ =	strace s18  }
0x93: {  	s3 =	sld [smem:$0x3FFC];
	_ =	sdelay $0x3  }
0x94: {  	_ =	strace s3  }
0x95: {  	s3 =	sld [smem:$0x3FFD];
	_ =	sdelay $0x3  }
0x96: {  	_ =	strace s3  }
0x97: {  	_ =	strace $0x8FFFFFFF  }
0x98: {  	s19 =	sld [smem:$0x3FDB];
	_ =	sdelay $0x1  }
0x99: {  	s4 =	simm.s32 $_scs_section_size  }
0x9a: {  	s5 =	simm.s32 $_size__tile_overlayer_lowered;
	s6 =	simm.s32 $_tile_overlayer_lowered  }
0x9b: {  	s22 =	simm.s32 $0x1BFF;
	s21 =	sshll.u32 s6, $0x1;
	s3 =	sadd.s32 s4, s19  }
0x9c: {  	s7 =	simm.s32 $0x0;
	s20 =	sshll.u32 s5, $0x1;
	s5 =	sadd.s32 s21, s3  }
0x9d: {  	[timem:s7], [sflag:s22] =	dma.local [hbm:s5], s20  }
0x9e: {  	_ =	swait.ge [sflag:s22], s20  }
0x9f: {  	s4 =	ssub.s32 $0x0, s20;
	[sflag:s22] =	ssyncset.done $0x0  }
0xa0: {  	[sflag:s22] =	ssyncadd.s32 s4;
	_ =	sdelay $0x1  }
0xa1: {  	s23 =	simm.s32 $0x1B8B  }
0xa2: {  	_ =	swait.ge [sflag:s23], $0x1  }
0xa3: {  	[sflag:s23] =	ssyncset.done $0x0  }
0xa4: {  	s25 =	simm.s32 $0x1B8E;
	s24 =	sld [smem:$0x3FFE];
	[sflag:s23] =	ssyncadd.s32 $0xFFFFFFFF  }
0xa5: {  	s26 =	simm.s32 $execute0_lowered;
	[smem:$0x3FD2] =	sst s25  }
0xa6: {  	s5 =	sshll.u32 s26, $0x1;
	_ =	strace $0x8000004C;
	[dreg:$0x1] =	wrdreg $0xFFFFFFFF  }
0xa7: {  	s28 =	simm.s32 $_size_execute0_lowered;
	s3 =	sadd.s32 s3, s5;
	[dreg:$0x0] =	wrdreg $0x0  }
0xa8: {  	s5 =	sshll.u32 s28, $0x1;
	[dreg:$0x2] =	wrdreg s3  }
0xa9: {  	[dreg:$0x3] =	wrdreg s5  }
0xaa: {  	[dreg:$0x4] =	wrdreg $0xC0  }
0xab: {  	_ =	task [dreg:s7], $0x5FFFF  }
0xac: {  	[dreg:$0x1] =	wrdreg $0xFFFFFFFF  }
0xad: {  	[dreg:$0x0] =	wrdreg $0x60  }
0xae: {  	[dreg:$0x2] =	wrdreg s24  }
0xaf: {  	[dreg:$0x3] =	wrdreg s2  }
0xb0: {  	[dreg:$0x4] =	wrdreg $0x9  }
0xb1: {  	_ =	task.clear_ibuf [dreg:s7], $0x5FFFF;
	_ =	strace $0x9000004C  }
0xb2: {  	s29 =	simm.s32 $0x9;
	_ =	strace $0x8000004E  }
0xb3: {  	_ =	swait.ge [sflag:s29], $0x1  }
0xb4: {  	[sflag:s29] =	ssyncadd.s32 $0xFFFFFFFF  }
0xb5: {  	_ =	strace $0x9000004E  }
0xb6: {  	_ =	sfence  }
0xb7: {  	s30 =	sld [smem:$0x0];
	_ =	sdelay $0x2  }
0xb8: {  	s31 =	sshll.u32 s1, $0xD;
	s1 =	sshrl.u32 s1, $0x2  }
0xb9: {  	s3 =	sand.u32 $0x4000, s31;
	s1 =	sadd.s32 s1, s30  }
0xba: {  	s0 =	sor.u32 s3, s0;
	s1 =	sshll.u32 s1, $0x11  }
0xbb: {  	s0 =	sor.u32 s1, s0  }
0xbc: {  	s0 =	sadd.s32 $0x8F2B, s0  }
0xbd: {  	[sflag:s0] =	ssyncadd.remote.s32 $0x1  }
0xbe: {  	_ =	sfence.sel $0xFFFF  }
0xbf: {  	[dreg:$0x0] =	wrdreg $0xFFFFFFFF;
	(pc) =	sbr.abs _section_cstart, $3  }
0xc0: {  	[dreg:$0x1] =	wrdreg $0xFFFFFFFF  }
0xc1: {  	_ =	task.clear_ibuf [dreg:s7], $0x2FFFF;
	_ =	strace $0x9FFFFFFF  }
0xc2: {  	(tm) =	ssettm $0x7FFFFFFF  }
0xc3: {  	_ =	shalt  }
tec
execute0_lowered:
.L_overlay_start_1:
0x0: {  	(tag) =	ssettag $0x1  }
0x1: {  	s1 =	srdreg.scid;
	s3 =	rddreg [dreg:$0x0]  }
0x2: {  	s0 =	stileid.u32;
	s5 =	rddreg [dreg:$0x1]  }
0x3: {  	s2 =	simm.s32 $0x0;
	s9 =	simm.s32 $0x200;
	s10 =	simm.s32 $0x4200  }
0x4: {  	s11 =	simm.s32 $0x100;
	s12 =	simm.s32 $0x8200;
	s13 =	simm.s32 $0x180  }
0x5: {  	s14 =	simm.s32 $0xC200;
	s15 =	simm.s32 $0x1;
	s16 =	simm.s32 $0x1000  }
0x6: {  	s17 =	simm.s32 $0x20000;
	s18 =	simm.s32 $0x10200;
	s19 =	simm.s32 $0x0  }
0x7: {  	s4 =	sand.u32 $0x1, s1;
	s6 =	sshll.u32 s0, $0xA;
	s1 =	rddreg [dreg:$0x2]  }
0x8: {  	[smem:$0x7FF] =	sst s2;
	s7 =	sshll.u32 s4, $0x9;
	s4 =	ssub.s32 $0x2, s4  }
0x9: {  	_ =	strace $0x8000004D;
	s6 =	sor.u32 s7, s6;
	s8 =	sshrl.u32 s4, $0x1  }
0xa: {  	s7 =	sshrl.u32 s6, $0x3;
	s8 =	ssub.s32 s4, s8;
	s5 =	sadd.s32 s5, s6  }
0xb: {  	v0 =	vlaneseq.u32;
	s7 =	sadd.s32 s7, s3;
	s3 =	sadd.s32 $0x1400, s3;
	s6 =	smax.u32 s8, $0x1  }
0xc: {  	v0 =	vmul.u32 $0x80, v0;
	s8 =	simm.s32 $0x80;
	s4 =	sadd.s32 $0x800, s7;
	s7 =	simm.s32 $0x2  }
.LBB2_1:
0xd: {  	[tilespmem:s2], [sflag:$0x2] =	stream.linear.gather [hbm4b:s4+s2], $0x200, $0x38;
	[tilespmem:$0x18200] =	vst v63  }
0xe: {  	_ =	swait.ge [sflag:s7], $0x200  }
0xf: {  	[sflag:s7] =	ssyncset.done $0x0  }
0x10: {  	[sflag:s7] =	ssyncadd.s32 $0xFFFFFE00  }
0x11: {  	[tilespmem:s9], [sflag:$0x1] =	stream.indirect.gather [hbm4b:s3+s8], $0x80, s2, s8, $0xb8;
	[tilespmem:$0x18200] =	vst v63  }
0x12: {  	_ = 	snop  }
0x13: {  	[tilespmem:s10], [sflag:$0x1] =	stream.indirect.gather [hbm4b:s3+s8], $0x80, s8, s8, $0xb8;
	[tilespmem:$0x18200] =	vst v63  }
0x14: {  	_ = 	snop  }
0x15: {  	[tilespmem:s12], [sflag:$0x1] =	stream.indirect.gather [hbm4b:s3+s8], $0x80, s11, s8, $0xb8;
	[tilespmem:$0x18200] =	vst v63  }
0x16: {  	_ = 	snop  }
0x17: {  	[tilespmem:s14], [sflag:$0x1] =	stream.indirect.gather [hbm4b:s3+s8], $0x80, s13, s8, $0xb8;
	[tilespmem:$0x18200] =	vst v63  }
0x18: {  	_ =	swait.ge [sflag:s15], $0x4000  }
0x19: {  	[sflag:s15] =	ssyncset.done $0x0  }
0x1a: {  	[sflag:s15] =	ssyncadd.s32 $0xFFFFC000  }
0x1b: {  	_ =	swait.ge [sflag:s15], $0x4000  }
0x1c: {  	[sflag:s15] =	ssyncset.done $0x0  }
0x1d: {  	v1 =	vmov s2;
	[sflag:s15] =	ssyncadd.s32 $0xFFFFC000  }
0x1e: {  	v1 =	vshll.u32 v1, $0x7;
	_ =	swait.ge [sflag:s15], $0x4000  }
0x1f: {  	v1 =	vor.u32 v0, v1;
	[sflag:s15] =	ssyncset.done $0x0  }
0x20: {  	[sflag:s15] =	ssyncadd.s32 $0xFFFFC000  }
0x21: {  	_ =	swait.ge [sflag:s15], $0x4000  }
0x22: {  	[sflag:s15] =	ssyncset.done $0x0  }
0x23: {  	[sflag:s15] =	ssyncadd.s32 $0xFFFFC000  }
0x24: {  	v2 =	vld.idx.msk [tilespmem:v1+s9+$0x0], $0xffff  }
0x25: {  	v3 =	vor.u32 $0x1, v1;
	_ =	sdelay $0x1  }
0x26: {  	s20 =	sand.u32 $0x70, s2;
	s21 =	sand.u32 $0xC00, s2  }
0x27: {  	s20 =	sor.u32 s20, s21  }
0x28: {  	[tilespmem:s20+$0x10200] =	vst v2  }
0x29: {  	v2 =	vld.idx.msk [tilespmem:v3+s9+$0x0], $0xffff  }
0x2a: {  	v3 =	vor.u32 $0x2, v1;
	_ =	sdelay $0x3  }
0x2b: {  	[tilespmem:s20+$0x10280] =	vst v2  }
0x2c: {  	v2 =	vld.idx.msk [tilespmem:v3+s9+$0x0], $0xffff  }
0x2d: {  	v3 =	vor.u32 $0x3, v1;
	_ =	sdelay $0x3  }
0x2e: {  	[tilespmem:s20+$0x10300] =	vst v2  }
0x2f: {  	v2 =	vld.idx.msk [tilespmem:v3+s9+$0x0], $0xffff  }
0x30: {  	v3 =	vor.u32 $0x4, v1;
	_ =	sdelay $0x3  }
0x31: {  	[tilespmem:s20+$0x10380] =	vst v2  }
0x32: {  	v2 =	vld.idx.msk [tilespmem:v3+s9+$0x0], $0xffff  }
0x33: {  	v3 =	vor.u32 $0x5, v1;
	_ =	sdelay $0x3  }
0x34: {  	[tilespmem:s20+$0x10400] =	vst v2  }
0x35: {  	v2 =	vld.idx.msk [tilespmem:v3+s9+$0x0], $0xffff  }
0x36: {  	v3 =	vor.u32 $0x6, v1;
	_ =	sdelay $0x3  }
0x37: {  	[tilespmem:s20+$0x10480] =	vst v2  }
0x38: {  	v2 =	vld.idx.msk [tilespmem:v3+s9+$0x0], $0xffff  }
0x39: {  	v3 =	vor.u32 $0x7, v1;
	_ =	sdelay $0x3  }
0x3a: {  	[tilespmem:s20+$0x10500] =	vst v2  }
0x3b: {  	v2 =	vld.idx.msk [tilespmem:v3+s9+$0x0], $0xffff  }
0x3c: {  	v3 =	vor.u32 $0x8, v1;
	_ =	sdelay $0x1  }
0x3d: {  	s31 =	sor.u32 s2, s2  }
0x3e: {  	s21 =	sor.u32 $0x380, s31  }
0x3f: {  	[tilespmem:s21+$0x10200] =	vst v2  }
0x40: {  	v2 =	vld.idx.msk [tilespmem:v3+s9+$0x0], $0xffff  }
0x41: {  	v3 =	vor.u32 $0x9, v1;
	_ =	sdelay $0x3  }
0x42: {  	[tilespmem:s20+$0x11200] =	vst v2  }
0x43: {  	v2 =	vld.idx.msk [tilespmem:v3+s9+$0x0], $0xffff  }
0x44: {  	v3 =	vor.u32 $0xA, v1;
	_ =	sdelay $0x3  }
0x45: {  	[tilespmem:s20+$0x11280] =	vst v2  }
0x46: {  	v2 =	vld.idx.msk [tilespmem:v3+s9+$0x0], $0xffff  }
0x47: {  	v3 =	vor.u32 $0xB, v1;
	_ =	sdelay $0x3  }
0x48: {  	[tilespmem:s20+$0x11300] =	vst v2  }
0x49: {  	v2 =	vld.idx.msk [tilespmem:v3+s9+$0x0], $0xffff  }
0x4a: {  	v3 =	vor.u32 $0xC, v1;
	_ =	sdelay $0x3  }
0x4b: {  	[tilespmem:s20+$0x11380] =	vst v2  }
0x4c: {  	v2 =	vld.idx.msk [tilespmem:v3+s9+$0x0], $0xffff  }
0x4d: {  	v3 =	vor.u32 $0xD, v1;
	_ =	sdelay $0x3  }
0x4e: {  	[tilespmem:s20+$0x11400] =	vst v2  }
0x4f: {  	v2 =	vld.idx.msk [tilespmem:v3+s9+$0x0], $0xffff  }
0x50: {  	v3 =	vor.u32 $0xE, v1;
	_ =	sdelay $0x3  }
0x51: {  	[tilespmem:s20+$0x11480] =	vst v2  }
0x52: {  	v2 =	vld.idx.msk [tilespmem:v3+s9+$0x0], $0xffff  }
0x53: {  	v3 =	vor.u32 $0xF, v1;
	_ =	sdelay $0x3  }
0x54: {  	[tilespmem:s20+$0x11500] =	vst v2  }
0x55: {  	v2 =	vld.idx.msk [tilespmem:v3+s9+$0x0], $0xffff  }
0x56: {  	v3 =	vor.u32 $0x10, v1;
	_ =	sdelay $0x3  }
0x57: {  	[tilespmem:s20+$0x11580] =	vst v2  }
0x58: {  	v2 =	vld.idx.msk [tilespmem:v3+s9+$0x0], $0xffff  }
0x59: {  	v3 =	vor.u32 $0x11, v1;
	_ =	sdelay $0x3  }
0x5a: {  	[tilespmem:s20+$0x12200] =	vst v2  }
0x5b: {  	v2 =	vld.idx.msk [tilespmem:v3+s9+$0x0], $0xffff  }
0x5c: {  	v3 =	vor.u32 $0x12, v1;
	_ =	sdelay $0x3  }
0x5d: {  	[tilespmem:s20+$0x12280] =	vst v2  }
0x5e: {  	v2 =	vld.idx.msk [tilespmem:v3+s9+$0x0], $0xffff  }
0x5f: {  	v3 =	vor.u32 $0x13, v1;
	_ =	sdelay $0x3  }
0x60: {  	[tilespmem:s20+$0x12300] =	vst v2  }
0x61: {  	v2 =	vld.idx.msk [tilespmem:v3+s9+$0x0], $0xffff  }
0x62: {  	v3 =	vor.u32 $0x14, v1;
	_ =	sdelay $0x3  }
0x63: {  	[tilespmem:s20+$0x12380] =	vst v2  }
0x64: {  	v2 =	vld.idx.msk [tilespmem:v3+s9+$0x0], $0xffff  }
0x65: {  	v3 =	vor.u32 $0x15, v1;
	_ =	sdelay $0x3  }
0x66: {  	[tilespmem:s20+$0x12400] =	vst v2  }
0x67: {  	v2 =	vld.idx.msk [tilespmem:v3+s9+$0x0], $0xffff  }
0x68: {  	v3 =	vor.u32 $0x16, v1;
	_ =	sdelay $0x3  }
0x69: {  	[tilespmem:s20+$0x12480] =	vst v2  }
0x6a: {  	v2 =	vld.idx.msk [tilespmem:v3+s9+$0x0], $0xffff  }
0x6b: {  	v3 =	vor.u32 $0x17, v1;
	_ =	sdelay $0x3  }
0x6c: {  	[tilespmem:s20+$0x12500] =	vst v2  }
0x6d: {  	v2 =	vld.idx.msk [tilespmem:v3+s9+$0x0], $0xffff  }
0x6e: {  	v3 =	vor.u32 $0x18, v1;
	_ =	sdelay $0x3  }
0x6f: {  	[tilespmem:s20+$0x12580] =	vst v2  }
0x70: {  	v2 =	vld.idx.msk [tilespmem:v3+s9+$0x0], $0xffff  }
0x71: {  	v3 =	vor.u32 $0x19, v1;
	_ =	sdelay $0x3  }
0x72: {  	[tilespmem:s20+$0x13200] =	vst v2  }
0x73: {  	v2 =	vld.idx.msk [tilespmem:v3+s9+$0x0], $0xffff  }
0x74: {  	v3 =	vor.u32 $0x1A, v1;
	_ =	sdelay $0x3  }
0x75: {  	[tilespmem:s20+$0x13280] =	vst v2  }
0x76: {  	v2 =	vld.idx.msk [tilespmem:v3+s9+$0x0], $0xffff  }
0x77: {  	v3 =	vor.u32 $0x1B, v1;
	_ =	sdelay $0x3  }
0x78: {  	[tilespmem:s20+$0x13300] =	vst v2  }
0x79: {  	v2 =	vld.idx.msk [tilespmem:v3+s9+$0x0], $0xffff  }
0x7a: {  	v3 =	vor.u32 $0x1C, v1;
	_ =	sdelay $0x3  }
0x7b: {  	[tilespmem:s20+$0x13380] =	vst v2  }
0x7c: {  	v2 =	vld.idx.msk [tilespmem:v3+s9+$0x0], $0xffff  }
0x7d: {  	v3 =	vor.u32 $0x1D, v1;
	_ =	sdelay $0x3  }
0x7e: {  	[tilespmem:s20+$0x13400] =	vst v2  }
0x7f: {  	v2 =	vld.idx.msk [tilespmem:v3+s9+$0x0], $0xffff  }
0x80: {  	v3 =	vor.u32 $0x1E, v1;
	_ =	sdelay $0x3  }
0x81: {  	[tilespmem:s20+$0x13480] =	vst v2  }
0x82: {  	v2 =	vld.idx.msk [tilespmem:v3+s9+$0x0], $0xffff  }
0x83: {  	v3 =	vor.u32 $0x1F, v1;
	_ =	sdelay $0x3  }
0x84: {  	[tilespmem:s20+$0x13500] =	vst v2  }
0x85: {  	v2 =	vld.idx.msk [tilespmem:v3+s9+$0x0], $0xffff  }
0x86: {  	v3 =	vor.u32 $0x20, v1;
	_ =	sdelay $0x3  }
0x87: {  	[tilespmem:s20+$0x13580] =	vst v2  }
0x88: {  	v2 =	vld.idx.msk [tilespmem:v3+s9+$0x0], $0xffff  }
0x89: {  	v3 =	vor.u32 $0x21, v1;
	_ =	sdelay $0x3  }
0x8a: {  	[tilespmem:s20+$0x14200] =	vst v2  }
0x8b: {  	v2 =	vld.idx.msk [tilespmem:v3+s9+$0x0], $0xffff  }
0x8c: {  	v3 =	vor.u32 $0x22, v1;
	_ =	sdelay $0x3  }
0x8d: {  	[tilespmem:s20+$0x14280] =	vst v2  }
0x8e: {  	v2 =	vld.idx.msk [tilespmem:v3+s9+$0x0], $0xffff  }
0x8f: {  	v3 =	vor.u32 $0x23, v1;
	_ =	sdelay $0x3  }
0x90: {  	[tilespmem:s20+$0x14300] =	vst v2  }
0x91: {  	v2 =	vld.idx.msk [tilespmem:v3+s9+$0x0], $0xffff  }
0x92: {  	v3 =	vor.u32 $0x24, v1;
	_ =	sdelay $0x3  }
0x93: {  	[tilespmem:s20+$0x14380] =	vst v2  }
0x94: {  	v2 =	vld.idx.msk [tilespmem:v3+s9+$0x0], $0xffff  }
0x95: {  	v3 =	vor.u32 $0x25, v1;
	_ =	sdelay $0x3  }
0x96: {  	[tilespmem:s20+$0x14400] =	vst v2  }
0x97: {  	v2 =	vld.idx.msk [tilespmem:v3+s9+$0x0], $0xffff  }
0x98: {  	v3 =	vor.u32 $0x26, v1;
	_ =	sdelay $0x3  }
0x99: {  	[tilespmem:s20+$0x14480] =	vst v2  }
0x9a: {  	v2 =	vld.idx.msk [tilespmem:v3+s9+$0x0], $0xffff  }
0x9b: {  	v3 =	vor.u32 $0x27, v1;
	_ =	sdelay $0x3  }
0x9c: {  	[tilespmem:s20+$0x14500] =	vst v2  }
0x9d: {  	v2 =	vld.idx.msk [tilespmem:v3+s9+$0x0], $0xffff  }
0x9e: {  	v3 =	vor.u32 $0x28, v1;
	_ =	sdelay $0x3  }
0x9f: {  	[tilespmem:s20+$0x14580] =	vst v2  }
0xa0: {  	v2 =	vld.idx.msk [tilespmem:v3+s9+$0x0], $0xffff  }
0xa1: {  	v3 =	vor.u32 $0x29, v1;
	_ =	sdelay $0x3  }
0xa2: {  	[tilespmem:s20+$0x15200] =	vst v2  }
0xa3: {  	v2 =	vld.idx.msk [tilespmem:v3+s9+$0x0], $0xffff  }
0xa4: {  	v3 =	vor.u32 $0x2A, v1;
	_ =	sdelay $0x3  }
0xa5: {  	[tilespmem:s20+$0x15280] =	vst v2  }
0xa6: {  	v2 =	vld.idx.msk [tilespmem:v3+s9+$0x0], $0xffff  }
0xa7: {  	v3 =	vor.u32 $0x2B, v1;
	_ =	sdelay $0x3  }
0xa8: {  	[tilespmem:s20+$0x15300] =	vst v2  }
0xa9: {  	v2 =	vld.idx.msk [tilespmem:v3+s9+$0x0], $0xffff  }
0xaa: {  	v3 =	vor.u32 $0x2C, v1;
	_ =	sdelay $0x3  }
0xab: {  	[tilespmem:s20+$0x15380] =	vst v2  }
0xac: {  	v2 =	vld.idx.msk [tilespmem:v3+s9+$0x0], $0xffff  }
0xad: {  	v3 =	vor.u32 $0x2D, v1;
	_ =	sdelay $0x3  }
0xae: {  	[tilespmem:s20+$0x15400] =	vst v2  }
0xaf: {  	v2 =	vld.idx.msk [tilespmem:v3+s9+$0x0], $0xffff  }
0xb0: {  	v3 =	vor.u32 $0x2E, v1;
	_ =	sdelay $0x3  }
0xb1: {  	[tilespmem:s20+$0x15480] =	vst v2  }
0xb2: {  	v2 =	vld.idx.msk [tilespmem:v3+s9+$0x0], $0xffff  }
0xb3: {  	v3 =	vor.u32 $0x2F, v1;
	_ =	sdelay $0x3  }
0xb4: {  	[tilespmem:s20+$0x15500] =	vst v2  }
0xb5: {  	v2 =	vld.idx.msk [tilespmem:v3+s9+$0x0], $0xffff  }
0xb6: {  	v3 =	vor.u32 $0x30, v1;
	_ =	sdelay $0x3  }
0xb7: {  	[tilespmem:s20+$0x15580] =	vst v2  }
0xb8: {  	v2 =	vld.idx.msk [tilespmem:v3+s9+$0x0], $0xffff  }
0xb9: {  	v3 =	vor.u32 $0x31, v1;
	_ =	sdelay $0x3  }
0xba: {  	[tilespmem:s20+$0x16200] =	vst v2  }
0xbb: {  	v2 =	vld.idx.msk [tilespmem:v3+s9+$0x0], $0xffff  }
0xbc: {  	v3 =	vor.u32 $0x32, v1;
	_ =	sdelay $0x3  }
0xbd: {  	[tilespmem:s20+$0x16280] =	vst v2  }
0xbe: {  	v2 =	vld.idx.msk [tilespmem:v3+s9+$0x0], $0xffff  }
0xbf: {  	v3 =	vor.u32 $0x33, v1;
	_ =	sdelay $0x3  }
0xc0: {  	[tilespmem:s20+$0x16300] =	vst v2  }
0xc1: {  	v2 =	vld.idx.msk [tilespmem:v3+s9+$0x0], $0xffff  }
0xc2: {  	v3 =	vor.u32 $0x34, v1;
	_ =	sdelay $0x3  }
0xc3: {  	[tilespmem:s20+$0x16380] =	vst v2  }
0xc4: {  	v2 =	vld.idx.msk [tilespmem:v3+s9+$0x0], $0xffff  }
0xc5: {  	v3 =	vor.u32 $0x35, v1;
	_ =	sdelay $0x3  }
0xc6: {  	[tilespmem:s20+$0x16400] =	vst v2  }
0xc7: {  	v2 =	vld.idx.msk [tilespmem:v3+s9+$0x0], $0xffff  }
0xc8: {  	v3 =	vor.u32 $0x36, v1;
	_ =	sdelay $0x3  }
0xc9: {  	[tilespmem:s20+$0x16480] =	vst v2  }
0xca: {  	v2 =	vld.idx.msk [tilespmem:v3+s9+$0x0], $0xffff  }
0xcb: {  	v3 =	vor.u32 $0x37, v1;
	_ =	sdelay $0x3  }
0xcc: {  	[tilespmem:s20+$0x16500] =	vst v2  }
0xcd: {  	v2 =	vld.idx.msk [tilespmem:v3+s9+$0x0], $0xffff  }
0xce: {  	v3 =	vor.u32 $0x38, v1;
	_ =	sdelay $0x3  }
0xcf: {  	[tilespmem:s20+$0x16580] =	vst v2  }
0xd0: {  	v2 =	vld.idx.msk [tilespmem:v3+s9+$0x0], $0xffff  }
0xd1: {  	v3 =	vor.u32 $0x39, v1;
	_ =	sdelay $0x3  }
0xd2: {  	[tilespmem:s20+$0x17200] =	vst v2  }
0xd3: {  	v2 =	vld.idx.msk [tilespmem:v3+s9+$0x0], $0xffff  }
0xd4: {  	v3 =	vor.u32 $0x3A, v1;
	_ =	sdelay $0x3  }
0xd5: {  	[tilespmem:s20+$0x17280] =	vst v2  }
0xd6: {  	v2 =	vld.idx.msk [tilespmem:v3+s9+$0x0], $0xffff  }
0xd7: {  	v3 =	vor.u32 $0x3B, v1;
	_ =	sdelay $0x3  }
0xd8: {  	[tilespmem:s20+$0x17300] =	vst v2  }
0xd9: {  	v2 =	vld.idx.msk [tilespmem:v3+s9+$0x0], $0xffff  }
0xda: {  	v3 =	vor.u32 $0x3C, v1;
	_ =	sdelay $0x3  }
0xdb: {  	[tilespmem:s20+$0x17380] =	vst v2  }
0xdc: {  	v2 =	vld.idx.msk [tilespmem:v3+s9+$0x0], $0xffff  }
0xdd: {  	v3 =	vor.u32 $0x3D, v1;
	_ =	sdelay $0x3  }
0xde: {  	[tilespmem:s20+$0x17400] =	vst v2  }
0xdf: {  	v2 =	vld.idx.msk [tilespmem:v3+s9+$0x0], $0xffff  }
0xe0: {  	v3 =	vor.u32 $0x3E, v1;
	_ =	sdelay $0x3  }
0xe1: {  	[tilespmem:s20+$0x17480] =	vst v2  }
0xe2: {  	v2 =	vld.idx.msk [tilespmem:v3+s9+$0x0], $0xffff  }
0xe3: {  	v3 =	vor.u32 $0x3F, v1;
	_ =	sdelay $0x3  }
0xe4: {  	s21 =	simm.s32 $0x10;
	[tilespmem:s20+$0x17500] =	vst v2  }
0xe5: {  	s23 =	simm.s32 $0x20;
	s22 =	simm.s32 $0x0;
	v1 =	vmov s21;
	v2 =	vld.idx.msk [tilespmem:v3+s9+$0x0], $0xffff  }
.LBB2_2:
0xe6: {  	p0 =	sne.s32 s23, $0x1F0;
	v1 =	vshll.u32 v1, $0x7  }
0xe7: {  	v1 =	vor.u32 v0, v1;
	_ =	sdelay $0x3  }
0xe8: {  	[tilespmem:s20+$0x17580] =	vst v2  }
0xe9: {  	v2 =	vld.idx.msk [tilespmem:v1+s9+$0x0], $0xffff;
	_ =	sdelay $0x1  }
0xea: {  	v3 =	vor.u32 $0x1, v1  }
0xeb: {  	s22 =	sadd.s32 $0x80, s22  }
0xec: {  	s24 =	sand.u32 $0xC00, s22;
	s20 =	sand.u32 $0x70, s21  }
0xed: {  	s20 =	sor.u32 s20, s24  }
0xee: {  	[tilespmem:s20+$0x10200] =	vst v2  }
0xef: {  	v2 =	vld.idx.msk [tilespmem:v3+s9+$0x0], $0xffff;
	_ =	sdelay $0x1  }
0xf0: {  	v3 =	vor.u32 $0x2, v1;
	_ =	sdelay $0x3  }
0xf1: {  	[tilespmem:s20+$0x10280] =	vst v2  }
0xf2: {  	v2 =	vld.idx.msk [tilespmem:v3+s9+$0x0], $0xffff;
	_ =	sdelay $0x1  }
0xf3: {  	v3 =	vor.u32 $0x3, v1;
	_ =	sdelay $0x3  }
0xf4: {  	[tilespmem:s20+$0x10300] =	vst v2  }
0xf5: {  	v2 =	vld.idx.msk [tilespmem:v3+s9+$0x0], $0xffff;
	_ =	sdelay $0x1  }
0xf6: {  	v3 =	vor.u32 $0x4, v1;
	_ =	sdelay $0x3  }
0xf7: {  	[tilespmem:s20+$0x10380] =	vst v2  }
0xf8: {  	v2 =	vld.idx.msk [tilespmem:v3+s9+$0x0], $0xffff;
	_ =	sdelay $0x1  }
0xf9: {  	v3 =	vor.u32 $0x5, v1;
	_ =	sdelay $0x3  }
0xfa: {  	[tilespmem:s20+$0x10400] =	vst v2  }
0xfb: {  	v2 =	vld.idx.msk [tilespmem:v3+s9+$0x0], $0xffff;
	_ =	sdelay $0x1  }
0xfc: {  	v3 =	vor.u32 $0x6, v1;
	_ =	sdelay $0x3  }
0xfd: {  	[tilespmem:s20+$0x10480] =	vst v2  }
0xfe: {  	v2 =	vld.idx.msk [tilespmem:v3+s9+$0x0], $0xffff;
	_ =	sdelay $0x1  }
0xff: {  	v3 =	vor.u32 $0x7, v1;
	_ =	sdelay $0x3  }
0x100: {  	[tilespmem:s20+$0x10500] =	vst v2  }
0x101: {  	v2 =	vld.idx.msk [tilespmem:v3+s9+$0x0], $0xffff;
	_ =	sdelay $0x1  }
0x102: {  	v3 =	vor.u32 $0x8, v1;
	_ =	sdelay $0x1  }
0x103: {  	s24 =	sor.u32 s22, s21;
	s21 =	smov.u32 s23  }
0x104: {  	s24 =	sor.u32 $0x380, s24  }
0x105: {  	[tilespmem:s24+$0x10200] =	vst v2  }
0x106: {  	v2 =	vld.idx.msk [tilespmem:v3+s9+$0x0], $0xffff;
	_ =	sdelay $0x1  }
0x107: {  	v3 =	vor.u32 $0x9, v1;
	_ =	sdelay $0x3  }
0x108: {  	[tilespmem:s20+$0x11200] =	vst v2  }
0x109: {  	v2 =	vld.idx.msk [tilespmem:v3+s9+$0x0], $0xffff;
	_ =	sdelay $0x1  }
0x10a: {  	v3 =	vor.u32 $0xA, v1;
	_ =	sdelay $0x3  }
0x10b: {  	[tilespmem:s20+$0x11280] =	vst v2  }
0x10c: {  	v2 =	vld.idx.msk [tilespmem:v3+s9+$0x0], $0xffff;
	_ =	sdelay $0x1  }
0x10d: {  	v3 =	vor.u32 $0xB, v1;
	_ =	sdelay $0x3  }
0x10e: {  	[tilespmem:s20+$0x11300] =	vst v2  }
0x10f: {  	v2 =	vld.idx.msk [tilespmem:v3+s9+$0x0], $0xffff;
	_ =	sdelay $0x1  }
0x110: {  	v3 =	vor.u32 $0xC, v1;
	_ =	sdelay $0x3  }
0x111: {  	[tilespmem:s20+$0x11380] =	vst v2  }
0x112: {  	v2 =	vld.idx.msk [tilespmem:v3+s9+$0x0], $0xffff;
	_ =	sdelay $0x1  }
0x113: {  	v3 =	vor.u32 $0xD, v1;
	_ =	sdelay $0x3  }
0x114: {  	[tilespmem:s20+$0x11400] =	vst v2  }
0x115: {  	v2 =	vld.idx.msk [tilespmem:v3+s9+$0x0], $0xffff;
	_ =	sdelay $0x1  }
0x116: {  	v3 =	vor.u32 $0xE, v1;
	_ =	sdelay $0x3  }
0x117: {  	[tilespmem:s20+$0x11480] =	vst v2  }
0x118: {  	v2 =	vld.idx.msk [tilespmem:v3+s9+$0x0], $0xffff;
	_ =	sdelay $0x1  }
0x119: {  	v3 =	vor.u32 $0xF, v1;
	_ =	sdelay $0x3  }
0x11a: {  	[tilespmem:s20+$0x11500] =	vst v2  }
0x11b: {  	v2 =	vld.idx.msk [tilespmem:v3+s9+$0x0], $0xffff;
	_ =	sdelay $0x1  }
0x11c: {  	v3 =	vor.u32 $0x10, v1;
	_ =	sdelay $0x3  }
0x11d: {  	[tilespmem:s20+$0x11580] =	vst v2  }
0x11e: {  	v2 =	vld.idx.msk [tilespmem:v3+s9+$0x0], $0xffff;
	_ =	sdelay $0x1  }
0x11f: {  	v3 =	vor.u32 $0x11, v1;
	_ =	sdelay $0x3  }
0x120: {  	[tilespmem:s20+$0x12200] =	vst v2  }
0x121: {  	v2 =	vld.idx.msk [tilespmem:v3+s9+$0x0], $0xffff;
	_ =	sdelay $0x1  }
0x122: {  	v3 =	vor.u32 $0x12, v1;
	_ =	sdelay $0x3  }
0x123: {  	[tilespmem:s20+$0x12280] =	vst v2  }
0x124: {  	v2 =	vld.idx.msk [tilespmem:v3+s9+$0x0], $0xffff;
	_ =	sdelay $0x1  }
0x125: {  	v3 =	vor.u32 $0x13, v1;
	_ =	sdelay $0x3  }
0x126: {  	[tilespmem:s20+$0x12300] =	vst v2  }
0x127: {  	v2 =	vld.idx.msk [tilespmem:v3+s9+$0x0], $0xffff;
	_ =	sdelay $0x1  }
0x128: {  	v3 =	vor.u32 $0x14, v1;
	_ =	sdelay $0x3  }
0x129: {  	[tilespmem:s20+$0x12380] =	vst v2  }
0x12a: {  	v2 =	vld.idx.msk [tilespmem:v3+s9+$0x0], $0xffff;
	_ =	sdelay $0x1  }
0x12b: {  	v3 =	vor.u32 $0x15, v1;
	_ =	sdelay $0x3  }
0x12c: {  	[tilespmem:s20+$0x12400] =	vst v2  }
0x12d: {  	v2 =	vld.idx.msk [tilespmem:v3+s9+$0x0], $0xffff;
	_ =	sdelay $0x1  }
0x12e: {  	v3 =	vor.u32 $0x16, v1;
	_ =	sdelay $0x3  }
0x12f: {  	[tilespmem:s20+$0x12480] =	vst v2  }
0x130: {  	v2 =	vld.idx.msk [tilespmem:v3+s9+$0x0], $0xffff;
	_ =	sdelay $0x1  }
0x131: {  	v3 =	vor.u32 $0x17, v1;
	_ =	sdelay $0x3  }
0x132: {  	[tilespmem:s20+$0x12500] =	vst v2  }
0x133: {  	v2 =	vld.idx.msk [tilespmem:v3+s9+$0x0], $0xffff;
	_ =	sdelay $0x1  }
0x134: {  	v3 =	vor.u32 $0x18, v1;
	_ =	sdelay $0x3  }
0x135: {  	[tilespmem:s20+$0x12580] =	vst v2  }
0x136: {  	v2 =	vld.idx.msk [tilespmem:v3+s9+$0x0], $0xffff;
	_ =	sdelay $0x1  }
0x137: {  	v3 =	vor.u32 $0x19, v1;
	_ =	sdelay $0x3  }
0x138: {  	[tilespmem:s20+$0x13200] =	vst v2  }
0x139: {  	v2 =	vld.idx.msk [tilespmem:v3+s9+$0x0], $0xffff;
	_ =	sdelay $0x1  }
0x13a: {  	v3 =	vor.u32 $0x1A, v1;
	_ =	sdelay $0x3  }
0x13b: {  	[tilespmem:s20+$0x13280] =	vst v2  }
0x13c: {  	v2 =	vld.idx.msk [tilespmem:v3+s9+$0x0], $0xffff;
	_ =	sdelay $0x1  }
0x13d: {  	v3 =	vor.u32 $0x1B, v1;
	_ =	sdelay $0x3  }
0x13e: {  	[tilespmem:s20+$0x13300] =	vst v2  }
0x13f: {  	v2 =	vld.idx.msk [tilespmem:v3+s9+$0x0], $0xffff;
	_ =	sdelay $0x1  }
0x140: {  	v3 =	vor.u32 $0x1C, v1;
	_ =	sdelay $0x3  }
0x141: {  	[tilespmem:s20+$0x13380] =	vst v2  }
0x142: {  	v2 =	vld.idx.msk [tilespmem:v3+s9+$0x0], $0xffff;
	_ =	sdelay $0x1  }
0x143: {  	v3 =	vor.u32 $0x1D, v1;
	_ =	sdelay $0x3  }
0x144: {  	[tilespmem:s20+$0x13400] =	vst v2  }
0x145: {  	v2 =	vld.idx.msk [tilespmem:v3+s9+$0x0], $0xffff;
	_ =	sdelay $0x1  }
0x146: {  	v3 =	vor.u32 $0x1E, v1;
	_ =	sdelay $0x3  }
0x147: {  	[tilespmem:s20+$0x13480] =	vst v2  }
0x148: {  	v2 =	vld.idx.msk [tilespmem:v3+s9+$0x0], $0xffff;
	_ =	sdelay $0x1  }
0x149: {  	v3 =	vor.u32 $0x1F, v1;
	_ =	sdelay $0x3  }
0x14a: {  	[tilespmem:s20+$0x13500] =	vst v2  }
0x14b: {  	v2 =	vld.idx.msk [tilespmem:v3+s9+$0x0], $0xffff;
	_ =	sdelay $0x1  }
0x14c: {  	v3 =	vor.u32 $0x20, v1;
	_ =	sdelay $0x3  }
0x14d: {  	[tilespmem:s20+$0x13580] =	vst v2  }
0x14e: {  	v2 =	vld.idx.msk [tilespmem:v3+s9+$0x0], $0xffff;
	_ =	sdelay $0x1  }
0x14f: {  	v3 =	vor.u32 $0x21, v1;
	_ =	sdelay $0x3  }
0x150: {  	[tilespmem:s20+$0x14200] =	vst v2  }
0x151: {  	v2 =	vld.idx.msk [tilespmem:v3+s9+$0x0], $0xffff;
	_ =	sdelay $0x1  }
0x152: {  	v3 =	vor.u32 $0x22, v1;
	_ =	sdelay $0x3  }
0x153: {  	[tilespmem:s20+$0x14280] =	vst v2  }
0x154: {  	v2 =	vld.idx.msk [tilespmem:v3+s9+$0x0], $0xffff;
	_ =	sdelay $0x1  }
0x155: {  	v3 =	vor.u32 $0x23, v1;
	_ =	sdelay $0x3  }
0x156: {  	[tilespmem:s20+$0x14300] =	vst v2  }
0x157: {  	v2 =	vld.idx.msk [tilespmem:v3+s9+$0x0], $0xffff;
	_ =	sdelay $0x1  }
0x158: {  	v3 =	vor.u32 $0x24, v1;
	_ =	sdelay $0x3  }
0x159: {  	[tilespmem:s20+$0x14380] =	vst v2  }
0x15a: {  	v2 =	vld.idx.msk [tilespmem:v3+s9+$0x0], $0xffff;
	_ =	sdelay $0x1  }
0x15b: {  	v3 =	vor.u32 $0x25, v1;
	_ =	sdelay $0x3  }
0x15c: {  	[tilespmem:s20+$0x14400] =	vst v2  }
0x15d: {  	v2 =	vld.idx.msk [tilespmem:v3+s9+$0x0], $0xffff;
	_ =	sdelay $0x1  }
0x15e: {  	v3 =	vor.u32 $0x26, v1;
	_ =	sdelay $0x3  }
0x15f: {  	[tilespmem:s20+$0x14480] =	vst v2  }
0x160: {  	v2 =	vld.idx.msk [tilespmem:v3+s9+$0x0], $0xffff;
	_ =	sdelay $0x1  }
0x161: {  	v3 =	vor.u32 $0x27, v1;
	_ =	sdelay $0x3  }
0x162: {  	[tilespmem:s20+$0x14500] =	vst v2  }
0x163: {  	v2 =	vld.idx.msk [tilespmem:v3+s9+$0x0], $0xffff;
	_ =	sdelay $0x1  }
0x164: {  	v3 =	vor.u32 $0x28, v1;
	_ =	sdelay $0x3  }
0x165: {  	[tilespmem:s20+$0x14580] =	vst v2  }
0x166: {  	v2 =	vld.idx.msk [tilespmem:v3+s9+$0x0], $0xffff;
	_ =	sdelay $0x1  }
0x167: {  	v3 =	vor.u32 $0x29, v1;
	_ =	sdelay $0x3  }
0x168: {  	[tilespmem:s20+$0x15200] =	vst v2  }
0x169: {  	v2 =	vld.idx.msk [tilespmem:v3+s9+$0x0], $0xffff;
	_ =	sdelay $0x1  }
0x16a: {  	v3 =	vor.u32 $0x2A, v1;
	_ =	sdelay $0x3  }
0x16b: {  	[tilespmem:s20+$0x15280] =	vst v2  }
0x16c: {  	v2 =	vld.idx.msk [tilespmem:v3+s9+$0x0], $0xffff;
	_ =	sdelay $0x1  }
0x16d: {  	v3 =	vor.u32 $0x2B, v1;
	_ =	sdelay $0x3  }
0x16e: {  	[tilespmem:s20+$0x15300] =	vst v2  }
0x16f: {  	v2 =	vld.idx.msk [tilespmem:v3+s9+$0x0], $0xffff;
	_ =	sdelay $0x1  }
0x170: {  	v3 =	vor.u32 $0x2C, v1;
	_ =	sdelay $0x3  }
0x171: {  	[tilespmem:s20+$0x15380] =	vst v2  }
0x172: {  	v2 =	vld.idx.msk [tilespmem:v3+s9+$0x0], $0xffff;
	_ =	sdelay $0x1  }
0x173: {  	v3 =	vor.u32 $0x2D, v1;
	_ =	sdelay $0x3  }
0x174: {  	[tilespmem:s20+$0x15400] =	vst v2  }
0x175: {  	v2 =	vld.idx.msk [tilespmem:v3+s9+$0x0], $0xffff;
	_ =	sdelay $0x1  }
0x176: {  	v3 =	vor.u32 $0x2E, v1;
	_ =	sdelay $0x3  }
0x177: {  	[tilespmem:s20+$0x15480] =	vst v2  }
0x178: {  	v2 =	vld.idx.msk [tilespmem:v3+s9+$0x0], $0xffff;
	_ =	sdelay $0x1  }
0x179: {  	v3 =	vor.u32 $0x2F, v1;
	_ =	sdelay $0x3  }
0x17a: {  	[tilespmem:s20+$0x15500] =	vst v2  }
0x17b: {  	v2 =	vld.idx.msk [tilespmem:v3+s9+$0x0], $0xffff;
	_ =	sdelay $0x1  }
0x17c: {  	v3 =	vor.u32 $0x30, v1;
	_ =	sdelay $0x3  }
0x17d: {  	[tilespmem:s20+$0x15580] =	vst v2  }
0x17e: {  	v2 =	vld.idx.msk [tilespmem:v3+s9+$0x0], $0xffff;
	_ =	sdelay $0x1  }
0x17f: {  	v3 =	vor.u32 $0x31, v1;
	_ =	sdelay $0x3  }
0x180: {  	[tilespmem:s20+$0x16200] =	vst v2  }
0x181: {  	v2 =	vld.idx.msk [tilespmem:v3+s9+$0x0], $0xffff;
	_ =	sdelay $0x1  }
0x182: {  	v3 =	vor.u32 $0x32, v1;
	_ =	sdelay $0x3  }
0x183: {  	[tilespmem:s20+$0x16280] =	vst v2  }
0x184: {  	v2 =	vld.idx.msk [tilespmem:v3+s9+$0x0], $0xffff;
	_ =	sdelay $0x1  }
0x185: {  	v3 =	vor.u32 $0x33, v1;
	_ =	sdelay $0x3  }
0x186: {  	[tilespmem:s20+$0x16300] =	vst v2  }
0x187: {  	v2 =	vld.idx.msk [tilespmem:v3+s9+$0x0], $0xffff;
	_ =	sdelay $0x1  }
0x188: {  	v3 =	vor.u32 $0x34, v1;
	_ =	sdelay $0x3  }
0x189: {  	[tilespmem:s20+$0x16380] =	vst v2  }
0x18a: {  	v2 =	vld.idx.msk [tilespmem:v3+s9+$0x0], $0xffff;
	_ =	sdelay $0x1  }
0x18b: {  	v3 =	vor.u32 $0x35, v1;
	_ =	sdelay $0x3  }
0x18c: {  	[tilespmem:s20+$0x16400] =	vst v2  }
0x18d: {  	v2 =	vld.idx.msk [tilespmem:v3+s9+$0x0], $0xffff;
	_ =	sdelay $0x1  }
0x18e: {  	v3 =	vor.u32 $0x36, v1;
	_ =	sdelay $0x3  }
0x18f: {  	[tilespmem:s20+$0x16480] =	vst v2  }
0x190: {  	v2 =	vld.idx.msk [tilespmem:v3+s9+$0x0], $0xffff;
	_ =	sdelay $0x1  }
0x191: {  	v3 =	vor.u32 $0x37, v1;
	_ =	sdelay $0x3  }
0x192: {  	[tilespmem:s20+$0x16500] =	vst v2  }
0x193: {  	v2 =	vld.idx.msk [tilespmem:v3+s9+$0x0], $0xffff;
	_ =	sdelay $0x1  }
0x194: {  	v3 =	vor.u32 $0x38, v1;
	_ =	sdelay $0x3  }
0x195: {  	[tilespmem:s20+$0x16580] =	vst v2  }
0x196: {  	v2 =	vld.idx.msk [tilespmem:v3+s9+$0x0], $0xffff;
	_ =	sdelay $0x1  }
0x197: {  	v3 =	vor.u32 $0x39, v1;
	_ =	sdelay $0x3  }
0x198: {  	[tilespmem:s20+$0x17200] =	vst v2  }
0x199: {  	v2 =	vld.idx.msk [tilespmem:v3+s9+$0x0], $0xffff;
	_ =	sdelay $0x1  }
0x19a: {  	v3 =	vor.u32 $0x3A, v1;
	_ =	sdelay $0x3  }
0x19b: {  	[tilespmem:s20+$0x17280] =	vst v2  }
0x19c: {  	v2 =	vld.idx.msk [tilespmem:v3+s9+$0x0], $0xffff;
	_ =	sdelay $0x1  }
0x19d: {  	v3 =	vor.u32 $0x3B, v1;
	_ =	sdelay $0x3  }
0x19e: {  	[tilespmem:s20+$0x17300] =	vst v2  }
0x19f: {  	v2 =	vld.idx.msk [tilespmem:v3+s9+$0x0], $0xffff;
	_ =	sdelay $0x1  }
0x1a0: {  	v3 =	vor.u32 $0x3C, v1;
	_ =	sdelay $0x3  }
0x1a1: {  	[tilespmem:s20+$0x17380] =	vst v2  }
0x1a2: {  	v2 =	vld.idx.msk [tilespmem:v3+s9+$0x0], $0xffff;
	_ =	sdelay $0x1  }
0x1a3: {  	v3 =	vor.u32 $0x3D, v1;
	_ =	sdelay $0x3  }
0x1a4: {  	[tilespmem:s20+$0x17400] =	vst v2  }
0x1a5: {  	v2 =	vld.idx.msk [tilespmem:v3+s9+$0x0], $0xffff;
	_ =	sdelay $0x1  }
0x1a6: {  	v3 =	vor.u32 $0x3E, v1;
	_ =	sdelay $0x3  }
0x1a7: {  	[tilespmem:s20+$0x17480] =	vst v2  }
0x1a8: {  	v2 =	vld.idx.msk [tilespmem:v3+s9+$0x0], $0xffff;
	_ =	sdelay $0x1  }
0x1a9: {  	v3 =	vor.u32 $0x3F, v1  }
.Ltmp0:
0x1aa: {  	(pc) =	sbr.rel @p0 .LBB2_2-.Ltmp0, $3  }
0x1ab: {  	_ =	sdelay $0x1  }
0x1ac: {  	[tilespmem:s20+$0x17500] =	vst v2  }
0x1ad: {  	s23 =	sadd.s32 $0x10, s23;
	v1 =	vmov s21;
	v2 =	vld.idx.msk [tilespmem:v3+s9+$0x0], $0xffff  }
0x1ae: {  	v1 =	vshll.u32 v1, $0x7  }
0x1af: {  	v1 =	vor.u32 v0, v1;
	_ =	sdelay $0x3  }
0x1b0: {  	[tilespmem:s20+$0x17580] =	vst v2  }
0x1b1: {  	v2 =	vld.idx.msk [tilespmem:v1+s9+$0x0], $0xffff  }
0x1b2: {  	v3 =	vor.u32 $0x1, v1  }
0x1b3: {  	s22 =	sadd.s32 $0x80, s22  }
0x1b4: {  	s30 =	sand.u32 $0x70, s21;
	s23 =	sand.u32 $0xC00, s22  }
0x1b5: {  	s20 =	sor.u32 s30, s23  }
0x1b6: {  	[tilespmem:s20+$0x10200] =	vst v2  }
0x1b7: {  	v2 =	vld.idx.msk [tilespmem:v3+s9+$0x0], $0xffff  }
0x1b8: {  	v3 =	vor.u32 $0x2, v1;
	_ =	sdelay $0x3  }
0x1b9: {  	[tilespmem:s20+$0x10280] =	vst v2  }
0x1ba: {  	v2 =	vld.idx.msk [tilespmem:v3+s9+$0x0], $0xffff  }
0x1bb: {  	v3 =	vor.u32 $0x3, v1;
	_ =	sdelay $0x3  }
0x1bc: {  	[tilespmem:s20+$0x10300] =	vst v2  }
0x1bd: {  	v2 =	vld.idx.msk [tilespmem:v3+s9+$0x0], $0xffff  }
0x1be: {  	v3 =	vor.u32 $0x4, v1;
	_ =	sdelay $0x3  }
0x1bf: {  	[tilespmem:s20+$0x10380] =	vst v2  }
0x1c0: {  	v2 =	vld.idx.msk [tilespmem:v3+s9+$0x0], $0xffff  }
0x1c1: {  	v3 =	vor.u32 $0x5, v1;
	_ =	sdelay $0x3  }
0x1c2: {  	[tilespmem:s20+$0x10400] =	vst v2  }
0x1c3: {  	v2 =	vld.idx.msk [tilespmem:v3+s9+$0x0], $0xffff  }
0x1c4: {  	v3 =	vor.u32 $0x6, v1;
	_ =	sdelay $0x3  }
0x1c5: {  	[tilespmem:s20+$0x10480] =	vst v2  }
0x1c6: {  	v2 =	vld.idx.msk [tilespmem:v3+s9+$0x0], $0xffff  }
0x1c7: {  	v3 =	vor.u32 $0x7, v1;
	_ =	sdelay $0x3  }
0x1c8: {  	[tilespmem:s20+$0x10500] =	vst v2  }
0x1c9: {  	v2 =	vld.idx.msk [tilespmem:v3+s9+$0x0], $0xffff  }
0x1ca: {  	v3 =	vor.u32 $0x8, v1;
	_ =	sdelay $0x1  }
0x1cb: {  	s31 =	sor.u32 s22, s21  }
0x1cc: {  	s21 =	sor.u32 $0x380, s31  }
0x1cd: {  	[tilespmem:s21+$0x10200] =	vst v2  }
0x1ce: {  	v2 =	vld.idx.msk [tilespmem:v3+s9+$0x0], $0xffff  }
0x1cf: {  	v3 =	vor.u32 $0x9, v1;
	_ =	sdelay $0x3  }
0x1d0: {  	[tilespmem:s20+$0x11200] =	vst v2  }
0x1d1: {  	v2 =	vld.idx.msk [tilespmem:v3+s9+$0x0], $0xffff  }
0x1d2: {  	v3 =	vor.u32 $0xA, v1;
	_ =	sdelay $0x3  }
0x1d3: {  	[tilespmem:s20+$0x11280] =	vst v2  }
0x1d4: {  	v2 =	vld.idx.msk [tilespmem:v3+s9+$0x0], $0xffff  }
0x1d5: {  	v3 =	vor.u32 $0xB, v1;
	_ =	sdelay $0x3  }
0x1d6: {  	[tilespmem:s20+$0x11300] =	vst v2  }
0x1d7: {  	v2 =	vld.idx.msk [tilespmem:v3+s9+$0x0], $0xffff  }
0x1d8: {  	v3 =	vor.u32 $0xC, v1;
	_ =	sdelay $0x3  }
0x1d9: {  	[tilespmem:s20+$0x11380] =	vst v2  }
0x1da: {  	v2 =	vld.idx.msk [tilespmem:v3+s9+$0x0], $0xffff  }
0x1db: {  	v3 =	vor.u32 $0xD, v1;
	_ =	sdelay $0x3  }
0x1dc: {  	[tilespmem:s20+$0x11400] =	vst v2  }
0x1dd: {  	v2 =	vld.idx.msk [tilespmem:v3+s9+$0x0], $0xffff  }
0x1de: {  	v3 =	vor.u32 $0xE, v1;
	_ =	sdelay $0x3  }
0x1df: {  	[tilespmem:s20+$0x11480] =	vst v2  }
0x1e0: {  	v2 =	vld.idx.msk [tilespmem:v3+s9+$0x0], $0xffff  }
0x1e1: {  	v3 =	vor.u32 $0xF, v1;
	_ =	sdelay $0x3  }
0x1e2: {  	[tilespmem:s20+$0x11500] =	vst v2  }
0x1e3: {  	v2 =	vld.idx.msk [tilespmem:v3+s9+$0x0], $0xffff  }
0x1e4: {  	v3 =	vor.u32 $0x10, v1;
	_ =	sdelay $0x3  }
0x1e5: {  	[tilespmem:s20+$0x11580] =	vst v2  }
0x1e6: {  	v2 =	vld.idx.msk [tilespmem:v3+s9+$0x0], $0xffff  }
0x1e7: {  	v3 =	vor.u32 $0x11, v1;
	_ =	sdelay $0x3  }
0x1e8: {  	[tilespmem:s20+$0x12200] =	vst v2  }
0x1e9: {  	v2 =	vld.idx.msk [tilespmem:v3+s9+$0x0], $0xffff  }
0x1ea: {  	v3 =	vor.u32 $0x12, v1;
	_ =	sdelay $0x3  }
0x1eb: {  	[tilespmem:s20+$0x12280] =	vst v2  }
0x1ec: {  	v2 =	vld.idx.msk [tilespmem:v3+s9+$0x0], $0xffff  }
0x1ed: {  	v3 =	vor.u32 $0x13, v1;
	_ =	sdelay $0x3  }
0x1ee: {  	[tilespmem:s20+$0x12300] =	vst v2  }
0x1ef: {  	v2 =	vld.idx.msk [tilespmem:v3+s9+$0x0], $0xffff  }
0x1f0: {  	v3 =	vor.u32 $0x14, v1;
	_ =	sdelay $0x3  }
0x1f1: {  	[tilespmem:s20+$0x12380] =	vst v2  }
0x1f2: {  	v2 =	vld.idx.msk [tilespmem:v3+s9+$0x0], $0xffff  }
0x1f3: {  	v3 =	vor.u32 $0x15, v1;
	_ =	sdelay $0x3  }
0x1f4: {  	[tilespmem:s20+$0x12400] =	vst v2  }
0x1f5: {  	v2 =	vld.idx.msk [tilespmem:v3+s9+$0x0], $0xffff  }
0x1f6: {  	v3 =	vor.u32 $0x16, v1;
	_ =	sdelay $0x3  }
0x1f7: {  	[tilespmem:s20+$0x12480] =	vst v2  }
0x1f8: {  	v2 =	vld.idx.msk [tilespmem:v3+s9+$0x0], $0xffff  }
0x1f9: {  	v3 =	vor.u32 $0x17, v1;
	_ =	sdelay $0x3  }
0x1fa: {  	[tilespmem:s20+$0x12500] =	vst v2  }
0x1fb: {  	v2 =	vld.idx.msk [tilespmem:v3+s9+$0x0], $0xffff  }
0x1fc: {  	v3 =	vor.u32 $0x18, v1;
	_ =	sdelay $0x3  }
0x1fd: {  	[tilespmem:s20+$0x12580] =	vst v2  }
0x1fe: {  	v2 =	vld.idx.msk [tilespmem:v3+s9+$0x0], $0xffff  }
0x1ff: {  	v3 =	vor.u32 $0x19, v1;
	_ =	sdelay $0x3  }
0x200: {  	[tilespmem:s20+$0x13200] =	vst v2  }
0x201: {  	v2 =	vld.idx.msk [tilespmem:v3+s9+$0x0], $0xffff  }
0x202: {  	v3 =	vor.u32 $0x1A, v1;
	_ =	sdelay $0x3  }
0x203: {  	[tilespmem:s20+$0x13280] =	vst v2  }
0x204: {  	v2 =	vld.idx.msk [tilespmem:v3+s9+$0x0], $0xffff  }
0x205: {  	v3 =	vor.u32 $0x1B, v1;
	_ =	sdelay $0x3  }
0x206: {  	[tilespmem:s20+$0x13300] =	vst v2  }
0x207: {  	v2 =	vld.idx.msk [tilespmem:v3+s9+$0x0], $0xffff  }
0x208: {  	v3 =	vor.u32 $0x1C, v1;
	_ =	sdelay $0x3  }
0x209: {  	[tilespmem:s20+$0x13380] =	vst v2  }
0x20a: {  	v2 =	vld.idx.msk [tilespmem:v3+s9+$0x0], $0xffff  }
0x20b: {  	v3 =	vor.u32 $0x1D, v1;
	_ =	sdelay $0x3  }
0x20c: {  	[tilespmem:s20+$0x13400] =	vst v2  }
0x20d: {  	v2 =	vld.idx.msk [tilespmem:v3+s9+$0x0], $0xffff  }
0x20e: {  	v3 =	vor.u32 $0x1E, v1;
	_ =	sdelay $0x3  }
0x20f: {  	[tilespmem:s20+$0x13480] =	vst v2  }
0x210: {  	v2 =	vld.idx.msk [tilespmem:v3+s9+$0x0], $0xffff  }
0x211: {  	v3 =	vor.u32 $0x1F, v1;
	_ =	sdelay $0x3  }
0x212: {  	[tilespmem:s20+$0x13500] =	vst v2  }
0x213: {  	v2 =	vld.idx.msk [tilespmem:v3+s9+$0x0], $0xffff  }
0x214: {  	v3 =	vor.u32 $0x20, v1;
	_ =	sdelay $0x3  }
0x215: {  	[tilespmem:s20+$0x13580] =	vst v2  }
0x216: {  	v2 =	vld.idx.msk [tilespmem:v3+s9+$0x0], $0xffff  }
0x217: {  	v3 =	vor.u32 $0x21, v1;
	_ =	sdelay $0x3  }
0x218: {  	[tilespmem:s20+$0x14200] =	vst v2  }
0x219: {  	v2 =	vld.idx.msk [tilespmem:v3+s9+$0x0], $0xffff  }
0x21a: {  	v3 =	vor.u32 $0x22, v1;
	_ =	sdelay $0x3  }
0x21b: {  	[tilespmem:s20+$0x14280] =	vst v2  }
0x21c: {  	v2 =	vld.idx.msk [tilespmem:v3+s9+$0x0], $0xffff  }
0x21d: {  	v3 =	vor.u32 $0x23, v1;
	_ =	sdelay $0x3  }
0x21e: {  	[tilespmem:s20+$0x14300] =	vst v2  }
0x21f: {  	v2 =	vld.idx.msk [tilespmem:v3+s9+$0x0], $0xffff  }
0x220: {  	v3 =	vor.u32 $0x24, v1;
	_ =	sdelay $0x3  }
0x221: {  	[tilespmem:s20+$0x14380] =	vst v2  }
0x222: {  	v2 =	vld.idx.msk [tilespmem:v3+s9+$0x0], $0xffff  }
0x223: {  	v3 =	vor.u32 $0x25, v1;
	_ =	sdelay $0x3  }
0x224: {  	[tilespmem:s20+$0x14400] =	vst v2  }
0x225: {  	v2 =	vld.idx.msk [tilespmem:v3+s9+$0x0], $0xffff  }
0x226: {  	v3 =	vor.u32 $0x26, v1;
	_ =	sdelay $0x3  }
0x227: {  	[tilespmem:s20+$0x14480] =	vst v2  }
0x228: {  	v2 =	vld.idx.msk [tilespmem:v3+s9+$0x0], $0xffff  }
0x229: {  	v3 =	vor.u32 $0x27, v1;
	_ =	sdelay $0x3  }
0x22a: {  	[tilespmem:s20+$0x14500] =	vst v2  }
0x22b: {  	v2 =	vld.idx.msk [tilespmem:v3+s9+$0x0], $0xffff  }
0x22c: {  	v3 =	vor.u32 $0x28, v1;
	_ =	sdelay $0x3  }
0x22d: {  	[tilespmem:s20+$0x14580] =	vst v2  }
0x22e: {  	v2 =	vld.idx.msk [tilespmem:v3+s9+$0x0], $0xffff  }
0x22f: {  	v3 =	vor.u32 $0x29, v1;
	_ =	sdelay $0x3  }
0x230: {  	[tilespmem:s20+$0x15200] =	vst v2  }
0x231: {  	v2 =	vld.idx.msk [tilespmem:v3+s9+$0x0], $0xffff  }
0x232: {  	v3 =	vor.u32 $0x2A, v1;
	_ =	sdelay $0x3  }
0x233: {  	[tilespmem:s20+$0x15280] =	vst v2  }
0x234: {  	v2 =	vld.idx.msk [tilespmem:v3+s9+$0x0], $0xffff  }
0x235: {  	v3 =	vor.u32 $0x2B, v1;
	_ =	sdelay $0x3  }
0x236: {  	[tilespmem:s20+$0x15300] =	vst v2  }
0x237: {  	v2 =	vld.idx.msk [tilespmem:v3+s9+$0x0], $0xffff  }
0x238: {  	v3 =	vor.u32 $0x2C, v1;
	_ =	sdelay $0x3  }
0x239: {  	[tilespmem:s20+$0x15380] =	vst v2  }
0x23a: {  	v2 =	vld.idx.msk [tilespmem:v3+s9+$0x0], $0xffff  }
0x23b: {  	v3 =	vor.u32 $0x2D, v1;
	_ =	sdelay $0x3  }
0x23c: {  	[tilespmem:s20+$0x15400] =	vst v2  }
0x23d: {  	v2 =	vld.idx.msk [tilespmem:v3+s9+$0x0], $0xffff  }
0x23e: {  	v3 =	vor.u32 $0x2E, v1;
	_ =	sdelay $0x3  }
0x23f: {  	[tilespmem:s20+$0x15480] =	vst v2  }
0x240: {  	v2 =	vld.idx.msk [tilespmem:v3+s9+$0x0], $0xffff  }
0x241: {  	v3 =	vor.u32 $0x2F, v1;
	_ =	sdelay $0x3  }
0x242: {  	[tilespmem:s20+$0x15500] =	vst v2  }
0x243: {  	v2 =	vld.idx.msk [tilespmem:v3+s9+$0x0], $0xffff  }
0x244: {  	v3 =	vor.u32 $0x30, v1;
	_ =	sdelay $0x3  }
0x245: {  	[tilespmem:s20+$0x15580] =	vst v2  }
0x246: {  	v2 =	vld.idx.msk [tilespmem:v3+s9+$0x0], $0xffff  }
0x247: {  	v3 =	vor.u32 $0x31, v1;
	_ =	sdelay $0x3  }
0x248: {  	[tilespmem:s20+$0x16200] =	vst v2  }
0x249: {  	v2 =	vld.idx.msk [tilespmem:v3+s9+$0x0], $0xffff  }
0x24a: {  	v3 =	vor.u32 $0x32, v1;
	_ =	sdelay $0x3  }
0x24b: {  	[tilespmem:s20+$0x16280] =	vst v2  }
0x24c: {  	v2 =	vld.idx.msk [tilespmem:v3+s9+$0x0], $0xffff  }
0x24d: {  	v3 =	vor.u32 $0x33, v1;
	_ =	sdelay $0x3  }
0x24e: {  	[tilespmem:s20+$0x16300] =	vst v2  }
0x24f: {  	v2 =	vld.idx.msk [tilespmem:v3+s9+$0x0], $0xffff  }
0x250: {  	v3 =	vor.u32 $0x34, v1;
	_ =	sdelay $0x3  }
0x251: {  	[tilespmem:s20+$0x16380] =	vst v2  }
0x252: {  	v2 =	vld.idx.msk [tilespmem:v3+s9+$0x0], $0xffff  }
0x253: {  	v3 =	vor.u32 $0x35, v1;
	_ =	sdelay $0x3  }
0x254: {  	[tilespmem:s20+$0x16400] =	vst v2  }
0x255: {  	v2 =	vld.idx.msk [tilespmem:v3+s9+$0x0], $0xffff  }
0x256: {  	v3 =	vor.u32 $0x36, v1;
	_ =	sdelay $0x3  }
0x257: {  	[tilespmem:s20+$0x16480] =	vst v2  }
0x258: {  	v2 =	vld.idx.msk [tilespmem:v3+s9+$0x0], $0xffff  }
0x259: {  	v3 =	vor.u32 $0x37, v1;
	_ =	sdelay $0x3  }
0x25a: {  	[tilespmem:s20+$0x16500] =	vst v2  }
0x25b: {  	v2 =	vld.idx.msk [tilespmem:v3+s9+$0x0], $0xffff  }
0x25c: {  	v3 =	vor.u32 $0x38, v1;
	_ =	sdelay $0x3  }
0x25d: {  	[tilespmem:s20+$0x16580] =	vst v2  }
0x25e: {  	v2 =	vld.idx.msk [tilespmem:v3+s9+$0x0], $0xffff  }
0x25f: {  	v3 =	vor.u32 $0x39, v1;
	_ =	sdelay $0x3  }
0x260: {  	[tilespmem:s20+$0x17200] =	vst v2  }
0x261: {  	v2 =	vld.idx.msk [tilespmem:v3+s9+$0x0], $0xffff  }
0x262: {  	v3 =	vor.u32 $0x3A, v1;
	_ =	sdelay $0x3  }
0x263: {  	[tilespmem:s20+$0x17280] =	vst v2  }
0x264: {  	v2 =	vld.idx.msk [tilespmem:v3+s9+$0x0], $0xffff  }
0x265: {  	v3 =	vor.u32 $0x3B, v1;
	_ =	sdelay $0x3  }
0x266: {  	[tilespmem:s20+$0x17300] =	vst v2  }
0x267: {  	v2 =	vld.idx.msk [tilespmem:v3+s9+$0x0], $0xffff  }
0x268: {  	v3 =	vor.u32 $0x3C, v1;
	_ =	sdelay $0x3  }
0x269: {  	[tilespmem:s20+$0x17380] =	vst v2  }
0x26a: {  	v2 =	vld.idx.msk [tilespmem:v3+s9+$0x0], $0xffff  }
0x26b: {  	v3 =	vor.u32 $0x3D, v1;
	_ =	sdelay $0x3  }
0x26c: {  	[tilespmem:s20+$0x17400] =	vst v2  }
0x26d: {  	v2 =	vld.idx.msk [tilespmem:v3+s9+$0x0], $0xffff  }
0x26e: {  	v3 =	vor.u32 $0x3E, v1;
	_ =	sdelay $0x3  }
0x26f: {  	[tilespmem:s20+$0x17480] =	vst v2  }
0x270: {  	v2 =	vld.idx.msk [tilespmem:v3+s9+$0x0], $0xffff  }
0x271: {  	v1 =	vor.u32 $0x3F, v1;
	_ =	sdelay $0x3  }
0x272: {  	[tilespmem:s20+$0x17500] =	vst v2  }
0x273: {  	v1 =	vld.idx.msk [tilespmem:v1+s9+$0x0], $0xffff;
	_ =	sdelay $0x2  }
0x274: {  	s19 =	sadd.s32 $0x1, s19  }
0x275: {  	p0 =	sne.s32 s19, s6  }
.Ltmp1:
0x276: {  	[tilespmem:s20+$0x17580] =	vst v1;
	(pc) =	sbr.rel @p0 .LBB2_1-.Ltmp1, $4  }
0x277: {  	[hbm4b:s5+s16] =	stream.strided.scatter [tilespmem:s18], [sflag:$0x2], $0x8000, s17, s16, $0x38;
	[tilespmem:$0x18200] =	vst v63  }
0x278: {  	_ =	swait.ge [sflag:s7], $0x8000  }
0x279: {  	[sflag:s7] =	ssyncset.done $0x0  }
0x27a: {  	[sflag:s7] =	ssyncadd.s32 $0xFFFF8000  }
0x27b: {  	_ =	sfence.sel $0x180000  }
0x27c: {  	[bflag:$0x0] =	sbarrier.arrive $0xFFFF  }
0x27d: {  	p0 =	sne.s32 s0, $0x0;
	_ =	strace $0x9000004D  }
0x27e: {  	s0 =	sadd.s32 @!p0 $0x100000, s1;
	[bflag:$0x2] =	sbarrier.arrive $0xFFFF  }
0x27f: {  	[sflag:s0] =	ssyncadd.tile.s32 @!p0 $0x1;
	_ =	shalt  }
.Lfunc_end2:
_tile_overlayer_lowered:
.L_overlay_start_2:
0x280: {  	(tag) =	ssettag $0x2  }
0x281: {  	s0 =	rddreg [dreg:$0x0];
	s2 =	stileid.u32  }
0x282: {  	s1 =	rddreg [dreg:$0x1];
	p0 =	sne.s32 s2, $0x0  }
0x283: {  	s3 =	rddreg [dreg:$0x2];
	[bflag:$0x3] =	sbarrier.arrive $0xFFFF;
	s2 =	simm.s32 @!p0 $0x1C02  }
0x284: {  	[timem:s3], [sflag:s2] =	dma.local @!p0 [hbm:s0], s1  }
0x285: {  	s0 =	simm.s32 @!p0 $0x2  }
0x286: {  	_ =	swait.ge @!p0 [sflag:s0], s1  }
0x287: {  	s1 =	ssub.s32 @!p0 $0x0, s1;
	[sflag:s0] =	ssyncset.done @!p0 $0x0  }
0x288: {  	[sflag:s0] =	ssyncadd.s32 @!p0 s1  }
0x289: {  	[bflag:$0x3] =	sbarrier.arrive $0xFFFF  }
0x28a: {  	_ =	shalt  }

</sc_bundles>
